<compile_context>
chip_gen: v7x
topology: tpu7x:2x2x1
jax: 0.10.2.dev20260603
libtpu: 0.0.44.dev20260713+nightly
codegen_flags: <defaults>
</compile_context>

<pallas_src>
import functools

import jax
import jax.numpy as jnp
from jax import lax
from jax.experimental import pallas as pl
from jax.experimental.pallas import tpu as pltpu
from jax.experimental.pallas import tpu_sc as plsc

Q = 4
MAX_ITER = 10
MEAN_DEGREE = 16.0

E = 1600000
N = 100000
NP = 100096
NPR = NP // 128
R_EDGE = E * Q // 128
BLK = 2000
EV_S = 50
EV_L = E // EV_S
EV_BL = 3200

NCORES = 2
NSUB = 16
CH = 10000
SCAT_PER_TILE = E // NSUB
SCAT_CHUNKS = SCAT_PER_TILE // CH
GATH_PER_TILE = E // (NCORES * NSUB)
GATH_CHUNKS = GATH_PER_TILE // CH
ZELEM = NP // NSUB
FSLICE = NP // 8

_f32 = jnp.float32
_smem_spec = pl.BlockSpec(memory_space=pltpu.SMEM)


def _lt_body(m_ref, c_ref, o_ref):
    o_ref[...] = jnp.log1p(c_ref[0, 0] * m_ref[...])


def _edge_body_mid(g_ref, a_ref, h_ref, c_ref, o_ref):
    hb = h_ref[...][:, 0:1, None]
    x = g_ref[...] - a_ref[...] - hb
    e = jnp.exp(x)
    w = e / jnp.sum(e, axis=0, keepdims=True)
    o_ref[...] = jnp.log1p(c_ref[0, 0] * w)


def _edge_body_last(g_ref, a_ref, h_ref, c_ref, o_ref):
    hb = h_ref[...][:, 0:1, None]
    x = g_ref[...] - a_ref[...] - hb
    e = jnp.exp(x)
    o_ref[...] = e / jnp.sum(e, axis=0, keepdims=True)


def _valid_mask(shape):
    row = lax.broadcasted_iota(jnp.int32, shape, 1)
    lane = lax.broadcasted_iota(jnp.int32, shape, 2)
    return jnp.logical_or(row < NPR - 1, lane < (128 - (NP - N)))


def _psi_core(f_ref, h_ref, coef_ref):
    hb = h_ref[...][:, 0:1, None]
    x = f_ref[...] - hb
    e = jnp.exp(x)
    psi = e / jnp.sum(e, axis=0, keepdims=True)
    psim = jnp.where(_valid_mask(psi.shape), psi, 0.0)
    t = jnp.sum(psim, axis=(1, 2), keepdims=True)
    hv = coef_ref[0, 0] * jnp.broadcast_to(t[:, :, 0], (Q, 1))
    return psi, jnp.broadcast_to(hv, (Q, 128))


def _psi_body_mid(f_ref, h_ref, coef_ref, ho_ref):
    _, ho_ref[...] = _psi_core(f_ref, h_ref, coef_ref)


def _psi_body_last(f_ref, h_ref, coef_ref, ho_ref, p_ref):
    p_ref[...], ho_ref[...] = _psi_core(f_ref, h_ref, coef_ref)


def _h0_body(p0_ref, coef_ref, ho_ref):
    t = jnp.sum(p0_ref[...], axis=0, keepdims=True)
    lane = lax.broadcasted_iota(jnp.int32, t.shape, 1)
    rows = [
        jnp.sum(jnp.where((lane & 3) == p, t, 0.0), axis=1, keepdims=True)
        for p in range(Q)
    ]
    hv = coef_ref[0, 0] * jnp.concatenate(rows, axis=0)
    ho_ref[...] = jnp.broadcast_to(hv, (Q, 128))


def _edge_call(body, g4, a4, hvec, c11):
    return pl.pallas_call(
        body,
        grid=(EV_L // EV_BL,),
        in_specs=[
            pl.BlockSpec((Q, EV_S, EV_BL), lambda i: (0, 0, i)),
            pl.BlockSpec((Q, EV_S, EV_BL), lambda i: (0, 0, i)),
            pl.BlockSpec((Q, 128), lambda i: (0, 0)),
            _smem_spec,
        ],
        out_specs=pl.BlockSpec((Q, EV_S, EV_BL), lambda i: (0, 0, i)),
        out_shape=jax.ShapeDtypeStruct((Q, EV_S, EV_L), _f32),
    )(g4, a4, hvec, c11)


def _psi_call_mid(fieldp, hvec, coef11):
    return pl.pallas_call(
        _psi_body_mid,
        grid=(1,),
        in_specs=[
            pl.BlockSpec((Q, NPR, 128), lambda i: (0, 0, 0)),
            pl.BlockSpec((Q, 128), lambda i: (0, 0)),
            _smem_spec,
        ],
        out_specs=pl.BlockSpec((Q, 128), lambda i: (0, 0)),
        out_shape=jax.ShapeDtypeStruct((Q, 128), _f32),
    )(fieldp, hvec, coef11)


def _psi_call_last(fieldp, hvec, coef11):
    return pl.pallas_call(
        _psi_body_last,
        grid=(1,),
        in_specs=[
            pl.BlockSpec((Q, NPR, 128), lambda i: (0, 0, 0)),
            pl.BlockSpec((Q, 128), lambda i: (0, 0)),
            _smem_spec,
        ],
        out_specs=[
            pl.BlockSpec((Q, 128), lambda i: (0, 0)),
            pl.BlockSpec((Q, NPR, 128), lambda i: (0, 0, 0)),
        ],
        out_shape=[
            jax.ShapeDtypeStruct((Q, 128), _f32),
            jax.ShapeDtypeStruct((Q, NPR, 128), _f32),
        ],
    )(fieldp, hvec, coef11)


def _sc_step_body(a_hbm, d_hbm, z_hbm, g_hbm, f_hbm,
                  idx_a, va0, va1, va2, va3,
                  idx_b, vb0, vb1, vb2, vb3,
                  fs0, fs1, fs2, fs3, lsa, ssa, lsb, ssb):
    cid = lax.axis_index("c")
    sid = lax.axis_index("s")
    wid = cid * NSUB + sid
    fsp = (fs0, fs1, fs2, fs3)
    sets = ((idx_a, (va0, va1, va2, va3), lsa, ssa),
            (idx_b, (vb0, vb1, vb2, vb3), lsb, ssb))

    zb = sid * ZELEM
    zcps = [
        pltpu.async_copy(z_hbm.at[pl.ds(zb, ZELEM)],
                         f.at[pl.ds(zb, ZELEM)], lsa)
        for f in fsp
    ]
    for c in zcps:
        c.wait()
    plsc.subcore_barrier()

    def fire_loads(i, s):
        idxb, vals, ls, _ = s
        base = sid * SCAT_PER_TILE + i * CH
        cps = [pltpu.async_copy(d_hbm.at[pl.ds(base, CH)], idxb, ls)]
        cps += [
            pltpu.async_copy(a_hbm.at[p, pl.ds(base, CH)], vals[p], ls)
            for p in range(Q)
        ]
        return cps

    def fire_scats(s):
        idxb, vals, _, ss = s
        return [
            pltpu.async_copy(vals[p], fsp[p].at[idxb], ss, add=True)
            for p in range(Q)
        ]

    pend_loads = {0: fire_loads(0, sets[0])}
    pend_scats = {}
    for i in range(SCAT_CHUNKS):
        if i - 1 >= 0:
            for c in pend_scats.pop(i - 1):
                c.wait()
        if i + 1 < SCAT_CHUNKS:
            pend_loads[i + 1] = fire_loads(i + 1, sets[(i + 1) % 2])
        for c in pend_loads.pop(i):
            c.wait()
        pend_scats[i] = fire_scats(sets[i % 2])
    for c in pend_scats.pop(SCAT_CHUNKS - 1):
        c.wait()

    plsc.subcore_barrier()

    fplane = wid // 8
    fslice = (wid % 8) * FSLICE
    for p in range(Q):
        @pl.when(fplane == p)
        def _fout(p=p):
            pltpu.sync_copy(fsp[p].at[pl.ds(fslice, FSLICE)],
                            f_hbm.at[fplane, pl.ds(fslice, FSLICE)])

    def gbase(i):
        return cid * (E // NCORES) + sid * GATH_PER_TILE + i * CH

    def fire_gidx(i, s):
        return [pltpu.async_copy(d_hbm.at[pl.ds(gbase(i), CH)], s[0], s[2])]

    pend_idx = {0: fire_gidx(0, sets[0])}
    pend_writes = {}
    for i in range(GATH_CHUNKS):
        s = sets[i % 2]
        idxb, vals, ls, ss = s
        if i - 1 >= 0:
            for c in pend_writes.pop(i - 1):
                c.wait()
        if i + 1 < GATH_CHUNKS:
            pend_idx[i + 1] = fire_gidx(i + 1, sets[(i + 1) % 2])
        for c in pend_idx.pop(i):
            c.wait()
        gcs = [pltpu.async_copy(fsp[p].at[idxb], vals[p], ss) for p in range(Q)]
        for c in gcs:
            c.wait()
        pend_writes[i] = [
            pltpu.async_copy(vals[p], g_hbm.at[p, pl.ds(gbase(i), CH)], ls)
            for p in range(Q)
        ]
    for c in pend_writes.pop(GATH_CHUNKS - 1):
        c.wait()


@jax.jit
def _sc_step(a4, d1, zeros):
    mesh = plsc.VectorSubcoreMesh(core_axis_name="c", subcore_axis_name="s")
    step = pl.kernel(
        _sc_step_body,
        out_type=[
            jax.ShapeDtypeStruct((Q, E), _f32),
            jax.ShapeDtypeStruct((Q, NP), _f32),
        ],
        mesh=mesh,
        scratch_types=(
            [pltpu.VMEM((CH,), jnp.int32)]
            + [pltpu.VMEM((CH,), _f32)] * 4
            + [pltpu.VMEM((CH,), jnp.int32)]
            + [pltpu.VMEM((CH,), _f32)] * 4
            + [pltpu.VMEM_SHARED((NP,), _f32)] * 4
            + [pltpu.SemaphoreType.DMA] * 4
        ),
        compiler_params=pltpu.CompilerParams(use_tc_tiling_on_sc=False),
    )
    return step(a4, d1, zeros)


def kernel(edge_index, message_map0, marginal_psi0, beta):
    src = edge_index[0].astype(jnp.int32)
    dst = edge_index[1].astype(jnp.int32)
    beta = beta.astype(_f32)
    c11 = jnp.expm1(beta).reshape(1, 1)
    coef11 = (beta * (MEAN_DEGREE / N)).reshape(1, 1)
    zeros = jnp.zeros((NP,), _f32)

    msg0p = message_map0.astype(_f32).T.reshape(R_EDGE, 128)
    psi0_f = marginal_psi0.astype(_f32).reshape(N * Q // 128, 128)

    a = pl.pallas_call(
        _lt_body,
        grid=(R_EDGE // BLK,),
        in_specs=[pl.BlockSpec((BLK, 128), lambda i: (i, 0)), _smem_spec],
        out_specs=pl.BlockSpec((BLK, 128), lambda i: (i, 0)),
        out_shape=jax.ShapeDtypeStruct((R_EDGE, 128), _f32),
    )(msg0p, c11)

    hvec = pl.pallas_call(
        _h0_body,
        grid=(1,),
        in_specs=[pl.BlockSpec((N * Q // 128, 128), lambda i: (0, 0)), _smem_spec],
        out_specs=pl.BlockSpec((Q, 128), lambda i: (0, 0)),
        out_shape=jax.ShapeDtypeStruct((Q, 128), _f32),
    )(psi0_f, coef11)

    w = psip = None
    for k in range(MAX_ITER):
        d1 = dst if k % 2 == 0 else src
        g4, fieldp = _sc_step(a.reshape(Q, E), d1, zeros)
        gv = g4.reshape(Q, EV_S, EV_L)
        av = a.reshape(Q, EV_S, EV_L)
        fv = fieldp.reshape(Q, NPR, 128)
        if k < MAX_ITER - 1:
            a_new = _edge_call(_edge_body_mid, gv, av, hvec, c11)
            hvec = _psi_call_mid(fv, hvec, coef11)
            a = a_new.reshape(R_EDGE, 128)
        else:
            w = _edge_call(_edge_body_last, gv, av, hvec, c11)
            _, psip = _psi_call_last(fv, hvec, coef11)

    msg = w.reshape(Q, E).T
    psi = psip.reshape(Q, NP)[:, :N].T
    return msg, psi

# --- scband reference (transcript-rebuilt; emitter-appended) ---
"""Pipeline reference for scband-bp-35132832481311 (READ-ONLY COPY).

The authoritative reference and input builder live on the scoring server;
editing this copy changes nothing except your own understanding.
"""

import jax, jax.numpy as jnp
import numpy as np

NUM_GROUPS = 4
MAX_NUM_ITER = 10
DAMPING = 1.0
MEAN_DEGREE = 16.0
N_NODES = 100000
N_EDGES = 1600000


def setup_inputs(seed: int = 0) -> dict:
    key = jax.random.key(seed)
    k1, k2, k3, k4 = jax.random.split(key, 4)
    Eh = N_EDGES // 2
    # Build paired directed edges so that reverse of edge e is edge e ^ 1
    u = jax.random.randint(k1, (Eh,), 0, N_NODES)
    v = jax.random.randint(k2, (Eh,), 0, N_NODES)
    src = jnp.stack([u, v], axis=1).reshape(-1)
    dst = jnp.stack([v, u], axis=1).reshape(-1)
    edge_index = jnp.stack([src, dst]).astype(jnp.int64)
    # Initial BP messages (one per directed edge) and marginals, normalized
    msg0 = jax.random.uniform(k3, (N_EDGES, NUM_GROUPS), minval=0.1, maxval=1.0)
    msg0 = msg0 / msg0.sum(axis=-1, keepdims=True)
    psi0 = jax.random.uniform(k4, (N_NODES, NUM_GROUPS), minval=0.1, maxval=1.0)
    psi0 = psi0 / psi0.sum(axis=-1, keepdims=True)
    # beta initialized from mean degree as in the torch module __init__
    beta = jnp.asarray(np.log(NUM_GROUPS / (np.sqrt(MEAN_DEGREE) - 1.0) + 1.0), dtype=jnp.float32)
    return {"edge_index": edge_index, "message_map0": msg0, "marginal_psi0": psi0, "beta": beta}


def reference(edge_index, message_map0, marginal_psi0, beta):
    src = edge_index[0]
    dst = edge_index[1]
    E = message_map0.shape[0]
    N = marginal_psi0.shape[0]
    rev = jnp.arange(E) ^ 1  # reverse-edge lookup (edges stored in (i->j, j->i) pairs)
    msg = message_map0
    psi = marginal_psi0
    for _ in range(MAX_NUM_ITER):
        # external field from current marginals (SBM BP auxiliary field)
        h = (beta * MEAN_DEGREE / N) * jnp.sum(psi, axis=0)  # [q]
        # per-edge log cavity term: log(1 + (e^beta - 1) * psi_{k->i})
        log_term = jnp.log1p(jnp.expm1(beta) * msg)  # [E, q]
        # aggregate incoming log-terms at each node (scatter-add over dst)
        field = jax.ops.segment_sum(log_term, dst, num_segments=N)  # [N, q]
        # cavity message i->j: exclude the contribution coming back from j->i
        logits = field[src] - log_term[rev] - h  # [E, q]
        new_msg = jax.nn.softmax(logits, axis=-1)
        msg = DAMPING * new_msg + (1.0 - DAMPING) * msg
        psi = jax.nn.softmax(field - h, axis=-1)
    return msg, psi

if __name__ == "__main__":
    import jax
    _d = setup_inputs()
    print(jax.jit(kernel)(*tuple(_d.values())))

</pallas_src>

<mosaic_0001>
#map = affine_map<(d0, d1) -> (0, 0)>
#map1 = affine_map<(d0, d1) -> (0)>
module attributes {stable_mosaic.version = 14 : i64} {
  func.func @_sc_step_body(%arg0: i32, %arg1: i32, %arg2: memref<4x1600000xf32, #tpu.memory_space<hbm>>, %arg3: memref<1600000xi32, #tpu.memory_space<hbm>>, %arg4: memref<100096xf32, #tpu.memory_space<hbm>>, %arg5: memref<4x1600000xf32, #tpu.memory_space<hbm>>, %arg6: memref<4x100096xf32, #tpu.memory_space<hbm>>, %arg7: memref<10000xi32, #tpu.memory_space<vmem>>, %arg8: memref<10000xf32, #tpu.memory_space<vmem>>, %arg9: memref<10000xf32, #tpu.memory_space<vmem>>, %arg10: memref<10000xf32, #tpu.memory_space<vmem>>, %arg11: memref<10000xf32, #tpu.memory_space<vmem>>, %arg12: memref<10000xi32, #tpu.memory_space<vmem>>, %arg13: memref<10000xf32, #tpu.memory_space<vmem>>, %arg14: memref<10000xf32, #tpu.memory_space<vmem>>, %arg15: memref<10000xf32, #tpu.memory_space<vmem>>, %arg16: memref<10000xf32, #tpu.memory_space<vmem>>, %arg17: memref<100096xf32, #tpu.memory_space<vmem_shared>>, %arg18: memref<100096xf32, #tpu.memory_space<vmem_shared>>, %arg19: memref<100096xf32, #tpu.memory_space<vmem_shared>>, %arg20: memref<100096xf32, #tpu.memory_space<vmem_shared>>, %arg21: memref<!tpu.dma_semaphore, #tpu.memory_space<semaphore_mem>>, %arg22: memref<!tpu.dma_semaphore, #tpu.memory_space<semaphore_mem>>, %arg23: memref<!tpu.dma_semaphore, #tpu.memory_space<semaphore_mem>>, %arg24: memref<!tpu.dma_semaphore, #tpu.memory_space<semaphore_mem>>) attributes {dimension_semantics = [#tpu.dimension_semantics<core_parallel>, #tpu.dimension_semantics<subcore_parallel>], iteration_bounds = array<i64: 2, 16>, scalar_prefetch = 0 : i64, scratch_operands = 18 : i64, tpu.core_type = #tpu.core_type<sc_vector_subcore>, window_params = [{transform_indices = #map}, {transform_indices = #map1}, {transform_indices = #map1}, {transform_indices = #map}, {transform_indices = #map}]} {
    %mul3A = arith.constant 16 : i32
    %mul3A_0 = arith.muli %arg0, %mul3A : i32
    %add3A = arith.addi %mul3A_0, %arg1 : i32
    %mul3A_1 = arith.constant 6256 : i32
    %mul3A_2 = arith.muli %arg1, %mul3A_1 : i32
    %dma_start3A = tpu.memref_slice %arg17[%mul3A_2] : memref<100096xf32, #tpu.memory_space<vmem_shared>> -> memref<6256xf32, #tpu.memory_space<vmem_shared>>
    %dma_start3A_3 = tpu.memref_slice %arg4[%mul3A_2] : memref<100096xf32, #tpu.memory_space<hbm>> -> memref<6256xf32, #tpu.memory_space<hbm>>
    tpu.enqueue_dma source(%dma_start3A_3 : memref<6256xf32, #tpu.memory_space<hbm>>) target(%dma_start3A : memref<6256xf32, #tpu.memory_space<vmem_shared>>) target_semaphore(%arg21 : memref<!tpu.dma_semaphore, #tpu.memory_space<semaphore_mem>>)
    %dma_start3A_4 = tpu.memref_slice %arg18[%mul3A_2] : memref<100096xf32, #tpu.memory_space<vmem_shared>> -> memref<6256xf32, #tpu.memory_space<vmem_shared>>
    %dma_start3A_5 = tpu.memref_slice %arg4[%mul3A_2] : memref<100096xf32, #tpu.memory_space<hbm>> -> memref<6256xf32, #tpu.memory_space<hbm>>
    tpu.enqueue_dma source(%dma_start3A_5 : memref<6256xf32, #tpu.memory_space<hbm>>) target(%dma_start3A_4 : memref<6256xf32, #tpu.memory_space<vmem_shared>>) target_semaphore(%arg21 : memref<!tpu.dma_semaphore, #tpu.memory_space<semaphore_mem>>)
    %dma_start3A_6 = tpu.memref_slice %arg19[%mul3A_2] : memref<100096xf32, #tpu.memory_space<vmem_shared>> -> memref<6256xf32, #tpu.memory_space<vmem_shared>>
    %dma_start3A_7 = tpu.memref_slice %arg4[%mul3A_2] : memref<100096xf32, #tpu.memory_space<hbm>> -> memref<6256xf32, #tpu.memory_space<hbm>>
    tpu.enqueue_dma source(%dma_start3A_7 : memref<6256xf32, #tpu.memory_space<hbm>>) target(%dma_start3A_6 : memref<6256xf32, #tpu.memory_space<vmem_shared>>) target_semaphore(%arg21 : memref<!tpu.dma_semaphore, #tpu.memory_space<semaphore_mem>>)
    %dma_start3A_8 = tpu.memref_slice %arg20[%mul3A_2] : memref<100096xf32, #tpu.memory_space<vmem_shared>> -> memref<6256xf32, #tpu.memory_space<vmem_shared>>
    %dma_start3A_9 = tpu.memref_slice %arg4[%mul3A_2] : memref<100096xf32, #tpu.memory_space<hbm>> -> memref<6256xf32, #tpu.memory_space<hbm>>
    tpu.enqueue_dma source(%dma_start3A_9 : memref<6256xf32, #tpu.memory_space<hbm>>) target(%dma_start3A_8 : memref<6256xf32, #tpu.memory_space<vmem_shared>>) target_semaphore(%arg21 : memref<!tpu.dma_semaphore, #tpu.memory_space<semaphore_mem>>)
    %dma_wait3A = tpu.memref_slice %arg17[%mul3A_2] : memref<100096xf32, #tpu.memory_space<vmem_shared>> -> memref<6256xf32, #tpu.memory_space<vmem_shared>>
    %dma_wait3A_10 = tpu.memref_slice %arg4[%mul3A_2] : memref<100096xf32, #tpu.memory_space<hbm>> -> memref<6256xf32, #tpu.memory_space<hbm>>
    tpu.wait_dma2 semaphore(%arg21 : memref<!tpu.dma_semaphore, #tpu.memory_space<semaphore_mem>>) src(%dma_wait3A_10 : memref<6256xf32, #tpu.memory_space<hbm>>) dst(%dma_wait3A : memref<6256xf32, #tpu.memory_space<vmem_shared>>)
    %dma_wait3A_11 = tpu.memref_slice %arg18[%mul3A_2] : memref<100096xf32, #tpu.memory_space<vmem_shared>> -> memref<6256xf32, #tpu.memory_space<vmem_shared>>
    %dma_wait3A_12 = tpu.memref_slice %arg4[%mul3A_2] : memref<100096xf32, #tpu.memory_space<hbm>> -> memref<6256xf32, #tpu.memory_space<hbm>>
    tpu.wait_dma2 semaphore(%arg21 : memref<!tpu.dma_semaphore, #tpu.memory_space<semaphore_mem>>) src(%dma_wait3A_12 : memref<6256xf32, #tpu.memory_space<hbm>>) dst(%dma_wait3A_11 : memref<6256xf32, #tpu.memory_space<vmem_shared>>)
    %dma_wait3A_13 = tpu.memref_slice %arg19[%mul3A_2] : memref<100096xf32, #tpu.memory_space<vmem_shared>> -> memref<6256xf32, #tpu.memory_space<vmem_shared>>
    %dma_wait3A_14 = tpu.memref_slice %arg4[%mul3A_2] : memref<100096xf32, #tpu.memory_space<hbm>> -> memref<6256xf32, #tpu.memory_space<hbm>>
    tpu.wait_dma2 semaphore(%arg21 : memref<!tpu.dma_semaphore, #tpu.memory_space<semaphore_mem>>) src(%dma_wait3A_14 : memref<6256xf32, #tpu.memory_space<hbm>>) dst(%dma_wait3A_13 : memref<6256xf32, #tpu.memory_space<vmem_shared>>)
    %dma_wait3A_15 = tpu.memref_slice %arg20[%mul3A_2] : memref<100096xf32, #tpu.memory_space<vmem_shared>> -> memref<6256xf32, #tpu.memory_space<vmem_shared>>
    %dma_wait3A_16 = tpu.memref_slice %arg4[%mul3A_2] : memref<100096xf32, #tpu.memory_space<hbm>> -> memref<6256xf32, #tpu.memory_space<hbm>>
    tpu.wait_dma2 semaphore(%arg21 : memref<!tpu.dma_semaphore, #tpu.memory_space<semaphore_mem>>) src(%dma_wait3A_16 : memref<6256xf32, #tpu.memory_space<hbm>>) dst(%dma_wait3A_15 : memref<6256xf32, #tpu.memory_space<vmem_shared>>)
    %barrier3A = arith.constant 0 : index
    tpu.barrier barrier_id(%barrier3A)
    %mul3A_17 = arith.constant 100000 : i32
    %mul3A_18 = arith.muli %arg1, %mul3A_17 : i32
    %add3A_19 = arith.constant 0 : i32
    %add3A_20 = arith.addi %mul3A_18, %add3A_19 : i32
    %dma_start3A_21 = tpu.memref_slice %arg3[%add3A_20] : memref<1600000xi32, #tpu.memory_space<hbm>> -> memref<10000xi32, #tpu.memory_space<hbm>>
    %dma_start3A_22 = tpu.memref_slice %arg3[%add3A_20] : memref<1600000xi32, #tpu.memory_space<hbm>> -> memref<10000xi32, #tpu.memory_space<hbm>>
    tpu.enqueue_dma source(%dma_start3A_22 : memref<10000xi32, #tpu.memory_space<hbm>>) target(%arg7 : memref<10000xi32, #tpu.memory_space<vmem>>) target_semaphore(%arg21 : memref<!tpu.dma_semaphore, #tpu.memory_space<semaphore_mem>>)
    %dma_start3A_23 = arith.constant 0 : i32
    %dma_start3A_24 = tpu.memref_slice %arg2[%dma_start3A_23, %add3A_20] : memref<4x1600000xf32, #tpu.memory_space<hbm>> -> memref<1x10000xf32, #tpu.memory_space<hbm>>
    %dma_start3A_25 = tpu.memref_squeeze %dma_start3A_24 : memref<1x10000xf32, #tpu.memory_space<hbm>> -> memref<10000xf32, #tpu.memory_space<hbm>>
    %dma_start3A_26 = tpu.memref_slice %arg2[%dma_start3A_23, %add3A_20] : memref<4x1600000xf32, #tpu.memory_space<hbm>> -> memref<1x10000xf32, #tpu.memory_space<hbm>>
    %dma_start3A_27 = tpu.memref_squeeze %dma_start3A_26 : memref<1x10000xf32, #tpu.memory_space<hbm>> -> memref<10000xf32, #tpu.memory_space<hbm>>
    tpu.enqueue_dma source(%dma_start3A_27 : memref<10000xf32, #tpu.memory_space<hbm>>) target(%arg8 : memref<10000xf32, #tpu.memory_space<vmem>>) target_semaphore(%arg21 : memref<!tpu.dma_semaphore, #tpu.memory_space<semaphore_mem>>)
    %dma_start3A_28 = arith.constant 1 : i32
    %dma_start3A_29 = tpu.memref_slice %arg2[%dma_start3A_28, %add3A_20] : memref<4x1600000xf32, #tpu.memory_space<hbm>> -> memref<1x10000xf32, #tpu.memory_space<hbm>>
    %dma_start3A_30 = tpu.memref_squeeze %dma_start3A_29 : memref<1x10000xf32, #tpu.memory_space<hbm>> -> memref<10000xf32, #tpu.memory_space<hbm>>
    %dma_start3A_31 = tpu.memref_slice %arg2[%dma_start3A_28, %add3A_20] : memref<4x1600000xf32, #tpu.memory_space<hbm>> -> memref<1x10000xf32, #tpu.memory_space<hbm>>
    %dma_start3A_32 = tpu.memref_squeeze %dma_start3A_31 : memref<1x10000xf32, #tpu.memory_space<hbm>> -> memref<10000xf32, #tpu.memory_space<hbm>>
    tpu.enqueue_dma source(%dma_start3A_32 : memref<10000xf32, #tpu.memory_space<hbm>>) target(%arg9 : memref<10000xf32, #tpu.memory_space<vmem>>) target_semaphore(%arg21 : memref<!tpu.dma_semaphore, #tpu.memory_space<semaphore_mem>>)
    %dma_start3A_33 = arith.constant 2 : i32
    %dma_start3A_34 = tpu.memref_slice %arg2[%dma_start3A_33, %add3A_20] : memref<4x1600000xf32, #tpu.memory_space<hbm>> -> memref<1x10000xf32, #tpu.memory_space<hbm>>
    %dma_start3A_35 = tpu.memref_squeeze %dma_start3A_34 : memref<1x10000xf32, #tpu.memory_space<hbm>> -> memref<10000xf32, #tpu.memory_space<hbm>>
    %dma_start3A_36 = tpu.memref_slice %arg2[%dma_start3A_33, %add3A_20] : memref<4x1600000xf32, #tpu.memory_space<hbm>> -> memref<1x10000xf32, #tpu.memory_space<hbm>>
    %dma_start3A_37 = tpu.memref_squeeze %dma_start3A_36 : memref<1x10000xf32, #tpu.memory_space<hbm>> -> memref<10000xf32, #tpu.memory_space<hbm>>
    tpu.enqueue_dma source(%dma_start3A_37 : memref<10000xf32, #tpu.memory_space<hbm>>) target(%arg10 : memref<10000xf32, #tpu.memory_space<vmem>>) target_semaphore(%arg21 : memref<!tpu.dma_semaphore, #tpu.memory_space<semaphore_mem>>)
    %dma_start3A_38 = arith.constant 3 : i32
    %dma_start3A_39 = tpu.memref_slice %arg2[%dma_start3A_38, %add3A_20] : memref<4x1600000xf32, #tpu.memory_space<hbm>> -> memref<1x10000xf32, #tpu.memory_space<hbm>>
    %dma_start3A_40 = tpu.memref_squeeze %dma_start3A_39 : memref<1x10000xf32, #tpu.memory_space<hbm>> -> memref<10000xf32, #tpu.memory_space<hbm>>
    %dma_start3A_41 = tpu.memref_slice %arg2[%dma_start3A_38, %add3A_20] : memref<4x1600000xf32, #tpu.memory_space<hbm>> -> memref<1x10000xf32, #tpu.memory_space<hbm>>
    %dma_start3A_42 = tpu.memref_squeeze %dma_start3A_41 : memref<1x10000xf32, #tpu.memory_space<hbm>> -> memref<10000xf32, #tpu.memory_space<hbm>>
    tpu.enqueue_dma source(%dma_start3A_42 : memref<10000xf32, #tpu.memory_space<hbm>>) target(%arg11 : memref<10000xf32, #tpu.memory_space<vmem>>) target_semaphore(%arg21 : memref<!tpu.dma_semaphore, #tpu.memory_space<semaphore_mem>>)
    %mul3A_43 = arith.constant 100000 : i32
    %mul3A_44 = arith.muli %arg1, %mul3A_43 : i32
    %add3A_45 = arith.constant 10000 : i32
    %add3A_46 = arith.addi %mul3A_44, %add3A_45 : i32
    %dma_start3A_47 = tpu.memref_slice %arg3[%add3A_46] : memref<1600000xi32, #tpu.memory_space<hbm>> -> memref<10000xi32, #tpu.memory_space<hbm>>
    %dma_start3A_48 = tpu.memref_slice %arg3[%add3A_46] : memref<1600000xi32, #tpu.memory_space<hbm>> -> memref<10000xi32, #tpu.memory_space<hbm>>
    tpu.enqueue_dma source(%dma_start3A_48 : memref<10000xi32, #tpu.memory_space<hbm>>) target(%arg12 : memref<10000xi32, #tpu.memory_space<vmem>>) target_semaphore(%arg23 : memref<!tpu.dma_semaphore, #tpu.memory_space<semaphore_mem>>)
    %dma_start3A_49 = arith.constant 0 : i32
    %dma_start3A_50 = tpu.memref_slice %arg2[%dma_start3A_49, %add3A_46] : memref<4x1600000xf32, #tpu.memory_space<hbm>> -> memref<1x10000xf32, #tpu.memory_space<hbm>>
    %dma_start3A_51 = tpu.memref_squeeze %dma_start3A_50 : memref<1x10000xf32, #tpu.memory_space<hbm>> -> memref<10000xf32, #tpu.memory_space<hbm>>
    %dma_start3A_52 = tpu.memref_slice %arg2[%dma_start3A_49, %add3A_46] : memref<4x1600000xf32, #tpu.memory_space<hbm>> -> memref<1x10000xf32, #tpu.memory_space<hbm>>
    %dma_start3A_53 = tpu.memref_squeeze %dma_start3A_52 : memref<1x10000xf32, #tpu.memory_space<hbm>> -> memref<10000xf32, #tpu.memory_space<hbm>>
    tpu.enqueue_dma source(%dma_start3A_53 : memref<10000xf32, #tpu.memory_space<hbm>>) target(%arg13 : memref<10000xf32, #tpu.memory_space<vmem>>) target_semaphore(%arg23 : memref<!tpu.dma_semaphore, #tpu.memory_space<semaphore_mem>>)
    %dma_start3A_54 = arith.constant 1 : i32
    %dma_start3A_55 = tpu.memref_slice %arg2[%dma_start3A_54, %add3A_46] : memref<4x1600000xf32, #tpu.memory_space<hbm>> -> memref<1x10000xf32, #tpu.memory_space<hbm>>
    %dma_start3A_56 = tpu.memref_squeeze %dma_start3A_55 : memref<1x10000xf32, #tpu.memory_space<hbm>> -> memref<10000xf32, #tpu.memory_space<hbm>>
    %dma_start3A_57 = tpu.memref_slice %arg2[%dma_start3A_54, %add3A_46] : memref<4x1600000xf32, #tpu.memory_space<hbm>> -> memref<1x10000xf32, #tpu.memory_space<hbm>>
    %dma_start3A_58 = tpu.memref_squeeze %dma_start3A_57 : memref<1x10000xf32, #tpu.memory_space<hbm>> -> memref<10000xf32, #tpu.memory_space<hbm>>
    tpu.enqueue_dma source(%dma_start3A_58 : memref<10000xf32, #tpu.memory_space<hbm>>) target(%arg14 : memref<10000xf32, #tpu.memory_space<vmem>>) target_semaphore(%arg23 : memref<!tpu.dma_semaphore, #tpu.memory_space<semaphore_mem>>)
    %dma_start3A_59 = arith.constant 2 : i32
    %dma_start3A_60 = tpu.memref_slice %arg2[%dma_start3A_59, %add3A_46] : memref<4x1600000xf32, #tpu.memory_space<hbm>> -> memref<1x10000xf32, #tpu.memory_space<hbm>>
    %dma_start3A_61 = tpu.memref_squeeze %dma_start3A_60 : memref<1x10000xf32, #tpu.memory_space<hbm>> -> memref<10000xf32, #tpu.memory_space<hbm>>
    %dma_start3A_62 = tpu.memref_slice %arg2[%dma_start3A_59, %add3A_46] : memref<4x1600000xf32, #tpu.memory_space<hbm>> -> memref<1x10000xf32, #tpu.memory_space<hbm>>
    %dma_start3A_63 = tpu.memref_squeeze %dma_start3A_62 : memref<1x10000xf32, #tpu.memory_space<hbm>> -> memref<10000xf32, #tpu.memory_space<hbm>>
    tpu.enqueue_dma source(%dma_start3A_63 : memref<10000xf32, #tpu.memory_space<hbm>>) target(%arg15 : memref<10000xf32, #tpu.memory_space<vmem>>) target_semaphore(%arg23 : memref<!tpu.dma_semaphore, #tpu.memory_space<semaphore_mem>>)
    %dma_start3A_64 = arith.constant 3 : i32
    %dma_start3A_65 = tpu.memref_slice %arg2[%dma_start3A_64, %add3A_46] : memref<4x1600000xf32, #tpu.memory_space<hbm>> -> memref<1x10000xf32, #tpu.memory_space<hbm>>
    %dma_start3A_66 = tpu.memref_squeeze %dma_start3A_65 : memref<1x10000xf32, #tpu.memory_space<hbm>> -> memref<10000xf32, #tpu.memory_space<hbm>>
    %dma_start3A_67 = tpu.memref_slice %arg2[%dma_start3A_64, %add3A_46] : memref<4x1600000xf32, #tpu.memory_space<hbm>> -> memref<1x10000xf32, #tpu.memory_space<hbm>>
    %dma_start3A_68 = tpu.memref_squeeze %dma_start3A_67 : memref<1x10000xf32, #tpu.memory_space<hbm>> -> memref<10000xf32, #tpu.memory_space<hbm>>
    tpu.enqueue_dma source(%dma_start3A_68 : memref<10000xf32, #tpu.memory_space<hbm>>) target(%arg16 : memref<10000xf32, #tpu.memory_space<vmem>>) target_semaphore(%arg23 : memref<!tpu.dma_semaphore, #tpu.memory_space<semaphore_mem>>)
    %dma_wait3A_69 = tpu.memref_slice %arg3[%add3A_20] : memref<1600000xi32, #tpu.memory_space<hbm>> -> memref<10000xi32, #tpu.memory_space<hbm>>
    %dma_wait3A_70 = tpu.memref_slice %arg3[%add3A_20] : memref<1600000xi32, #tpu.memory_space<hbm>> -> memref<10000xi32, #tpu.memory_space<hbm>>
    tpu.wait_dma2 semaphore(%arg21 : memref<!tpu.dma_semaphore, #tpu.memory_space<semaphore_mem>>) src(%dma_wait3A_70 : memref<10000xi32, #tpu.memory_space<hbm>>) dst(%arg7 : memref<10000xi32, #tpu.memory_space<vmem>>)
    %dma_wait3A_71 = arith.constant 0 : i32
    %dma_wait3A_72 = tpu.memref_slice %arg2[%dma_wait3A_71, %add3A_20] : memref<4x1600000xf32, #tpu.memory_space<hbm>> -> memref<1x10000xf32, #tpu.memory_space<hbm>>
    %dma_wait3A_73 = tpu.memref_squeeze %dma_wait3A_72 : memref<1x10000xf32, #tpu.memory_space<hbm>> -> memref<10000xf32, #tpu.memory_space<hbm>>
    %dma_wait3A_74 = tpu.memref_slice %arg2[%dma_wait3A_71, %add3A_20] : memref<4x1600000xf32, #tpu.memory_space<hbm>> -> memref<1x10000xf32, #tpu.memory_space<hbm>>
    %dma_wait3A_75 = tpu.memref_squeeze %dma_wait3A_74 : memref<1x10000xf32, #tpu.memory_space<hbm>> -> memref<10000xf32, #tpu.memory_space<hbm>>
    tpu.wait_dma2 semaphore(%arg21 : memref<!tpu.dma_semaphore, #tpu.memory_space<semaphore_mem>>) src(%dma_wait3A_75 : memref<10000xf32, #tpu.memory_space<hbm>>) dst(%arg8 : memref<10000xf32, #tpu.memory_space<vmem>>)
    %dma_wait3A_76 = arith.constant 1 : i32
    %dma_wait3A_77 = tpu.memref_slice %arg2[%dma_wait3A_76, %add3A_20] : memref<4x1600000xf32, #tpu.memory_space<hbm>> -> memref<1x10000xf32, #tpu.memory_space<hbm>>
    %dma_wait3A_78 = tpu.memref_squeeze %dma_wait3A_77 : memref<1x10000xf32, #tpu.memory_space<hbm>> -> memref<10000xf32, #tpu.memory_space<hbm>>
    %dma_wait3A_79 = tpu.memref_slice %arg2[%dma_wait3A_76, %add3A_20] : memref<4x1600000xf32, #tpu.memory_space<hbm>> -> memref<1x10000xf32, #tpu.memory_space<hbm>>
    %dma_wait3A_80 = tpu.memref_squeeze %dma_wait3A_79 : memref<1x10000xf32, #tpu.memory_space<hbm>> -> memref<10000xf32, #tpu.memory_space<hbm>>
    tpu.wait_dma2 semaphore(%arg21 : memref<!tpu.dma_semaphore, #tpu.memory_space<semaphore_mem>>) src(%dma_wait3A_80 : memref<10000xf32, #tpu.memory_space<hbm>>) dst(%arg9 : memref<10000xf32, #tpu.memory_space<vmem>>)
    %dma_wait3A_81 = arith.constant 2 : i32
    %dma_wait3A_82 = tpu.memref_slice %arg2[%dma_wait3A_81, %add3A_20] : memref<4x1600000xf32, #tpu.memory_space<hbm>> -> memref<1x10000xf32, #tpu.memory_space<hbm>>
    %dma_wait3A_83 = tpu.memref_squeeze %dma_wait3A_82 : memref<1x10000xf32, #tpu.memory_space<hbm>> -> memref<10000xf32, #tpu.memory_space<hbm>>
    %dma_wait3A_84 = tpu.memref_slice %arg2[%dma_wait3A_81, %add3A_20] : memref<4x1600000xf32, #tpu.memory_space<hbm>> -> memref<1x10000xf32, #tpu.memory_space<hbm>>
    %dma_wait3A_85 = tpu.memref_squeeze %dma_wait3A_84 : memref<1x10000xf32, #tpu.memory_space<hbm>> -> memref<10000xf32, #tpu.memory_space<hbm>>
    tpu.wait_dma2 semaphore(%arg21 : memref<!tpu.dma_semaphore, #tpu.memory_space<semaphore_mem>>) src(%dma_wait3A_85 : memref<10000xf32, #tpu.memory_space<hbm>>) dst(%arg10 : memref<10000xf32, #tpu.memory_space<vmem>>)
    %dma_wait3A_86 = arith.constant 3 : i32
    %dma_wait3A_87 = tpu.memref_slice %arg2[%dma_wait3A_86, %add3A_20] : memref<4x1600000xf32, #tpu.memory_space<hbm>> -> memref<1x10000xf32, #tpu.memory_space<hbm>>
    %dma_wait3A_88 = tpu.memref_squeeze %dma_wait3A_87 : memref<1x10000xf32, #tpu.memory_space<hbm>> -> memref<10000xf32, #tpu.memory_space<hbm>>
    %dma_wait3A_89 = tpu.memref_slice %arg2[%dma_wait3A_86, %add3A_20] : memref<4x1600000xf32, #tpu.memory_space<hbm>> -> memref<1x10000xf32, #tpu.memory_space<hbm>>
    %dma_wait3A_90 = tpu.memref_squeeze %dma_wait3A_89 : memref<1x10000xf32, #tpu.memory_space<hbm>> -> memref<10000xf32, #tpu.memory_space<hbm>>
    tpu.wait_dma2 semaphore(%arg21 : memref<!tpu.dma_semaphore, #tpu.memory_space<semaphore_mem>>) src(%dma_wait3A_90 : memref<10000xf32, #tpu.memory_space<hbm>>) dst(%arg11 : memref<10000xf32, #tpu.memory_space<vmem>>)
    %dma_start3A_91 = arith.constant 0 : i32
    %dma_start3A_92 = tpu.memref_slice %arg17[%dma_start3A_91] : memref<100096xf32, #tpu.memory_space<vmem_shared>> -> memref<100096xf32, #tpu.memory_space<vmem_shared>>
    tpu.enqueue_indirect_dma source(%arg8 : memref<10000xf32, #tpu.memory_space<vmem>>) target(%dma_start3A_92 : memref<100096xf32, #tpu.memory_space<vmem_shared>>) offsets(%arg7 : memref<10000xi32, #tpu.memory_space<vmem>>) semaphore(%arg22 : memref<!tpu.dma_semaphore, #tpu.memory_space<semaphore_mem>>) {add = true}
    %dma_start3A_93 = arith.constant 0 : i32
    %dma_start3A_94 = tpu.memref_slice %arg18[%dma_start3A_93] : memref<100096xf32, #tpu.memory_space<vmem_shared>> -> memref<100096xf32, #tpu.memory_space<vmem_shared>>
    tpu.enqueue_indirect_dma source(%arg9 : memref<10000xf32, #tpu.memory_space<vmem>>) target(%dma_start3A_94 : memref<100096xf32, #tpu.memory_space<vmem_shared>>) offsets(%arg7 : memref<10000xi32, #tpu.memory_space<vmem>>) semaphore(%arg22 : memref<!tpu.dma_semaphore, #tpu.memory_space<semaphore_mem>>) {add = true}
    %dma_start3A_95 = arith.constant 0 : i32
    %dma_start3A_96 = tpu.memref_slice %arg19[%dma_start3A_95] : memref<100096xf32, #tpu.memory_space<vmem_shared>> -> memref<100096xf32, #tpu.memory_space<vmem_shared>>
    tpu.enqueue_indirect_dma source(%arg10 : memref<10000xf32, #tpu.memory_space<vmem>>) target(%dma_start3A_96 : memref<100096xf32, #tpu.memory_space<vmem_shared>>) offsets(%arg7 : memref<10000xi32, #tpu.memory_space<vmem>>) semaphore(%arg22 : memref<!tpu.dma_semaphore, #tpu.memory_space<semaphore_mem>>) {add = true}
    %dma_start3A_97 = arith.constant 0 : i32
    %dma_start3A_98 = tpu.memref_slice %arg20[%dma_start3A_97] : memref<100096xf32, #tpu.memory_space<vmem_shared>> -> memref<100096xf32, #tpu.memory_space<vmem_shared>>
    tpu.enqueue_indirect_dma source(%arg11 : memref<10000xf32, #tpu.memory_space<vmem>>) target(%dma_start3A_98 : memref<100096xf32, #tpu.memory_space<vmem_shared>>) offsets(%arg7 : memref<10000xi32, #tpu.memory_space<vmem>>) semaphore(%arg22 : memref<!tpu.dma_semaphore, #tpu.memory_space<semaphore_mem>>) {add = true}
    %dma_wait3A_99 = arith.constant 0 : i32
    %dma_wait3A_100 = tpu.memref_slice %arg17[%dma_wait3A_99] : memref<100096xf32, #tpu.memory_space<vmem_shared>> -> memref<100096xf32, #tpu.memory_space<vmem_shared>>
    tpu.wait_indirect_dma semaphore(%arg22 : memref<!tpu.dma_semaphore, #tpu.memory_space<semaphore_mem>>) src(%arg8 : memref<10000xf32, #tpu.memory_space<vmem>>) dst(%dma_wait3A_100 : memref<100096xf32, #tpu.memory_space<vmem_shared>>)
    %dma_wait3A_101 = arith.constant 0 : i32
    %dma_wait3A_102 = tpu.memref_slice %arg18[%dma_wait3A_101] : memref<100096xf32, #tpu.memory_space<vmem_shared>> -> memref<100096xf32, #tpu.memory_space<vmem_shared>>
    tpu.wait_indirect_dma semaphore(%arg22 : memref<!tpu.dma_semaphore, #tpu.memory_space<semaphore_mem>>) src(%arg9 : memref<10000xf32, #tpu.memory_space<vmem>>) dst(%dma_wait3A_102 : memref<100096xf32, #tpu.memory_space<vmem_shared>>)
    %dma_wait3A_103 = arith.constant 0 : i32
    %dma_wait3A_104 = tpu.memref_slice %arg19[%dma_wait3A_103] : memref<100096xf32, #tpu.memory_space<vmem_shared>> -> memref<100096xf32, #tpu.memory_space<vmem_shared>>
    tpu.wait_indirect_dma semaphore(%arg22 : memref<!tpu.dma_semaphore, #tpu.memory_space<semaphore_mem>>) src(%arg10 : memref<10000xf32, #tpu.memory_space<vmem>>) dst(%dma_wait3A_104 : memref<100096xf32, #tpu.memory_space<vmem_shared>>)
    %dma_wait3A_105 = arith.constant 0 : i32
    %dma_wait3A_106 = tpu.memref_slice %arg20[%dma_wait3A_105] : memref<100096xf32, #tpu.memory_space<vmem_shared>> -> memref<100096xf32, #tpu.memory_space<vmem_shared>>
    tpu.wait_indirect_dma semaphore(%arg22 : memref<!tpu.dma_semaphore, #tpu.memory_space<semaphore_mem>>) src(%arg11 : memref<10000xf32, #tpu.memory_space<vmem>>) dst(%dma_wait3A_106 : memref<100096xf32, #tpu.memory_space<vmem_shared>>)
    %mul3A_107 = arith.constant 100000 : i32
    %mul3A_108 = arith.muli %arg1, %mul3A_107 : i32
    %add3A_109 = arith.constant 20000 : i32
    %add3A_110 = arith.addi %mul3A_108, %add3A_109 : i32
    %dma_start3A_111 = tpu.memref_slice %arg3[%add3A_110] : memref<1600000xi32, #tpu.memory_space<hbm>> -> memref<10000xi32, #tpu.memory_space<hbm>>
    %dma_start3A_112 = tpu.memref_slice %arg3[%add3A_110] : memref<1600000xi32, #tpu.memory_space<hbm>> -> memref<10000xi32, #tpu.memory_space<hbm>>
    tpu.enqueue_dma source(%dma_start3A_112 : memref<10000xi32, #tpu.memory_space<hbm>>) target(%arg7 : memref<10000xi32, #tpu.memory_space<vmem>>) target_semaphore(%arg21 : memref<!tpu.dma_semaphore, #tpu.memory_space<semaphore_mem>>)
    %dma_start3A_113 = arith.constant 0 : i32
    %dma_start3A_114 = tpu.memref_slice %arg2[%dma_start3A_113, %add3A_110] : memref<4x1600000xf32, #tpu.memory_space<hbm>> -> memref<1x10000xf32, #tpu.memory_space<hbm>>
    %dma_start3A_115 = tpu.memref_squeeze %dma_start3A_114 : memref<1x10000xf32, #tpu.memory_space<hbm>> -> memref<10000xf32, #tpu.memory_space<hbm>>
    %dma_start3A_116 = tpu.memref_slice %arg2[%dma_start3A_113, %add3A_110] : memref<4x1600000xf32, #tpu.memory_space<hbm>> -> memref<1x10000xf32, #tpu.memory_space<hbm>>
    %dma_start3A_117 = tpu.memref_squeeze %dma_start3A_116 : memref<1x10000xf32, #tpu.memory_space<hbm>> -> memref<10000xf32, #tpu.memory_space<hbm>>
    tpu.enqueue_dma source(%dma_start3A_117 : memref<10000xf32, #tpu.memory_space<hbm>>) target(%arg8 : memref<10000xf32, #tpu.memory_space<vmem>>) target_semaphore(%arg21 : memref<!tpu.dma_semaphore, #tpu.memory_space<semaphore_mem>>)
    %dma_start3A_118 = arith.constant 1 : i32
    %dma_start3A_119 = tpu.memref_slice %arg2[%dma_start3A_118, %add3A_110] : memref<4x1600000xf32, #tpu.memory_space<hbm>> -> memref<1x10000xf32, #tpu.memory_space<hbm>>
    %dma_start3A_120 = tpu.memref_squeeze %dma_start3A_119 : memref<1x10000xf32, #tpu.memory_space<hbm>> -> memref<10000xf32, #tpu.memory_space<hbm>>
    %dma_start3A_121 = tpu.memref_slice %arg2[%dma_start3A_118, %add3A_110] : memref<4x1600000xf32, #tpu.memory_space<hbm>> -> memref<1x10000xf32, #tpu.memory_space<hbm>>
    %dma_start3A_122 = tpu.memref_squeeze %dma_start3A_121 : memref<1x10000xf32, #tpu.memory_space<hbm>> -> memref<10000xf32, #tpu.memory_space<hbm>>
    tpu.enqueue_dma source(%dma_start3A_122 : memref<10000xf32, #tpu.memory_space<hbm>>) target(%arg9 : memref<10000xf32, #tpu.memory_space<vmem>>) target_semaphore(%arg21 : memref<!tpu.dma_semaphore, #tpu.memory_space<semaphore_mem>>)
    %dma_start3A_123 = arith.constant 2 : i32
    %dma_start3A_124 = tpu.memref_slice %arg2[%dma_start3A_123, %add3A_110] : memref<4x1600000xf32, #tpu.memory_space<hbm>> -> memref<1x10000xf32, #tpu.memory_space<hbm>>
    %dma_start3A_125 = tpu.memref_squeeze %dma_start3A_124 : memref<1x10000xf32, #tpu.memory_space<hbm>> -> memref<10000xf32, #tpu.memory_space<hbm>>
    %dma_start3A_126 = tpu.memref_slice %arg2[%dma_start3A_123, %add3A_110] : memref<4x1600000xf32, #tpu.memory_space<hbm>> -> memref<1x10000xf32, #tpu.memory_space<hbm>>
    %dma_start3A_127 = tpu.memref_squeeze %dma_start3A_126 : memref<1x10000xf32, #tpu.memory_space<hbm>> -> memref<10000xf32, #tpu.memory_space<hbm>>
    tpu.enqueue_dma source(%dma_start3A_127 : memref<10000xf32, #tpu.memory_space<hbm>>) target(%arg10 : memref<10000xf32, #tpu.memory_space<vmem>>) target_semaphore(%arg21 : memref<!tpu.dma_semaphore, #tpu.memory_space<semaphore_mem>>)
    %dma_start3A_128 = arith.constant 3 : i32
    %dma_start3A_129 = tpu.memref_slice %arg2[%dma_start3A_128, %add3A_110] : memref<4x1600000xf32, #tpu.memory_space<hbm>> -> memref<1x10000xf32, #tpu.memory_space<hbm>>
    %dma_start3A_130 = tpu.memref_squeeze %dma_start3A_129 : memref<1x10000xf32, #tpu.memory_space<hbm>> -> memref<10000xf32, #tpu.memory_space<hbm>>
    %dma_start3A_131 = tpu.memref_slice %arg2[%dma_start3A_128, %add3A_110] : memref<4x1600000xf32, #tpu.memory_space<hbm>> -> memref<1x10000xf32, #tpu.memory_space<hbm>>
    %dma_start3A_132 = tpu.memref_squeeze %dma_start3A_131 : memref<1x10000xf32, #tpu.memory_space<hbm>> -> memref<10000xf32, #tpu.memory_space<hbm>>
    tpu.enqueue_dma source(%dma_start3A_132 : memref<10000xf32, #tpu.memory_space<hbm>>) target(%arg11 : memref<10000xf32, #tpu.memory_space<vmem>>) target_semaphore(%arg21 : memref<!tpu.dma_semaphore, #tpu.memory_space<semaphore_mem>>)
    %dma_wait3A_133 = tpu.memref_slice %arg3[%add3A_46] : memref<1600000xi32, #tpu.memory_space<hbm>> -> memref<10000xi32, #tpu.memory_space<hbm>>
    %dma_wait3A_134 = tpu.memref_slice %arg3[%add3A_46] : memref<1600000xi32, #tpu.memory_space<hbm>> -> memref<10000xi32, #tpu.memory_space<hbm>>
    tpu.wait_dma2 semaphore(%arg23 : memref<!tpu.dma_semaphore, #tpu.memory_space<semaphore_mem>>) src(%dma_wait3A_134 : memref<10000xi32, #tpu.memory_space<hbm>>) dst(%arg12 : memref<10000xi32, #tpu.memory_space<vmem>>)
    %dma_wait3A_135 = arith.constant 0 : i32
    %dma_wait3A_136 = tpu.memref_slice %arg2[%dma_wait3A_135, %add3A_46] : memref<4x1600000xf32, #tpu.memory_space<hbm>> -> memref<1x10000xf32, #tpu.memory_space<hbm>>
    %dma_wait3A_137 = tpu.memref_squeeze %dma_wait3A_136 : memref<1x10000xf32, #tpu.memory_space<hbm>> -> memref<10000xf32, #tpu.memory_space<hbm>>
    %dma_wait3A_138 = tpu.memref_slice %arg2[%dma_wait3A_135, %add3A_46] : memref<4x1600000xf32, #tpu.memory_space<hbm>> -> memref<1x10000xf32, #tpu.memory_space<hbm>>
    %dma_wait3A_139 = tpu.memref_squeeze %dma_wait3A_138 : memref<1x10000xf32, #tpu.memory_space<hbm>> -> memref<10000xf32, #tpu.memory_space<hbm>>
    tpu.wait_dma2 semaphore(%arg23 : memref<!tpu.dma_semaphore, #tpu.memory_space<semaphore_mem>>) src(%dma_wait3A_139 : memref<10000xf32, #tpu.memory_space<hbm>>) dst(%arg13 : memref<10000xf32, #tpu.memory_space<vmem>>)
    %dma_wait3A_140 = arith.constant 1 : i32
    %dma_wait3A_141 = tpu.memref_slice %arg2[%dma_wait3A_140, %add3A_46] : memref<4x1600000xf32, #tpu.memory_space<hbm>> -> memref<1x10000xf32, #tpu.memory_space<hbm>>
    %dma_wait3A_142 = tpu.memref_squeeze %dma_wait3A_141 : memref<1x10000xf32, #tpu.memory_space<hbm>> -> memref<10000xf32, #tpu.memory_space<hbm>>
    %dma_wait3A_143 = tpu.memref_slice %arg2[%dma_wait3A_140, %add3A_46] : memref<4x1600000xf32, #tpu.memory_space<hbm>> -> memref<1x10000xf32, #tpu.memory_space<hbm>>
    %dma_wait3A_144 = tpu.memref_squeeze %dma_wait3A_143 : memref<1x10000xf32, #tpu.memory_space<hbm>> -> memref<10000xf32, #tpu.memory_space<hbm>>
    tpu.wait_dma2 semaphore(%arg23 : memref<!tpu.dma_semaphore, #tpu.memory_space<semaphore_mem>>) src(%dma_wait3A_144 : memref<10000xf32, #tpu.memory_space<hbm>>) dst(%arg14 : memref<10000xf32, #tpu.memory_space<vmem>>)
    %dma_wait3A_145 = arith.constant 2 : i32
    %dma_wait3A_146 = tpu.memref_slice %arg2[%dma_wait3A_145, %add3A_46] : memref<4x1600000xf32, #tpu.memory_space<hbm>> -> memref<1x10000xf32, #tpu.memory_space<hbm>>
    %dma_wait3A_147 = tpu.memref_squeeze %dma_wait3A_146 : memref<1x10000xf32, #tpu.memory_space<hbm>> -> memref<10000xf32, #tpu.memory_space<hbm>>
    %dma_wait3A_148 = tpu.memref_slice %arg2[%dma_wait3A_145, %add3A_46] : memref<4x1600000xf32, #tpu.memory_space<hbm>> -> memref<1x10000xf32, #tpu.memory_space<hbm>>
    %dma_wait3A_149 = tpu.memref_squeeze %dma_wait3A_148 : memref<1x10000xf32, #tpu.memory_space<hbm>> -> memref<10000xf32, #tpu.memory_space<hbm>>
    tpu.wait_dma2 semaphore(%arg23 : memref<!tpu.dma_semaphore, #tpu.memory_space<semaphore_mem>>) src(%dma_wait3A_149 : memref<10000xf32, #tpu.memory_space<hbm>>) dst(%arg15 : memref<10000xf32, #tpu.memory_space<vmem>>)
    %dma_wait3A_150 = arith.constant 3 : i32
    %dma_wait3A_151 = tpu.memref_slice %arg2[%dma_wait3A_150, %add3A_46] : memref<4x1600000xf32, #tpu.memory_space<hbm>> -> memref<1x10000xf32, #tpu.memory_space<hbm>>
    %dma_wait3A_152 = tpu.memref_squeeze %dma_wait3A_151 : memref<1x10000xf32, #tpu.memory_space<hbm>> -> memref<10000xf32, #tpu.memory_space<hbm>>
    %dma_wait3A_153 = tpu.memref_slice %arg2[%dma_wait3A_150, %add3A_46] : memref<4x1600000xf32, #tpu.memory_space<hbm>> -> memref<1x10000xf32, #tpu.memory_space<hbm>>
    %dma_wait3A_154 = tpu.memref_squeeze %dma_wait3A_153 : memref<1x10000xf32, #tpu.memory_space<hbm>> -> memref<10000xf32, #tpu.memory_space<hbm>>
    tpu.wait_dma2 semaphore(%arg23 : memref<!tpu.dma_semaphore, #tpu.memory_space<semaphore_mem>>) src(%dma_wait3A_154 : memref<10000xf32, #tpu.memory_space<hbm>>) dst(%arg16 : memref<10000xf32, #tpu.memory_space<vmem>>)
    %dma_start3A_155 = arith.constant 0 : i32
    %dma_start3A_156 = tpu.memref_slice %arg17[%dma_start3A_155] : memref<100096xf32, #tpu.memory_space<vmem_shared>> -> memref<100096xf32, #tpu.memory_space<vmem_shared>>
    tpu.enqueue_indirect_dma source(%arg13 : memref<10000xf32, #tpu.memory_space<vmem>>) target(%dma_start3A_156 : memref<100096xf32, #tpu.memory_space<vmem_shared>>) offsets(%arg12 : memref<10000xi32, #tpu.memory_space<vmem>>) semaphore(%arg24 : memref<!tpu.dma_semaphore, #tpu.memory_space<semaphore_mem>>) {add = true}
    %dma_start3A_157 = arith.constant 0 : i32
    %dma_start3A_158 = tpu.memref_slice %arg18[%dma_start3A_157] : memref<100096xf32, #tpu.memory_space<vmem_shared>> -> memref<100096xf32, #tpu.memory_space<vmem_shared>>
    tpu.enqueue_indirect_dma source(%arg14 : memref<10000xf32, #tpu.memory_space<vmem>>) target(%dma_start3A_158 : memref<100096xf32, #tpu.memory_space<vmem_shared>>) offsets(%arg12 : memref<10000xi32, #tpu.memory_space<vmem>>) semaphore(%arg24 : memref<!tpu.dma_semaphore, #tpu.memory_space<semaphore_mem>>) {add = true}
    %dma_start3A_159 = arith.constant 0 : i32
    %dma_start3A_160 = tpu.memref_slice %arg19[%dma_start3A_159] : memref<100096xf32, #tpu.memory_space<vmem_shared>> -> memref<100096xf32, #tpu.memory_space<vmem_shared>>
    tpu.enqueue_indirect_dma source(%arg15 : memref<10000xf32, #tpu.memory_space<vmem>>) target(%dma_start3A_160 : memref<100096xf32, #tpu.memory_space<vmem_shared>>) offsets(%arg12 : memref<10000xi32, #tpu.memory_space<vmem>>) semaphore(%arg24 : memref<!tpu.dma_semaphore, #tpu.memory_space<semaphore_mem>>) {add = true}
    %dma_start3A_161 = arith.constant 0 : i32
    %dma_start3A_162 = tpu.memref_slice %arg20[%dma_start3A_161] : memref<100096xf32, #tpu.memory_space<vmem_shared>> -> memref<100096xf32, #tpu.memory_space<vmem_shared>>
    tpu.enqueue_indirect_dma source(%arg16 : memref<10000xf32, #tpu.memory_space<vmem>>) target(%dma_start3A_162 : memref<100096xf32, #tpu.memory_space<vmem_shared>>) offsets(%arg12 : memref<10000xi32, #tpu.memory_space<vmem>>) semaphore(%arg24 : memref<!tpu.dma_semaphore, #tpu.memory_space<semaphore_mem>>) {add = true}
    %dma_wait3A_163 = arith.constant 0 : i32
    %dma_wait3A_164 = tpu.memref_slice %arg17[%dma_wait3A_163] : memref<100096xf32, #tpu.memory_space<vmem_shared>> -> memref<100096xf32, #tpu.memory_space<vmem_shared>>
    tpu.wait_indirect_dma semaphore(%arg24 : memref<!tpu.dma_semaphore, #tpu.memory_space<semaphore_mem>>) src(%arg13 : memref<10000xf32, #tpu.memory_space<vmem>>) dst(%dma_wait3A_164 : memref<100096xf32, #tpu.memory_space<vmem_shared>>)
    %dma_wait3A_165 = arith.constant 0 : i32
    %dma_wait3A_166 = tpu.memref_slice %arg18[%dma_wait3A_165] : memref<100096xf32, #tpu.memory_space<vmem_shared>> -> memref<100096xf32, #tpu.memory_space<vmem_shared>>
    tpu.wait_indirect_dma semaphore(%arg24 : memref<!tpu.dma_semaphore, #tpu.memory_space<semaphore_mem>>) src(%arg14 : memref<10000xf32, #tpu.memory_space<vmem>>) dst(%dma_wait3A_166 : memref<100096xf32, #tpu.memory_space<vmem_shared>>)
    %dma_wait3A_167 = arith.constant 0 : i32
    %dma_wait3A_168 = tpu.memref_slice %arg19[%dma_wait3A_167] : memref<100096xf32, #tpu.memory_space<vmem_shared>> -> memref<100096xf32, #tpu.memory_space<vmem_shared>>
    tpu.wait_indirect_dma semaphore(%arg24 : memref<!tpu.dma_semaphore, #tpu.memory_space<semaphore_mem>>) src(%arg15 : memref<10000xf32, #tpu.memory_space<vmem>>) dst(%dma_wait3A_168 : memref<100096xf32, #tpu.memory_space<vmem_shared>>)
    %dma_wait3A_169 = arith.constant 0 : i32
    %dma_wait3A_170 = tpu.memref_slice %arg20[%dma_wait3A_169] : memref<100096xf32, #tpu.memory_space<vmem_shared>> -> memref<100096xf32, #tpu.memory_space<vmem_shared>>
    tpu.wait_indirect_dma semaphore(%arg24 : memref<!tpu.dma_semaphore, #tpu.memory_space<semaphore_mem>>) src(%arg16 : memref<10000xf32, #tpu.memory_space<vmem>>) dst(%dma_wait3A_170 : memref<100096xf32, #tpu.memory_space<vmem_shared>>)
    %mul3A_171 = arith.constant 100000 : i32
    %mul3A_172 = arith.muli %arg1, %mul3A_171 : i32
    %add3A_173 = arith.constant 30000 : i32
    %add3A_174 = arith.addi %mul3A_172, %add3A_173 : i32
    %dma_start3A_175 = tpu.memref_slice %arg3[%add3A_174] : memref<1600000xi32, #tpu.memory_space<hbm>> -> memref<10000xi32, #tpu.memory_space<hbm>>
    %dma_start3A_176 = tpu.memref_slice %arg3[%add3A_174] : memref<1600000xi32, #tpu.memory_space<hbm>> -> memref<10000xi32, #tpu.memory_space<hbm>>
    tpu.enqueue_dma source(%dma_start3A_176 : memref<10000xi32, #tpu.memory_space<hbm>>) target(%arg12 : memref<10000xi32, #tpu.memory_space<vmem>>) target_semaphore(%arg23 : memref<!tpu.dma_semaphore, #tpu.memory_space<semaphore_mem>>)
    %dma_start3A_177 = arith.constant 0 : i32
    %dma_start3A_178 = tpu.memref_slice %arg2[%dma_start3A_177, %add3A_174] : memref<4x1600000xf32, #tpu.memory_space<hbm>> -> memref<1x10000xf32, #tpu.memory_space<hbm>>
    %dma_start3A_179 = tpu.memref_squeeze %dma_start3A_178 : memref<1x10000xf32, #tpu.memory_space<hbm>> -> memref<10000xf32, #tpu.memory_space<hbm>>
    %dma_start3A_180 = tpu.memref_slice %arg2[%dma_start3A_177, %add3A_174] : memref<4x1600000xf32, #tpu.memory_space<hbm>> -> memref<1x10000xf32, #tpu.memory_space<hbm>>
    %dma_start3A_181 = tpu.memref_squeeze %dma_start3A_180 : memref<1x10000xf32, #tpu.memory_space<hbm>> -> memref<10000xf32, #tpu.memory_space<hbm>>
    tpu.enqueue_dma source(%dma_start3A_181 : memref<10000xf32, #tpu.memory_space<hbm>>) target(%arg13 : memref<10000xf32, #tpu.memory_space<vmem>>) target_semaphore(%arg23 : memref<!tpu.dma_semaphore, #tpu.memory_space<semaphore_mem>>)
    %dma_start3A_182 = arith.constant 1 : i32
    %dma_start3A_183 = tpu.memref_slice %arg2[%dma_start3A_182, %add3A_174] : memref<4x1600000xf32, #tpu.memory_space<hbm>> -> memref<1x10000xf32, #tpu.memory_space<hbm>>
    %dma_start3A_184 = tpu.memref_squeeze %dma_start3A_183 : memref<1x10000xf32, #tpu.memory_space<hbm>> -> memref<10000xf32, #tpu.memory_space<hbm>>
    %dma_start3A_185 = tpu.memref_slice %arg2[%dma_start3A_182, %add3A_174] : memref<4x1600000xf32, #tpu.memory_space<hbm>> -> memref<1x10000xf32, #tpu.memory_space<hbm>>
    %dma_start3A_186 = tpu.memref_squeeze %dma_start3A_185 : memref<1x10000xf32, #tpu.memory_space<hbm>> -> memref<10000xf32, #tpu.memory_space<hbm>>
    tpu.enqueue_dma source(%dma_start3A_186 : memref<10000xf32, #tpu.memory_space<hbm>>) target(%arg14 : memref<10000xf32, #tpu.memory_space<vmem>>) target_semaphore(%arg23 : memref<!tpu.dma_semaphore, #tpu.memory_space<semaphore_mem>>)
    %dma_start3A_187 = arith.constant 2 : i32
    %dma_start3A_188 = tpu.memref_slice %arg2[%dma_start3A_187, %add3A_174] : memref<4x1600000xf32, #tpu.memory_space<hbm>> -> memref<1x10000xf32, #tpu.memory_space<hbm>>
    %dma_start3A_189 = tpu.memref_squeeze %dma_start3A_188 : memref<1x10000xf32, #tpu.memory_space<hbm>> -> memref<10000xf32, #tpu.memory_space<hbm>>
    %dma_start3A_190 = tpu.memref_slice %arg2[%dma_start3A_187, %add3A_174] : memref<4x1600000xf32, #tpu.memory_space<hbm>> -> memref<1x10000xf32, #tpu.memory_space<hbm>>
    %dma_start3A_191 = tpu.memref_squeeze %dma_start3A_190 : memref<1x10000xf32, #tpu.memory_space<hbm>> -> memref<10000xf32, #tpu.memory_space<hbm>>
    tpu.enqueue_dma source(%dma_start3A_191 : memref<10000xf32, #tpu.memory_space<hbm>>) target(%arg15 : memref<10000xf32, #tpu.memory_space<vmem>>) target_semaphore(%arg23 : memref<!tpu.dma_semaphore, #tpu.memory_space<semaphore_mem>>)
    %dma_start3A_192 = arith.constant 3 : i32
    %dma_start3A_193 = tpu.memref_slice %arg2[%dma_start3A_192, %add3A_174] : memref<4x1600000xf32, #tpu.memory_space<hbm>> -> memref<1x10000xf32, #tpu.memory_space<hbm>>
    %dma_start3A_194 = tpu.memref_squeeze %dma_start3A_193 : memref<1x10000xf32, #tpu.memory_space<hbm>> -> memref<10000xf32, #tpu.memory_space<hbm>>
    %dma_start3A_195 = tpu.memref_slice %arg2[%dma_start3A_192, %add3A_174] : memref<4x1600000xf32, #tpu.memory_space<hbm>> -> memref<1x10000xf32, #tpu.memory_space<hbm>>
    %dma_start3A_196 = tpu.memref_squeeze %dma_start3A_195 : memref<1x10000xf32, #tpu.memory_space<hbm>> -> memref<10000xf32, #tpu.memory_space<hbm>>
    tpu.enqueue_dma source(%dma_start3A_196 : memref<10000xf32, #tpu.memory_space<hbm>>) target(%arg16 : memref<10000xf32, #tpu.memory_space<vmem>>) target_semaphore(%arg23 : memref<!tpu.dma_semaphore, #tpu.memory_space<semaphore_mem>>)
    %dma_wait3A_197 = tpu.memref_slice %arg3[%add3A_110] : memref<1600000xi32, #tpu.memory_space<hbm>> -> memref<10000xi32, #tpu.memory_space<hbm>>
    %dma_wait3A_198 = tpu.memref_slice %arg3[%add3A_110] : memref<1600000xi32, #tpu.memory_space<hbm>> -> memref<10000xi32, #tpu.memory_space<hbm>>
    tpu.wait_dma2 semaphore(%arg21 : memref<!tpu.dma_semaphore, #tpu.memory_space<semaphore_mem>>) src(%dma_wait3A_198 : memref<10000xi32, #tpu.memory_space<hbm>>) dst(%arg7 : memref<10000xi32, #tpu.memory_space<vmem>>)
    %dma_wait3A_199 = arith.constant 0 : i32
    %dma_wait3A_200 = tpu.memref_slice %arg2[%dma_wait3A_199, %add3A_110] : memref<4x1600000xf32, #tpu.memory_space<hbm>> -> memref<1x10000xf32, #tpu.memory_space<hbm>>
    %dma_wait3A_201 = tpu.memref_squeeze %dma_wait3A_200 : memref<1x10000xf32, #tpu.memory_space<hbm>> -> memref<10000xf32, #tpu.memory_space<hbm>>
    %dma_wait3A_202 = tpu.memref_slice %arg2[%dma_wait3A_199, %add3A_110] : memref<4x1600000xf32, #tpu.memory_space<hbm>> -> memref<1x10000xf32, #tpu.memory_space<hbm>>
    %dma_wait3A_203 = tpu.memref_squeeze %dma_wait3A_202 : memref<1x10000xf32, #tpu.memory_space<hbm>> -> memref<10000xf32, #tpu.memory_space<hbm>>
    tpu.wait_dma2 semaphore(%arg21 : memref<!tpu.dma_semaphore, #tpu.memory_space<semaphore_mem>>) src(%dma_wait3A_203 : memref<10000xf32, #tpu.memory_space<hbm>>) dst(%arg8 : memref<10000xf32, #tpu.memory_space<vmem>>)
    %dma_wait3A_204 = arith.constant 1 : i32
    %dma_wait3A_205 = tpu.memref_slice %arg2[%dma_wait3A_204, %add3A_110] : memref<4x1600000xf32, #tpu.memory_space<hbm>> -> memref<1x10000xf32, #tpu.memory_space<hbm>>
    %dma_wait3A_206 = tpu.memref_squeeze %dma_wait3A_205 : memref<1x10000xf32, #tpu.memory_space<hbm>> -> memref<10000xf32, #tpu.memory_space<hbm>>
    %dma_wait3A_207 = tpu.memref_slice %arg2[%dma_wait3A_204, %add3A_110] : memref<4x1600000xf32, #tpu.memory_space<hbm>> -> memref<1x10000xf32, #tpu.memory_space<hbm>>
    %dma_wait3A_208 = tpu.memref_squeeze %dma_wait3A_207 : memref<1x10000xf32, #tpu.memory_space<hbm>> -> memref<10000xf32, #tpu.memory_space<hbm>>
    tpu.wait_dma2 semaphore(%arg21 : memref<!tpu.dma_semaphore, #tpu.memory_space<semaphore_mem>>) src(%dma_wait3A_208 : memref<10000xf32, #tpu.memory_space<hbm>>) dst(%arg9 : memref<10000xf32, #tpu.memory_space<vmem>>)
    %dma_wait3A_209 = arith.constant 2 : i32
    %dma_wait3A_210 = tpu.memref_slice %arg2[%dma_wait3A_209, %add3A_110] : memref<4x1600000xf32, #tpu.memory_space<hbm>> -> memref<1x10000xf32, #tpu.memory_space<hbm>>
    %dma_wait3A_211 = tpu.memref_squeeze %dma_wait3A_210 : memref<1x10000xf32, #tpu.memory_space<hbm>> -> memref<10000xf32, #tpu.memory_space<hbm>>
    %dma_wait3A_212 = tpu.memref_slice %arg2[%dma_wait3A_209, %add3A_110] : memref<4x1600000xf32, #tpu.memory_space<hbm>> -> memref<1x10000xf32, #tpu.memory_space<hbm>>
    %dma_wait3A_213 = tpu.memref_squeeze %dma_wait3A_212 : memref<1x10000xf32, #tpu.memory_space<hbm>> -> memref<10000xf32, #tpu.memory_space<hbm>>
    tpu.wait_dma2 semaphore(%arg21 : memref<!tpu.dma_semaphore, #tpu.memory_space<semaphore_mem>>) src(%dma_wait3A_213 : memref<10000xf32, #tpu.memory_space<hbm>>) dst(%arg10 : memref<10000xf32, #tpu.memory_space<vmem>>)
    %dma_wait3A_214 = arith.constant 3 : i32
    %dma_wait3A_215 = tpu.memref_slice %arg2[%dma_wait3A_214, %add3A_110] : memref<4x1600000xf32, #tpu.memory_space<hbm>> -> memref<1x10000xf32, #tpu.memory_space<hbm>>
    %dma_wait3A_216 = tpu.memref_squeeze %dma_wait3A_215 : memref<1x10000xf32, #tpu.memory_space<hbm>> -> memref<10000xf32, #tpu.memory_space<hbm>>
    %dma_wait3A_217 = tpu.memref_slice %arg2[%dma_wait3A_214, %add3A_110] : memref<4x1600000xf32, #tpu.memory_space<hbm>> -> memref<1x10000xf32, #tpu.memory_space<hbm>>
    %dma_wait3A_218 = tpu.memref_squeeze %dma_wait3A_217 : memref<1x10000xf32, #tpu.memory_space<hbm>> -> memref<10000xf32, #tpu.memory_space<hbm>>
    tpu.wait_dma2 semaphore(%arg21 : memref<!tpu.dma_semaphore, #tpu.memory_space<semaphore_mem>>) src(%dma_wait3A_218 : memref<10000xf32, #tpu.memory_space<hbm>>) dst(%arg11 : memref<10000xf32, #tpu.memory_space<vmem>>)
    %dma_start3A_219 = arith.constant 0 : i32
    %dma_start3A_220 = tpu.memref_slice %arg17[%dma_start3A_219] : memref<100096xf32, #tpu.memory_space<vmem_shared>> -> memref<100096xf32, #tpu.memory_space<vmem_shared>>
    tpu.enqueue_indirect_dma source(%arg8 : memref<10000xf32, #tpu.memory_space<vmem>>) target(%dma_start3A_220 : memref<100096xf32, #tpu.memory_space<vmem_shared>>) offsets(%arg7 : memref<10000xi32, #tpu.memory_space<vmem>>) semaphore(%arg22 : memref<!tpu.dma_semaphore, #tpu.memory_space<semaphore_mem>>) {add = true}
    %dma_start3A_221 = arith.constant 0 : i32
    %dma_start3A_222 = tpu.memref_slice %arg18[%dma_start3A_221] : memref<100096xf32, #tpu.memory_space<vmem_shared>> -> memref<100096xf32, #tpu.memory_space<vmem_shared>>
    tpu.enqueue_indirect_dma source(%arg9 : memref<10000xf32, #tpu.memory_space<vmem>>) target(%dma_start3A_222 : memref<100096xf32, #tpu.memory_space<vmem_shared>>) offsets(%arg7 : memref<10000xi32, #tpu.memory_space<vmem>>) semaphore(%arg22 : memref<!tpu.dma_semaphore, #tpu.memory_space<semaphore_mem>>) {add = true}
    %dma_start3A_223 = arith.constant 0 : i32
    %dma_start3A_224 = tpu.memref_slice %arg19[%dma_start3A_223] : memref<100096xf32, #tpu.memory_space<vmem_shared>> -> memref<100096xf32, #tpu.memory_space<vmem_shared>>
    tpu.enqueue_indirect_dma source(%arg10 : memref<10000xf32, #tpu.memory_space<vmem>>) target(%dma_start3A_224 : memref<100096xf32, #tpu.memory_space<vmem_shared>>) offsets(%arg7 : memref<10000xi32, #tpu.memory_space<vmem>>) semaphore(%arg22 : memref<!tpu.dma_semaphore, #tpu.memory_space<semaphore_mem>>) {add = true}
    %dma_start3A_225 = arith.constant 0 : i32
    %dma_start3A_226 = tpu.memref_slice %arg20[%dma_start3A_225] : memref<100096xf32, #tpu.memory_space<vmem_shared>> -> memref<100096xf32, #tpu.memory_space<vmem_shared>>
    tpu.enqueue_indirect_dma source(%arg11 : memref<10000xf32, #tpu.memory_space<vmem>>) target(%dma_start3A_226 : memref<100096xf32, #tpu.memory_space<vmem_shared>>) offsets(%arg7 : memref<10000xi32, #tpu.memory_space<vmem>>) semaphore(%arg22 : memref<!tpu.dma_semaphore, #tpu.memory_space<semaphore_mem>>) {add = true}
    %dma_wait3A_227 = arith.constant 0 : i32
    %dma_wait3A_228 = tpu.memref_slice %arg17[%dma_wait3A_227] : memref<100096xf32, #tpu.memory_space<vmem_shared>> -> memref<100096xf32, #tpu.memory_space<vmem_shared>>
    tpu.wait_indirect_dma semaphore(%arg22 : memref<!tpu.dma_semaphore, #tpu.memory_space<semaphore_mem>>) src(%arg8 : memref<10000xf32, #tpu.memory_space<vmem>>) dst(%dma_wait3A_228 : memref<100096xf32, #tpu.memory_space<vmem_shared>>)
    %dma_wait3A_229 = arith.constant 0 : i32
    %dma_wait3A_230 = tpu.memref_slice %arg18[%dma_wait3A_229] : memref<100096xf32, #tpu.memory_space<vmem_shared>> -> memref<100096xf32, #tpu.memory_space<vmem_shared>>
    tpu.wait_indirect_dma semaphore(%arg22 : memref<!tpu.dma_semaphore, #tpu.memory_space<semaphore_mem>>) src(%arg9 : memref<10000xf32, #tpu.memory_space<vmem>>) dst(%dma_wait3A_230 : memref<100096xf32, #tpu.memory_space<vmem_shared>>)
    %dma_wait3A_231 = arith.constant 0 : i32
    %dma_wait3A_232 = tpu.memref_slice %arg19[%dma_wait3A_231] : memref<100096xf32, #tpu.memory_space<vmem_shared>> -> memref<100096xf32, #tpu.memory_space<vmem_shared>>
    tpu.wait_indirect_dma semaphore(%arg22 : memref<!tpu.dma_semaphore, #tpu.memory_space<semaphore_mem>>) src(%arg10 : memref<10000xf32, #tpu.memory_space<vmem>>) dst(%dma_wait3A_232 : memref<100096xf32, #tpu.memory_space<vmem_shared>>)
    %dma_wait3A_233 = arith.constant 0 : i32
    %dma_wait3A_234 = tpu.memref_slice %arg20[%dma_wait3A_233] : memref<100096xf32, #tpu.memory_space<vmem_shared>> -> memref<100096xf32, #tpu.memory_space<vmem_shared>>
    tpu.wait_indirect_dma semaphore(%arg22 : memref<!tpu.dma_semaphore, #tpu.memory_space<semaphore_mem>>) src(%arg11 : memref<10000xf32, #tpu.memory_space<vmem>>) dst(%dma_wait3A_234 : memref<100096xf32, #tpu.memory_space<vmem_shared>>)
    %mul3A_235 = arith.constant 100000 : i32
    %mul3A_236 = arith.muli %arg1, %mul3A_235 : i32
    %add3A_237 = arith.constant 40000 : i32
    %add3A_238 = arith.addi %mul3A_236, %add3A_237 : i32
    %dma_start3A_239 = tpu.memref_slice %arg3[%add3A_238] : memref<1600000xi32, #tpu.memory_space<hbm>> -> memref<10000xi32, #tpu.memory_space<hbm>>
    %dma_start3A_240 = tpu.memref_slice %arg3[%add3A_238] : memref<1600000xi32, #tpu.memory_space<hbm>> -> memref<10000xi32, #tpu.memory_space<hbm>>
    tpu.enqueue_dma source(%dma_start3A_240 : memref<10000xi32, #tpu.memory_space<hbm>>) target(%arg7 : memref<10000xi32, #tpu.memory_space<vmem>>) target_semaphore(%arg21 : memref<!tpu.dma_semaphore, #tpu.memory_space<semaphore_mem>>)
    %dma_start3A_241 = arith.constant 0 : i32
    %dma_start3A_242 = tpu.memref_slice %arg2[%dma_start3A_241, %add3A_238] : memref<4x1600000xf32, #tpu.memory_space<hbm>> -> memref<1x10000xf32, #tpu.memory_space<hbm>>
    %dma_start3A_243 = tpu.memref_squeeze %dma_start3A_242 : memref<1x10000xf32, #tpu.memory_space<hbm>> -> memref<10000xf32, #tpu.memory_space<hbm>>
    %dma_start3A_244 = tpu.memref_slice %arg2[%dma_start3A_241, %add3A_238] : memref<4x1600000xf32, #tpu.memory_space<hbm>> -> memref<1x10000xf32, #tpu.memory_space<hbm>>
    %dma_start3A_245 = tpu.memref_squeeze %dma_start3A_244 : memref<1x10000xf32, #tpu.memory_space<hbm>> -> memref<10000xf32, #tpu.memory_space<hbm>>
    tpu.enqueue_dma source(%dma_start3A_245 : memref<10000xf32, #tpu.memory_space<hbm>>) target(%arg8 : memref<10000xf32, #tpu.memory_space<vmem>>) target_semaphore(%arg21 : memref<!tpu.dma_semaphore, #tpu.memory_space<semaphore_mem>>)
    %dma_start3A_246 = arith.constant 1 : i32
    %dma_start3A_247 = tpu.memref_slice %arg2[%dma_start3A_246, %add3A_238] : memref<4x1600000xf32, #tpu.memory_space<hbm>> -> memref<1x10000xf32, #tpu.memory_space<hbm>>
    %dma_start3A_248 = tpu.memref_squeeze %dma_start3A_247 : memref<1x10000xf32, #tpu.memory_space<hbm>> -> memref<10000xf32, #tpu.memory_space<hbm>>
    %dma_start3A_249 = tpu.memref_slice %arg2[%dma_start3A_246, %add3A_238] : memref<4x1600000xf32, #tpu.memory_space<hbm>> -> memref<1x10000xf32, #tpu.memory_space<hbm>>
    %dma_start3A_250 = tpu.memref_squeeze %dma_start3A_249 : memref<1x10000xf32, #tpu.memory_space<hbm>> -> memref<10000xf32, #tpu.memory_space<hbm>>
    tpu.enqueue_dma source(%dma_start3A_250 : memref<10000xf32, #tpu.memory_space<hbm>>) target(%arg9 : memref<10000xf32, #tpu.memory_space<vmem>>) target_semaphore(%arg21 : memref<!tpu.dma_semaphore, #tpu.memory_space<semaphore_mem>>)
    %dma_start3A_251 = arith.constant 2 : i32
    %dma_start3A_252 = tpu.memref_slice %arg2[%dma_start3A_251, %add3A_238] : memref<4x1600000xf32, #tpu.memory_space<hbm>> -> memref<1x10000xf32, #tpu.memory_space<hbm>>
    %dma_start3A_253 = tpu.memref_squeeze %dma_start3A_252 : memref<1x10000xf32, #tpu.memory_space<hbm>> -> memref<10000xf32, #tpu.memory_space<hbm>>
    %dma_start3A_254 = tpu.memref_slice %arg2[%dma_start3A_251, %add3A_238] : memref<4x1600000xf32, #tpu.memory_space<hbm>> -> memref<1x10000xf32, #tpu.memory_space<hbm>>
    %dma_start3A_255 = tpu.memref_squeeze %dma_start3A_254 : memref<1x10000xf32, #tpu.memory_space<hbm>> -> memref<10000xf32, #tpu.memory_space<hbm>>
    tpu.enqueue_dma source(%dma_start3A_255 : memref<10000xf32, #tpu.memory_space<hbm>>) target(%arg10 : memref<10000xf32, #tpu.memory_space<vmem>>) target_semaphore(%arg21 : memref<!tpu.dma_semaphore, #tpu.memory_space<semaphore_mem>>)
    %dma_start3A_256 = arith.constant 3 : i32
    %dma_start3A_257 = tpu.memref_slice %arg2[%dma_start3A_256, %add3A_238] : memref<4x1600000xf32, #tpu.memory_space<hbm>> -> memref<1x10000xf32, #tpu.memory_space<hbm>>
    %dma_start3A_258 = tpu.memref_squeeze %dma_start3A_257 : memref<1x10000xf32, #tpu.memory_space<hbm>> -> memref<10000xf32, #tpu.memory_space<hbm>>
    %dma_start3A_259 = tpu.memref_slice %arg2[%dma_start3A_256, %add3A_238] : memref<4x1600000xf32, #tpu.memory_space<hbm>> -> memref<1x10000xf32, #tpu.memory_space<hbm>>
    %dma_start3A_260 = tpu.memref_squeeze %dma_start3A_259 : memref<1x10000xf32, #tpu.memory_space<hbm>> -> memref<10000xf32, #tpu.memory_space<hbm>>
    tpu.enqueue_dma source(%dma_start3A_260 : memref<10000xf32, #tpu.memory_space<hbm>>) target(%arg11 : memref<10000xf32, #tpu.memory_space<vmem>>) target_semaphore(%arg21 : memref<!tpu.dma_semaphore, #tpu.memory_space<semaphore_mem>>)
    %dma_wait3A_261 = tpu.memref_slice %arg3[%add3A_174] : memref<1600000xi32, #tpu.memory_space<hbm>> -> memref<10000xi32, #tpu.memory_space<hbm>>
    %dma_wait3A_262 = tpu.memref_slice %arg3[%add3A_174] : memref<1600000xi32, #tpu.memory_space<hbm>> -> memref<10000xi32, #tpu.memory_space<hbm>>
    tpu.wait_dma2 semaphore(%arg23 : memref<!tpu.dma_semaphore, #tpu.memory_space<semaphore_mem>>) src(%dma_wait3A_262 : memref<10000xi32, #tpu.memory_space<hbm>>) dst(%arg12 : memref<10000xi32, #tpu.memory_space<vmem>>)
    %dma_wait3A_263 = arith.constant 0 : i32
    %dma_wait3A_264 = tpu.memref_slice %arg2[%dma_wait3A_263, %add3A_174] : memref<4x1600000xf32, #tpu.memory_space<hbm>> -> memref<1x10000xf32, #tpu.memory_space<hbm>>
    %dma_wait3A_265 = tpu.memref_squeeze %dma_wait3A_264 : memref<1x10000xf32, #tpu.memory_space<hbm>> -> memref<10000xf32, #tpu.memory_space<hbm>>
    %dma_wait3A_266 = tpu.memref_slice %arg2[%dma_wait3A_263, %add3A_174] : memref<4x1600000xf32, #tpu.memory_space<hbm>> -> memref<1x10000xf32, #tpu.memory_space<hbm>>
    %dma_wait3A_267 = tpu.memref_squeeze %dma_wait3A_266 : memref<1x10000xf32, #tpu.memory_space<hbm>> -> memref<10000xf32, #tpu.memory_space<hbm>>
    tpu.wait_dma2 semaphore(%arg23 : memref<!tpu.dma_semaphore, #tpu.memory_space<semaphore_mem>>) src(%dma_wait3A_267 : memref<10000xf32, #tpu.memory_space<hbm>>) dst(%arg13 : memref<10000xf32, #tpu.memory_space<vmem>>)
    %dma_wait3A_268 = arith.constant 1 : i32
    %dma_wait3A_269 = tpu.memref_slice %arg2[%dma_wait3A_268, %add3A_174] : memref<4x1600000xf32, #tpu.memory_space<hbm>> -> memref<1x10000xf32, #tpu.memory_space<hbm>>
    %dma_wait3A_270 = tpu.memref_squeeze %dma_wait3A_269 : memref<1x10000xf32, #tpu.memory_space<hbm>> -> memref<10000xf32, #tpu.memory_space<hbm>>
    %dma_wait3A_271 = tpu.memref_slice %arg2[%dma_wait3A_268, %add3A_174] : memref<4x1600000xf32, #tpu.memory_space<hbm>> -> memref<1x10000xf32, #tpu.memory_space<hbm>>
    %dma_wait3A_272 = tpu.memref_squeeze %dma_wait3A_271 : memref<1x10000xf32, #tpu.memory_space<hbm>> -> memref<10000xf32, #tpu.memory_space<hbm>>
    tpu.wait_dma2 semaphore(%arg23 : memref<!tpu.dma_semaphore, #tpu.memory_space<semaphore_mem>>) src(%dma_wait3A_272 : memref<10000xf32, #tpu.memory_space<hbm>>) dst(%arg14 : memref<10000xf32, #tpu.memory_space<vmem>>)
    %dma_wait3A_273 = arith.constant 2 : i32
    %dma_wait3A_274 = tpu.memref_slice %arg2[%dma_wait3A_273, %add3A_174] : memref<4x1600000xf32, #tpu.memory_space<hbm>> -> memref<1x10000xf32, #tpu.memory_space<hbm>>
    %dma_wait3A_275 = tpu.memref_squeeze %dma_wait3A_274 : memref<1x10000xf32, #tpu.memory_space<hbm>> -> memref<10000xf32, #tpu.memory_space<hbm>>
    %dma_wait3A_276 = tpu.memref_slice %arg2[%dma_wait3A_273, %add3A_174] : memref<4x1600000xf32, #tpu.memory_space<hbm>> -> memref<1x10000xf32, #tpu.memory_space<hbm>>
    %dma_wait3A_277 = tpu.memref_squeeze %dma_wait3A_276 : memref<1x10000xf32, #tpu.memory_space<hbm>> -> memref<10000xf32, #tpu.memory_space<hbm>>
    tpu.wait_dma2 semaphore(%arg23 : memref<!tpu.dma_semaphore, #tpu.memory_space<semaphore_mem>>) src(%dma_wait3A_277 : memref<10000xf32, #tpu.memory_space<hbm>>) dst(%arg15 : memref<10000xf32, #tpu.memory_space<vmem>>)
    %dma_wait3A_278 = arith.constant 3 : i32
    %dma_wait3A_279 = tpu.memref_slice %arg2[%dma_wait3A_278, %add3A_174] : memref<4x1600000xf32, #tpu.memory_space<hbm>> -> memref<1x10000xf32, #tpu.memory_space<hbm>>
    %dma_wait3A_280 = tpu.memref_squeeze %dma_wait3A_279 : memref<1x10000xf32, #tpu.memory_space<hbm>> -> memref<10000xf32, #tpu.memory_space<hbm>>
    %dma_wait3A_281 = tpu.memref_slice %arg2[%dma_wait3A_278, %add3A_174] : memref<4x1600000xf32, #tpu.memory_space<hbm>> -> memref<1x10000xf32, #tpu.memory_space<hbm>>
    %dma_wait3A_282 = tpu.memref_squeeze %dma_wait3A_281 : memref<1x10000xf32, #tpu.memory_space<hbm>> -> memref<10000xf32, #tpu.memory_space<hbm>>
    tpu.wait_dma2 semaphore(%arg23 : memref<!tpu.dma_semaphore, #tpu.memory_space<semaphore_mem>>) src(%dma_wait3A_282 : memref<10000xf32, #tpu.memory_space<hbm>>) dst(%arg16 : memref<10000xf32, #tpu.memory_space<vmem>>)
    %dma_start3A_283 = arith.constant 0 : i32
    %dma_start3A_284 = tpu.memref_slice %arg17[%dma_start3A_283] : memref<100096xf32, #tpu.memory_space<vmem_shared>> -> memref<100096xf32, #tpu.memory_space<vmem_shared>>
    tpu.enqueue_indirect_dma source(%arg13 : memref<10000xf32, #tpu.memory_space<vmem>>) target(%dma_start3A_284 : memref<100096xf32, #tpu.memory_space<vmem_shared>>) offsets(%arg12 : memref<10000xi32, #tpu.memory_space<vmem>>) semaphore(%arg24 : memref<!tpu.dma_semaphore, #tpu.memory_space<semaphore_mem>>) {add = true}
    %dma_start3A_285 = arith.constant 0 : i32
    %dma_start3A_286 = tpu.memref_slice %arg18[%dma_start3A_285] : memref<100096xf32, #tpu.memory_space<vmem_shared>> -> memref<100096xf32, #tpu.memory_space<vmem_shared>>
    tpu.enqueue_indirect_dma source(%arg14 : memref<10000xf32, #tpu.memory_space<vmem>>) target(%dma_start3A_286 : memref<100096xf32, #tpu.memory_space<vmem_shared>>) offsets(%arg12 : memref<10000xi32, #tpu.memory_space<vmem>>) semaphore(%arg24 : memref<!tpu.dma_semaphore, #tpu.memory_space<semaphore_mem>>) {add = true}
    %dma_start3A_287 = arith.constant 0 : i32
    %dma_start3A_288 = tpu.memref_slice %arg19[%dma_start3A_287] : memref<100096xf32, #tpu.memory_space<vmem_shared>> -> memref<100096xf32, #tpu.memory_space<vmem_shared>>
    tpu.enqueue_indirect_dma source(%arg15 : memref<10000xf32, #tpu.memory_space<vmem>>) target(%dma_start3A_288 : memref<100096xf32, #tpu.memory_space<vmem_shared>>) offsets(%arg12 : memref<10000xi32, #tpu.memory_space<vmem>>) semaphore(%arg24 : memref<!tpu.dma_semaphore, #tpu.memory_space<semaphore_mem>>) {add = true}
    %dma_start3A_289 = arith.constant 0 : i32
    %dma_start3A_290 = tpu.memref_slice %arg20[%dma_start3A_289] : memref<100096xf32, #tpu.memory_space<vmem_shared>> -> memref<100096xf32, #tpu.memory_space<vmem_shared>>
    tpu.enqueue_indirect_dma source(%arg16 : memref<10000xf32, #tpu.memory_space<vmem>>) target(%dma_start3A_290 : memref<100096xf32, #tpu.memory_space<vmem_shared>>) offsets(%arg12 : memref<10000xi32, #tpu.memory_space<vmem>>) semaphore(%arg24 : memref<!tpu.dma_semaphore, #tpu.memory_space<semaphore_mem>>) {add = true}
    %dma_wait3A_291 = arith.constant 0 : i32
    %dma_wait3A_292 = tpu.memref_slice %arg17[%dma_wait3A_291] : memref<100096xf32, #tpu.memory_space<vmem_shared>> -> memref<100096xf32, #tpu.memory_space<vmem_shared>>
    tpu.wait_indirect_dma semaphore(%arg24 : memref<!tpu.dma_semaphore, #tpu.memory_space<semaphore_mem>>) src(%arg13 : memref<10000xf32, #tpu.memory_space<vmem>>) dst(%dma_wait3A_292 : memref<100096xf32, #tpu.memory_space<vmem_shared>>)
    %dma_wait3A_293 = arith.constant 0 : i32
    %dma_wait3A_294 = tpu.memref_slice %arg18[%dma_wait3A_293] : memref<100096xf32, #tpu.memory_space<vmem_shared>> -> memref<100096xf32, #tpu.memory_space<vmem_shared>>
    tpu.wait_indirect_dma semaphore(%arg24 : memref<!tpu.dma_semaphore, #tpu.memory_space<semaphore_mem>>) src(%arg14 : memref<10000xf32, #tpu.memory_space<vmem>>) dst(%dma_wait3A_294 : memref<100096xf32, #tpu.memory_space<vmem_shared>>)
    %dma_wait3A_295 = arith.constant 0 : i32
    %dma_wait3A_296 = tpu.memref_slice %arg19[%dma_wait3A_295] : memref<100096xf32, #tpu.memory_space<vmem_shared>> -> memref<100096xf32, #tpu.memory_space<vmem_shared>>
    tpu.wait_indirect_dma semaphore(%arg24 : memref<!tpu.dma_semaphore, #tpu.memory_space<semaphore_mem>>) src(%arg15 : memref<10000xf32, #tpu.memory_space<vmem>>) dst(%dma_wait3A_296 : memref<100096xf32, #tpu.memory_space<vmem_shared>>)
    %dma_wait3A_297 = arith.constant 0 : i32
    %dma_wait3A_298 = tpu.memref_slice %arg20[%dma_wait3A_297] : memref<100096xf32, #tpu.memory_space<vmem_shared>> -> memref<100096xf32, #tpu.memory_space<vmem_shared>>
    tpu.wait_indirect_dma semaphore(%arg24 : memref<!tpu.dma_semaphore, #tpu.memory_space<semaphore_mem>>) src(%arg16 : memref<10000xf32, #tpu.memory_space<vmem>>) dst(%dma_wait3A_298 : memref<100096xf32, #tpu.memory_space<vmem_shared>>)
    %mul3A_299 = arith.constant 100000 : i32
    %mul3A_300 = arith.muli %arg1, %mul3A_299 : i32
    %add3A_301 = arith.constant 50000 : i32
    %add3A_302 = arith.addi %mul3A_300, %add3A_301 : i32
    %dma_start3A_303 = tpu.memref_slice %arg3[%add3A_302] : memref<1600000xi32, #tpu.memory_space<hbm>> -> memref<10000xi32, #tpu.memory_space<hbm>>
    %dma_start3A_304 = tpu.memref_slice %arg3[%add3A_302] : memref<1600000xi32, #tpu.memory_space<hbm>> -> memref<10000xi32, #tpu.memory_space<hbm>>
    tpu.enqueue_dma source(%dma_start3A_304 : memref<10000xi32, #tpu.memory_space<hbm>>) target(%arg12 : memref<10000xi32, #tpu.memory_space<vmem>>) target_semaphore(%arg23 : memref<!tpu.dma_semaphore, #tpu.memory_space<semaphore_mem>>)
    %dma_start3A_305 = arith.constant 0 : i32
    %dma_start3A_306 = tpu.memref_slice %arg2[%dma_start3A_305, %add3A_302] : memref<4x1600000xf32, #tpu.memory_space<hbm>> -> memref<1x10000xf32, #tpu.memory_space<hbm>>
    %dma_start3A_307 = tpu.memref_squeeze %dma_start3A_306 : memref<1x10000xf32, #tpu.memory_space<hbm>> -> memref<10000xf32, #tpu.memory_space<hbm>>
    %dma_start3A_308 = tpu.memref_slice %arg2[%dma_start3A_305, %add3A_302] : memref<4x1600000xf32, #tpu.memory_space<hbm>> -> memref<1x10000xf32, #tpu.memory_space<hbm>>
    %dma_start3A_309 = tpu.memref_squeeze %dma_start3A_308 : memref<1x10000xf32, #tpu.memory_space<hbm>> -> memref<10000xf32, #tpu.memory_space<hbm>>
    tpu.enqueue_dma source(%dma_start3A_309 : memref<10000xf32, #tpu.memory_space<hbm>>) target(%arg13 : memref<10000xf32, #tpu.memory_space<vmem>>) target_semaphore(%arg23 : memref<!tpu.dma_semaphore, #tpu.memory_space<semaphore_mem>>)
    %dma_start3A_310 = arith.constant 1 : i32
    %dma_start3A_311 = tpu.memref_slice %arg2[%dma_start3A_310, %add3A_302] : memref<4x1600000xf32, #tpu.memory_space<hbm>> -> memref<1x10000xf32, #tpu.memory_space<hbm>>
    %dma_start3A_312 = tpu.memref_squeeze %dma_start3A_311 : memref<1x10000xf32, #tpu.memory_space<hbm>> -> memref<10000xf32, #tpu.memory_space<hbm>>
    %dma_start3A_313 = tpu.memref_slice %arg2[%dma_start3A_310, %add3A_302] : memref<4x1600000xf32, #tpu.memory_space<hbm>> -> memref<1x10000xf32, #tpu.memory_space<hbm>>
    %dma_start3A_314 = tpu.memref_squeeze %dma_start3A_313 : memref<1x10000xf32, #tpu.memory_space<hbm>> -> memref<10000xf32, #tpu.memory_space<hbm>>
    tpu.enqueue_dma source(%dma_start3A_314 : memref<10000xf32, #tpu.memory_space<hbm>>) target(%arg14 : memref<10000xf32, #tpu.memory_space<vmem>>) target_semaphore(%arg23 : memref<!tpu.dma_semaphore, #tpu.memory_space<semaphore_mem>>)
    %dma_start3A_315 = arith.constant 2 : i32
    %dma_start3A_316 = tpu.memref_slice %arg2[%dma_start3A_315, %add3A_302] : memref<4x1600000xf32, #tpu.memory_space<hbm>> -> memref<1x10000xf32, #tpu.memory_space<hbm>>
    %dma_start3A_317 = tpu.memref_squeeze %dma_start3A_316 : memref<1x10000xf32, #tpu.memory_space<hbm>> -> memref<10000xf32, #tpu.memory_space<hbm>>
    %dma_start3A_318 = tpu.memref_slice %arg2[%dma_start3A_315, %add3A_302] : memref<4x1600000xf32, #tpu.memory_space<hbm>> -> memref<1x10000xf32, #tpu.memory_space<hbm>>
    %dma_start3A_319 = tpu.memref_squeeze %dma_start3A_318 : memref<1x10000xf32, #tpu.memory_space<hbm>> -> memref<10000xf32, #tpu.memory_space<hbm>>
    tpu.enqueue_dma source(%dma_start3A_319 : memref<10000xf32, #tpu.memory_space<hbm>>) target(%arg15 : memref<10000xf32, #tpu.memory_space<vmem>>) target_semaphore(%arg23 : memref<!tpu.dma_semaphore, #tpu.memory_space<semaphore_mem>>)
    %dma_start3A_320 = arith.constant 3 : i32
    %dma_start3A_321 = tpu.memref_slice %arg2[%dma_start3A_320, %add3A_302] : memref<4x1600000xf32, #tpu.memory_space<hbm>> -> memref<1x10000xf32, #tpu.memory_space<hbm>>
    %dma_start3A_322 = tpu.memref_squeeze %dma_start3A_321 : memref<1x10000xf32, #tpu.memory_space<hbm>> -> memref<10000xf32, #tpu.memory_space<hbm>>
    %dma_start3A_323 = tpu.memref_slice %arg2[%dma_start3A_320, %add3A_302] : memref<4x1600000xf32, #tpu.memory_space<hbm>> -> memref<1x10000xf32, #tpu.memory_space<hbm>>
    %dma_start3A_324 = tpu.memref_squeeze %dma_start3A_323 : memref<1x10000xf32, #tpu.memory_space<hbm>> -> memref<10000xf32, #tpu.memory_space<hbm>>
    tpu.enqueue_dma source(%dma_start3A_324 : memref<10000xf32, #tpu.memory_space<hbm>>) target(%arg16 : memref<10000xf32, #tpu.memory_space<vmem>>) target_semaphore(%arg23 : memref<!tpu.dma_semaphore, #tpu.memory_space<semaphore_mem>>)
    %dma_wait3A_325 = tpu.memref_slice %arg3[%add3A_238] : memref<1600000xi32, #tpu.memory_space<hbm>> -> memref<10000xi32, #tpu.memory_space<hbm>>
    %dma_wait3A_326 = tpu.memref_slice %arg3[%add3A_238] : memref<1600000xi32, #tpu.memory_space<hbm>> -> memref<10000xi32, #tpu.memory_space<hbm>>
    tpu.wait_dma2 semaphore(%arg21 : memref<!tpu.dma_semaphore, #tpu.memory_space<semaphore_mem>>) src(%dma_wait3A_326 : memref<10000xi32, #tpu.memory_space<hbm>>) dst(%arg7 : memref<10000xi32, #tpu.memory_space<vmem>>)
    %dma_wait3A_327 = arith.constant 0 : i32
    %dma_wait3A_328 = tpu.memref_slice %arg2[%dma_wait3A_327, %add3A_238] : memref<4x1600000xf32, #tpu.memory_space<hbm>> -> memref<1x10000xf32, #tpu.memory_space<hbm>>
    %dma_wait3A_329 = tpu.memref_squeeze %dma_wait3A_328 : memref<1x10000xf32, #tpu.memory_space<hbm>> -> memref<10000xf32, #tpu.memory_space<hbm>>
    %dma_wait3A_330 = tpu.memref_slice %arg2[%dma_wait3A_327, %add3A_238] : memref<4x1600000xf32, #tpu.memory_space<hbm>> -> memref<1x10000xf32, #tpu.memory_space<hbm>>
    %dma_wait3A_331 = tpu.memref_squeeze %dma_wait3A_330 : memref<1x10000xf32, #tpu.memory_space<hbm>> -> memref<10000xf32, #tpu.memory_space<hbm>>
    tpu.wait_dma2 semaphore(%arg21 : memref<!tpu.dma_semaphore, #tpu.memory_space<semaphore_mem>>) src(%dma_wait3A_331 : memref<10000xf32, #tpu.memory_space<hbm>>) dst(%arg8 : memref<10000xf32, #tpu.memory_space<vmem>>)
    %dma_wait3A_332 = arith.constant 1 : i32
    %dma_wait3A_333 = tpu.memref_slice %arg2[%dma_wait3A_332, %add3A_238] : memref<4x1600000xf32, #tpu.memory_space<hbm>> -> memref<1x10000xf32, #tpu.memory_space<hbm>>
    %dma_wait3A_334 = tpu.memref_squeeze %dma_wait3A_333 : memref<1x10000xf32, #tpu.memory_space<hbm>> -> memref<10000xf32, #tpu.memory_space<hbm>>
    %dma_wait3A_335 = tpu.memref_slice %arg2[%dma_wait3A_332, %add3A_238] : memref<4x1600000xf32, #tpu.memory_space<hbm>> -> memref<1x10000xf32, #tpu.memory_space<hbm>>
    %dma_wait3A_336 = tpu.memref_squeeze %dma_wait3A_335 : memref<1x10000xf32, #tpu.memory_space<hbm>> -> memref<10000xf32, #tpu.memory_space<hbm>>
    tpu.wait_dma2 semaphore(%arg21 : memref<!tpu.dma_semaphore, #tpu.memory_space<semaphore_mem>>) src(%dma_wait3A_336 : memref<10000xf32, #tpu.memory_space<hbm>>) dst(%arg9 : memref<10000xf32, #tpu.memory_space<vmem>>)
    %dma_wait3A_337 = arith.constant 2 : i32
    %dma_wait3A_338 = tpu.memref_slice %arg2[%dma_wait3A_337, %add3A_238] : memref<4x1600000xf32, #tpu.memory_space<hbm>> -> memref<1x10000xf32, #tpu.memory_space<hbm>>
    %dma_wait3A_339 = tpu.memref_squeeze %dma_wait3A_338 : memref<1x10000xf32, #tpu.memory_space<hbm>> -> memref<10000xf32, #tpu.memory_space<hbm>>
    %dma_wait3A_340 = tpu.memref_slice %arg2[%dma_wait3A_337, %add3A_238] : memref<4x1600000xf32, #tpu.memory_space<hbm>> -> memref<1x10000xf32, #tpu.memory_space<hbm>>
    %dma_wait3A_341 = tpu.memref_squeeze %dma_wait3A_340 : memref<1x10000xf32, #tpu.memory_space<hbm>> -> memref<10000xf32, #tpu.memory_space<hbm>>
    tpu.wait_dma2 semaphore(%arg21 : memref<!tpu.dma_semaphore, #tpu.memory_space<semaphore_mem>>) src(%dma_wait3A_341 : memref<10000xf32, #tpu.memory_space<hbm>>) dst(%arg10 : memref<10000xf32, #tpu.memory_space<vmem>>)
    %dma_wait3A_342 = arith.constant 3 : i32
    %dma_wait3A_343 = tpu.memref_slice %arg2[%dma_wait3A_342, %add3A_238] : memref<4x1600000xf32, #tpu.memory_space<hbm>> -> memref<1x10000xf32, #tpu.memory_space<hbm>>
    %dma_wait3A_344 = tpu.memref_squeeze %dma_wait3A_343 : memref<1x10000xf32, #tpu.memory_space<hbm>> -> memref<10000xf32, #tpu.memory_space<hbm>>
    %dma_wait3A_345 = tpu.memref_slice %arg2[%dma_wait3A_342, %add3A_238] : memref<4x1600000xf32, #tpu.memory_space<hbm>> -> memref<1x10000xf32, #tpu.memory_space<hbm>>
    %dma_wait3A_346 = tpu.memref_squeeze %dma_wait3A_345 : memref<1x10000xf32, #tpu.memory_space<hbm>> -> memref<10000xf32, #tpu.memory_space<hbm>>
    tpu.wait_dma2 semaphore(%arg21 : memref<!tpu.dma_semaphore, #tpu.memory_space<semaphore_mem>>) src(%dma_wait3A_346 : memref<10000xf32, #tpu.memory_space<hbm>>) dst(%arg11 : memref<10000xf32, #tpu.memory_space<vmem>>)
    %dma_start3A_347 = arith.constant 0 : i32
    %dma_start3A_348 = tpu.memref_slice %arg17[%dma_start3A_347] : memref<100096xf32, #tpu.memory_space<vmem_shared>> -> memref<100096xf32, #tpu.memory_space<vmem_shared>>
    tpu.enqueue_indirect_dma source(%arg8 : memref<10000xf32, #tpu.memory_space<vmem>>) target(%dma_start3A_348 : memref<100096xf32, #tpu.memory_space<vmem_shared>>) offsets(%arg7 : memref<10000xi32, #tpu.memory_space<vmem>>) semaphore(%arg22 : memref<!tpu.dma_semaphore, #tpu.memory_space<semaphore_mem>>) {add = true}
    %dma_start3A_349 = arith.constant 0 : i32
    %dma_start3A_350 = tpu.memref_slice %arg18[%dma_start3A_349] : memref<100096xf32, #tpu.memory_space<vmem_shared>> -> memref<100096xf32, #tpu.memory_space<vmem_shared>>
    tpu.enqueue_indirect_dma source(%arg9 : memref<10000xf32, #tpu.memory_space<vmem>>) target(%dma_start3A_350 : memref<100096xf32, #tpu.memory_space<vmem_shared>>) offsets(%arg7 : memref<10000xi32, #tpu.memory_space<vmem>>) semaphore(%arg22 : memref<!tpu.dma_semaphore, #tpu.memory_space<semaphore_mem>>) {add = true}
    %dma_start3A_351 = arith.constant 0 : i32
    %dma_start3A_352 = tpu.memref_slice %arg19[%dma_start3A_351] : memref<100096xf32, #tpu.memory_space<vmem_shared>> -> memref<100096xf32, #tpu.memory_space<vmem_shared>>
    tpu.enqueue_indirect_dma source(%arg10 : memref<10000xf32, #tpu.memory_space<vmem>>) target(%dma_start3A_352 : memref<100096xf32, #tpu.memory_space<vmem_shared>>) offsets(%arg7 : memref<10000xi32, #tpu.memory_space<vmem>>) semaphore(%arg22 : memref<!tpu.dma_semaphore, #tpu.memory_space<semaphore_mem>>) {add = true}
    %dma_start3A_353 = arith.constant 0 : i32
    %dma_start3A_354 = tpu.memref_slice %arg20[%dma_start3A_353] : memref<100096xf32, #tpu.memory_space<vmem_shared>> -> memref<100096xf32, #tpu.memory_space<vmem_shared>>
    tpu.enqueue_indirect_dma source(%arg11 : memref<10000xf32, #tpu.memory_space<vmem>>) target(%dma_start3A_354 : memref<100096xf32, #tpu.memory_space<vmem_shared>>) offsets(%arg7 : memref<10000xi32, #tpu.memory_space<vmem>>) semaphore(%arg22 : memref<!tpu.dma_semaphore, #tpu.memory_space<semaphore_mem>>) {add = true}
    %dma_wait3A_355 = arith.constant 0 : i32
    %dma_wait3A_356 = tpu.memref_slice %arg17[%dma_wait3A_355] : memref<100096xf32, #tpu.memory_space<vmem_shared>> -> memref<100096xf32, #tpu.memory_space<vmem_shared>>
    tpu.wait_indirect_dma semaphore(%arg22 : memref<!tpu.dma_semaphore, #tpu.memory_space<semaphore_mem>>) src(%arg8 : memref<10000xf32, #tpu.memory_space<vmem>>) dst(%dma_wait3A_356 : memref<100096xf32, #tpu.memory_space<vmem_shared>>)
    %dma_wait3A_357 = arith.constant 0 : i32
    %dma_wait3A_358 = tpu.memref_slice %arg18[%dma_wait3A_357] : memref<100096xf32, #tpu.memory_space<vmem_shared>> -> memref<100096xf32, #tpu.memory_space<vmem_shared>>
    tpu.wait_indirect_dma semaphore(%arg22 : memref<!tpu.dma_semaphore, #tpu.memory_space<semaphore_mem>>) src(%arg9 : memref<10000xf32, #tpu.memory_space<vmem>>) dst(%dma_wait3A_358 : memref<100096xf32, #tpu.memory_space<vmem_shared>>)
    %dma_wait3A_359 = arith.constant 0 : i32
    %dma_wait3A_360 = tpu.memref_slice %arg19[%dma_wait3A_359] : memref<100096xf32, #tpu.memory_space<vmem_shared>> -> memref<100096xf32, #tpu.memory_space<vmem_shared>>
    tpu.wait_indirect_dma semaphore(%arg22 : memref<!tpu.dma_semaphore, #tpu.memory_space<semaphore_mem>>) src(%arg10 : memref<10000xf32, #tpu.memory_space<vmem>>) dst(%dma_wait3A_360 : memref<100096xf32, #tpu.memory_space<vmem_shared>>)
    %dma_wait3A_361 = arith.constant 0 : i32
    %dma_wait3A_362 = tpu.memref_slice %arg20[%dma_wait3A_361] : memref<100096xf32, #tpu.memory_space<vmem_shared>> -> memref<100096xf32, #tpu.memory_space<vmem_shared>>
    tpu.wait_indirect_dma semaphore(%arg22 : memref<!tpu.dma_semaphore, #tpu.memory_space<semaphore_mem>>) src(%arg11 : memref<10000xf32, #tpu.memory_space<vmem>>) dst(%dma_wait3A_362 : memref<100096xf32, #tpu.memory_space<vmem_shared>>)
    %mul3A_363 = arith.constant 100000 : i32
    %mul3A_364 = arith.muli %arg1, %mul3A_363 : i32
    %add3A_365 = arith.constant 60000 : i32
    %add3A_366 = arith.addi %mul3A_364, %add3A_365 : i32
    %dma_start3A_367 = tpu.memref_slice %arg3[%add3A_366] : memref<1600000xi32, #tpu.memory_space<hbm>> -> memref<10000xi32, #tpu.memory_space<hbm>>
    %dma_start3A_368 = tpu.memref_slice %arg3[%add3A_366] : memref<1600000xi32, #tpu.memory_space<hbm>> -> memref<10000xi32, #tpu.memory_space<hbm>>
    tpu.enqueue_dma source(%dma_start3A_368 : memref<10000xi32, #tpu.memory_space<hbm>>) target(%arg7 : memref<10000xi32, #tpu.memory_space<vmem>>) target_semaphore(%arg21 : memref<!tpu.dma_semaphore, #tpu.memory_space<semaphore_mem>>)
    %dma_start3A_369 = arith.constant 0 : i32
    %dma_start3A_370 = tpu.memref_slice %arg2[%dma_start3A_369, %add3A_366] : memref<4x1600000xf32, #tpu.memory_space<hbm>> -> memref<1x10000xf32, #tpu.memory_space<hbm>>
    %dma_start3A_371 = tpu.memref_squeeze %dma_start3A_370 : memref<1x10000xf32, #tpu.memory_space<hbm>> -> memref<10000xf32, #tpu.memory_space<hbm>>
    %dma_start3A_372 = tpu.memref_slice %arg2[%dma_start3A_369, %add3A_366] : memref<4x1600000xf32, #tpu.memory_space<hbm>> -> memref<1x10000xf32, #tpu.memory_space<hbm>>
    %dma_start3A_373 = tpu.memref_squeeze %dma_start3A_372 : memref<1x10000xf32, #tpu.memory_space<hbm>> -> memref<10000xf32, #tpu.memory_space<hbm>>
    tpu.enqueue_dma source(%dma_start3A_373 : memref<10000xf32, #tpu.memory_space<hbm>>) target(%arg8 : memref<10000xf32, #tpu.memory_space<vmem>>) target_semaphore(%arg21 : memref<!tpu.dma_semaphore, #tpu.memory_space<semaphore_mem>>)
    %dma_start3A_374 = arith.constant 1 : i32
    %dma_start3A_375 = tpu.memref_slice %arg2[%dma_start3A_374, %add3A_366] : memref<4x1600000xf32, #tpu.memory_space<hbm>> -> memref<1x10000xf32, #tpu.memory_space<hbm>>
    %dma_start3A_376 = tpu.memref_squeeze %dma_start3A_375 : memref<1x10000xf32, #tpu.memory_space<hbm>> -> memref<10000xf32, #tpu.memory_space<hbm>>
    %dma_start3A_377 = tpu.memref_slice %arg2[%dma_start3A_374, %add3A_366] : memref<4x1600000xf32, #tpu.memory_space<hbm>> -> memref<1x10000xf32, #tpu.memory_space<hbm>>
    %dma_start3A_378 = tpu.memref_squeeze %dma_start3A_377 : memref<1x10000xf32, #tpu.memory_space<hbm>> -> memref<10000xf32, #tpu.memory_space<hbm>>
    tpu.enqueue_dma source(%dma_start3A_378 : memref<10000xf32, #tpu.memory_space<hbm>>) target(%arg9 : memref<10000xf32, #tpu.memory_space<vmem>>) target_semaphore(%arg21 : memref<!tpu.dma_semaphore, #tpu.memory_space<semaphore_mem>>)
    %dma_start3A_379 = arith.constant 2 : i32
    %dma_start3A_380 = tpu.memref_slice %arg2[%dma_start3A_379, %add3A_366] : memref<4x1600000xf32, #tpu.memory_space<hbm>> -> memref<1x10000xf32, #tpu.memory_space<hbm>>
    %dma_start3A_381 = tpu.memref_squeeze %dma_start3A_380 : memref<1x10000xf32, #tpu.memory_space<hbm>> -> memref<10000xf32, #tpu.memory_space<hbm>>
    %dma_start3A_382 = tpu.memref_slice %arg2[%dma_start3A_379, %add3A_366] : memref<4x1600000xf32, #tpu.memory_space<hbm>> -> memref<1x10000xf32, #tpu.memory_space<hbm>>
    %dma_start3A_383 = tpu.memref_squeeze %dma_start3A_382 : memref<1x10000xf32, #tpu.memory_space<hbm>> -> memref<10000xf32, #tpu.memory_space<hbm>>
    tpu.enqueue_dma source(%dma_start3A_383 : memref<10000xf32, #tpu.memory_space<hbm>>) target(%arg10 : memref<10000xf32, #tpu.memory_space<vmem>>) target_semaphore(%arg21 : memref<!tpu.dma_semaphore, #tpu.memory_space<semaphore_mem>>)
    %dma_start3A_384 = arith.constant 3 : i32
    %dma_start3A_385 = tpu.memref_slice %arg2[%dma_start3A_384, %add3A_366] : memref<4x1600000xf32, #tpu.memory_space<hbm>> -> memref<1x10000xf32, #tpu.memory_space<hbm>>
    %dma_start3A_386 = tpu.memref_squeeze %dma_start3A_385 : memref<1x10000xf32, #tpu.memory_space<hbm>> -> memref<10000xf32, #tpu.memory_space<hbm>>
    %dma_start3A_387 = tpu.memref_slice %arg2[%dma_start3A_384, %add3A_366] : memref<4x1600000xf32, #tpu.memory_space<hbm>> -> memref<1x10000xf32, #tpu.memory_space<hbm>>
    %dma_start3A_388 = tpu.memref_squeeze %dma_start3A_387 : memref<1x10000xf32, #tpu.memory_space<hbm>> -> memref<10000xf32, #tpu.memory_space<hbm>>
    tpu.enqueue_dma source(%dma_start3A_388 : memref<10000xf32, #tpu.memory_space<hbm>>) target(%arg11 : memref<10000xf32, #tpu.memory_space<vmem>>) target_semaphore(%arg21 : memref<!tpu.dma_semaphore, #tpu.memory_space<semaphore_mem>>)
    %dma_wait3A_389 = tpu.memref_slice %arg3[%add3A_302] : memref<1600000xi32, #tpu.memory_space<hbm>> -> memref<10000xi32, #tpu.memory_space<hbm>>
    %dma_wait3A_390 = tpu.memref_slice %arg3[%add3A_302] : memref<1600000xi32, #tpu.memory_space<hbm>> -> memref<10000xi32, #tpu.memory_space<hbm>>
    tpu.wait_dma2 semaphore(%arg23 : memref<!tpu.dma_semaphore, #tpu.memory_space<semaphore_mem>>) src(%dma_wait3A_390 : memref<10000xi32, #tpu.memory_space<hbm>>) dst(%arg12 : memref<10000xi32, #tpu.memory_space<vmem>>)
    %dma_wait3A_391 = arith.constant 0 : i32
    %dma_wait3A_392 = tpu.memref_slice %arg2[%dma_wait3A_391, %add3A_302] : memref<4x1600000xf32, #tpu.memory_space<hbm>> -> memref<1x10000xf32, #tpu.memory_space<hbm>>
    %dma_wait3A_393 = tpu.memref_squeeze %dma_wait3A_392 : memref<1x10000xf32, #tpu.memory_space<hbm>> -> memref<10000xf32, #tpu.memory_space<hbm>>
    %dma_wait3A_394 = tpu.memref_slice %arg2[%dma_wait3A_391, %add3A_302] : memref<4x1600000xf32, #tpu.memory_space<hbm>> -> memref<1x10000xf32, #tpu.memory_space<hbm>>
    %dma_wait3A_395 = tpu.memref_squeeze %dma_wait3A_394 : memref<1x10000xf32, #tpu.memory_space<hbm>> -> memref<10000xf32, #tpu.memory_space<hbm>>
    tpu.wait_dma2 semaphore(%arg23 : memref<!tpu.dma_semaphore, #tpu.memory_space<semaphore_mem>>) src(%dma_wait3A_395 : memref<10000xf32, #tpu.memory_space<hbm>>) dst(%arg13 : memref<10000xf32, #tpu.memory_space<vmem>>)
    %dma_wait3A_396 = arith.constant 1 : i32
    %dma_wait3A_397 = tpu.memref_slice %arg2[%dma_wait3A_396, %add3A_302] : memref<4x1600000xf32, #tpu.memory_space<hbm>> -> memref<1x10000xf32, #tpu.memory_space<hbm>>
    %dma_wait3A_398 = tpu.memref_squeeze %dma_wait3A_397 : memref<1x10000xf32, #tpu.memory_space<hbm>> -> memref<10000xf32, #tpu.memory_space<hbm>>
    %dma_wait3A_399 = tpu.memref_slice %arg2[%dma_wait3A_396, %add3A_302] : memref<4x1600000xf32, #tpu.memory_space<hbm>> -> memref<1x10000xf32, #tpu.memory_space<hbm>>
    %dma_wait3A_400 = tpu.memref_squeeze %dma_wait3A_399 : memref<1x10000xf32, #tpu.memory_space<hbm>> -> memref<10000xf32, #tpu.memory_space<hbm>>
    tpu.wait_dma2 semaphore(%arg23 : memref<!tpu.dma_semaphore, #tpu.memory_space<semaphore_mem>>) src(%dma_wait3A_400 : memref<10000xf32, #tpu.memory_space<hbm>>) dst(%arg14 : memref<10000xf32, #tpu.memory_space<vmem>>)
    %dma_wait3A_401 = arith.constant 2 : i32
    %dma_wait3A_402 = tpu.memref_slice %arg2[%dma_wait3A_401, %add3A_302] : memref<4x1600000xf32, #tpu.memory_space<hbm>> -> memref<1x10000xf32, #tpu.memory_space<hbm>>
    %dma_wait3A_403 = tpu.memref_squeeze %dma_wait3A_402 : memref<1x10000xf32, #tpu.memory_space<hbm>> -> memref<10000xf32, #tpu.memory_space<hbm>>
    %dma_wait3A_404 = tpu.memref_slice %arg2[%dma_wait3A_401, %add3A_302] : memref<4x1600000xf32, #tpu.memory_space<hbm>> -> memref<1x10000xf32, #tpu.memory_space<hbm>>
    %dma_wait3A_405 = tpu.memref_squeeze %dma_wait3A_404 : memref<1x10000xf32, #tpu.memory_space<hbm>> -> memref<10000xf32, #tpu.memory_space<hbm>>
    tpu.wait_dma2 semaphore(%arg23 : memref<!tpu.dma_semaphore, #tpu.memory_space<semaphore_mem>>) src(%dma_wait3A_405 : memref<10000xf32, #tpu.memory_space<hbm>>) dst(%arg15 : memref<10000xf32, #tpu.memory_space<vmem>>)
    %dma_wait3A_406 = arith.constant 3 : i32
    %dma_wait3A_407 = tpu.memref_slice %arg2[%dma_wait3A_406, %add3A_302] : memref<4x1600000xf32, #tpu.memory_space<hbm>> -> memref<1x10000xf32, #tpu.memory_space<hbm>>
    %dma_wait3A_408 = tpu.memref_squeeze %dma_wait3A_407 : memref<1x10000xf32, #tpu.memory_space<hbm>> -> memref<10000xf32, #tpu.memory_space<hbm>>
    %dma_wait3A_409 = tpu.memref_slice %arg2[%dma_wait3A_406, %add3A_302] : memref<4x1600000xf32, #tpu.memory_space<hbm>> -> memref<1x10000xf32, #tpu.memory_space<hbm>>
    %dma_wait3A_410 = tpu.memref_squeeze %dma_wait3A_409 : memref<1x10000xf32, #tpu.memory_space<hbm>> -> memref<10000xf32, #tpu.memory_space<hbm>>
    tpu.wait_dma2 semaphore(%arg23 : memref<!tpu.dma_semaphore, #tpu.memory_space<semaphore_mem>>) src(%dma_wait3A_410 : memref<10000xf32, #tpu.memory_space<hbm>>) dst(%arg16 : memref<10000xf32, #tpu.memory_space<vmem>>)
    %dma_start3A_411 = arith.constant 0 : i32
    %dma_start3A_412 = tpu.memref_slice %arg17[%dma_start3A_411] : memref<100096xf32, #tpu.memory_space<vmem_shared>> -> memref<100096xf32, #tpu.memory_space<vmem_shared>>
    tpu.enqueue_indirect_dma source(%arg13 : memref<10000xf32, #tpu.memory_space<vmem>>) target(%dma_start3A_412 : memref<100096xf32, #tpu.memory_space<vmem_shared>>) offsets(%arg12 : memref<10000xi32, #tpu.memory_space<vmem>>) semaphore(%arg24 : memref<!tpu.dma_semaphore, #tpu.memory_space<semaphore_mem>>) {add = true}
    %dma_start3A_413 = arith.constant 0 : i32
    %dma_start3A_414 = tpu.memref_slice %arg18[%dma_start3A_413] : memref<100096xf32, #tpu.memory_space<vmem_shared>> -> memref<100096xf32, #tpu.memory_space<vmem_shared>>
    tpu.enqueue_indirect_dma source(%arg14 : memref<10000xf32, #tpu.memory_space<vmem>>) target(%dma_start3A_414 : memref<100096xf32, #tpu.memory_space<vmem_shared>>) offsets(%arg12 : memref<10000xi32, #tpu.memory_space<vmem>>) semaphore(%arg24 : memref<!tpu.dma_semaphore, #tpu.memory_space<semaphore_mem>>) {add = true}
    %dma_start3A_415 = arith.constant 0 : i32
    %dma_start3A_416 = tpu.memref_slice %arg19[%dma_start3A_415] : memref<100096xf32, #tpu.memory_space<vmem_shared>> -> memref<100096xf32, #tpu.memory_space<vmem_shared>>
    tpu.enqueue_indirect_dma source(%arg15 : memref<10000xf32, #tpu.memory_space<vmem>>) target(%dma_start3A_416 : memref<100096xf32, #tpu.memory_space<vmem_shared>>) offsets(%arg12 : memref<10000xi32, #tpu.memory_space<vmem>>) semaphore(%arg24 : memref<!tpu.dma_semaphore, #tpu.memory_space<semaphore_mem>>) {add = true}
    %dma_start3A_417 = arith.constant 0 : i32
    %dma_start3A_418 = tpu.memref_slice %arg20[%dma_start3A_417] : memref<100096xf32, #tpu.memory_space<vmem_shared>> -> memref<100096xf32, #tpu.memory_space<vmem_shared>>
    tpu.enqueue_indirect_dma source(%arg16 : memref<10000xf32, #tpu.memory_space<vmem>>) target(%dma_start3A_418 : memref<100096xf32, #tpu.memory_space<vmem_shared>>) offsets(%arg12 : memref<10000xi32, #tpu.memory_space<vmem>>) semaphore(%arg24 : memref<!tpu.dma_semaphore, #tpu.memory_space<semaphore_mem>>) {add = true}
    %dma_wait3A_419 = arith.constant 0 : i32
    %dma_wait3A_420 = tpu.memref_slice %arg17[%dma_wait3A_419] : memref<100096xf32, #tpu.memory_space<vmem_shared>> -> memref<100096xf32, #tpu.memory_space<vmem_shared>>
    tpu.wait_indirect_dma semaphore(%arg24 : memref<!tpu.dma_semaphore, #tpu.memory_space<semaphore_mem>>) src(%arg13 : memref<10000xf32, #tpu.memory_space<vmem>>) dst(%dma_wait3A_420 : memref<100096xf32, #tpu.memory_space<vmem_shared>>)
    %dma_wait3A_421 = arith.constant 0 : i32
    %dma_wait3A_422 = tpu.memref_slice %arg18[%dma_wait3A_421] : memref<100096xf32, #tpu.memory_space<vmem_shared>> -> memref<100096xf32, #tpu.memory_space<vmem_shared>>
    tpu.wait_indirect_dma semaphore(%arg24 : memref<!tpu.dma_semaphore, #tpu.memory_space<semaphore_mem>>) src(%arg14 : memref<10000xf32, #tpu.memory_space<vmem>>) dst(%dma_wait3A_422 : memref<100096xf32, #tpu.memory_space<vmem_shared>>)
    %dma_wait3A_423 = arith.constant 0 : i32
    %dma_wait3A_424 = tpu.memref_slice %arg19[%dma_wait3A_423] : memref<100096xf32, #tpu.memory_space<vmem_shared>> -> memref<100096xf32, #tpu.memory_space<vmem_shared>>
    tpu.wait_indirect_dma semaphore(%arg24 : memref<!tpu.dma_semaphore, #tpu.memory_space<semaphore_mem>>) src(%arg15 : memref<10000xf32, #tpu.memory_space<vmem>>) dst(%dma_wait3A_424 : memref<100096xf32, #tpu.memory_space<vmem_shared>>)
    %dma_wait3A_425 = arith.constant 0 : i32
    %dma_wait3A_426 = tpu.memref_slice %arg20[%dma_wait3A_425] : memref<100096xf32, #tpu.memory_space<vmem_shared>> -> memref<100096xf32, #tpu.memory_space<vmem_shared>>
    tpu.wait_indirect_dma semaphore(%arg24 : memref<!tpu.dma_semaphore, #tpu.memory_space<semaphore_mem>>) src(%arg16 : memref<10000xf32, #tpu.memory_space<vmem>>) dst(%dma_wait3A_426 : memref<100096xf32, #tpu.memory_space<vmem_shared>>)
    %mul3A_427 = arith.constant 100000 : i32
    %mul3A_428 = arith.muli %arg1, %mul3A_427 : i32
    %add3A_429 = arith.constant 70000 : i32
    %add3A_430 = arith.addi %mul3A_428, %add3A_429 : i32
    %dma_start3A_431 = tpu.memref_slice %arg3[%add3A_430] : memref<1600000xi32, #tpu.memory_space<hbm>> -> memref<10000xi32, #tpu.memory_space<hbm>>
    %dma_start3A_432 = tpu.memref_slice %arg3[%add3A_430] : memref<1600000xi32, #tpu.memory_space<hbm>> -> memref<10000xi32, #tpu.memory_space<hbm>>
    tpu.enqueue_dma source(%dma_start3A_432 : memref<10000xi32, #tpu.memory_space<hbm>>) target(%arg12 : memref<10000xi32, #tpu.memory_space<vmem>>) target_semaphore(%arg23 : memref<!tpu.dma_semaphore, #tpu.memory_space<semaphore_mem>>)
    %dma_start3A_433 = arith.constant 0 : i32
    %dma_start3A_434 = tpu.memref_slice %arg2[%dma_start3A_433, %add3A_430] : memref<4x1600000xf32, #tpu.memory_space<hbm>> -> memref<1x10000xf32, #tpu.memory_space<hbm>>
    %dma_start3A_435 = tpu.memref_squeeze %dma_start3A_434 : memref<1x10000xf32, #tpu.memory_space<hbm>> -> memref<10000xf32, #tpu.memory_space<hbm>>
    %dma_start3A_436 = tpu.memref_slice %arg2[%dma_start3A_433, %add3A_430] : memref<4x1600000xf32, #tpu.memory_space<hbm>> -> memref<1x10000xf32, #tpu.memory_space<hbm>>
    %dma_start3A_437 = tpu.memref_squeeze %dma_start3A_436 : memref<1x10000xf32, #tpu.memory_space<hbm>> -> memref<10000xf32, #tpu.memory_space<hbm>>
    tpu.enqueue_dma source(%dma_start3A_437 : memref<10000xf32, #tpu.memory_space<hbm>>) target(%arg13 : memref<10000xf32, #tpu.memory_space<vmem>>) target_semaphore(%arg23 : memref<!tpu.dma_semaphore, #tpu.memory_space<semaphore_mem>>)
    %dma_start3A_438 = arith.constant 1 : i32
    %dma_start3A_439 = tpu.memref_slice %arg2[%dma_start3A_438, %add3A_430] : memref<4x1600000xf32, #tpu.memory_space<hbm>> -> memref<1x10000xf32, #tpu.memory_space<hbm>>
    %dma_start3A_440 = tpu.memref_squeeze %dma_start3A_439 : memref<1x10000xf32, #tpu.memory_space<hbm>> -> memref<10000xf32, #tpu.memory_space<hbm>>
    %dma_start3A_441 = tpu.memref_slice %arg2[%dma_start3A_438, %add3A_430] : memref<4x1600000xf32, #tpu.memory_space<hbm>> -> memref<1x10000xf32, #tpu.memory_space<hbm>>
    %dma_start3A_442 = tpu.memref_squeeze %dma_start3A_441 : memref<1x10000xf32, #tpu.memory_space<hbm>> -> memref<10000xf32, #tpu.memory_space<hbm>>
    tpu.enqueue_dma source(%dma_start3A_442 : memref<10000xf32, #tpu.memory_space<hbm>>) target(%arg14 : memref<10000xf32, #tpu.memory_space<vmem>>) target_semaphore(%arg23 : memref<!tpu.dma_semaphore, #tpu.memory_space<semaphore_mem>>)
    %dma_start3A_443 = arith.constant 2 : i32
    %dma_start3A_444 = tpu.memref_slice %arg2[%dma_start3A_443, %add3A_430] : memref<4x1600000xf32, #tpu.memory_space<hbm>> -> memref<1x10000xf32, #tpu.memory_space<hbm>>
    %dma_start3A_445 = tpu.memref_squeeze %dma_start3A_444 : memref<1x10000xf32, #tpu.memory_space<hbm>> -> memref<10000xf32, #tpu.memory_space<hbm>>
    %dma_start3A_446 = tpu.memref_slice %arg2[%dma_start3A_443, %add3A_430] : memref<4x1600000xf32, #tpu.memory_space<hbm>> -> memref<1x10000xf32, #tpu.memory_space<hbm>>
    %dma_start3A_447 = tpu.memref_squeeze %dma_start3A_446 : memref<1x10000xf32, #tpu.memory_space<hbm>> -> memref<10000xf32, #tpu.memory_space<hbm>>
    tpu.enqueue_dma source(%dma_start3A_447 : memref<10000xf32, #tpu.memory_space<hbm>>) target(%arg15 : memref<10000xf32, #tpu.memory_space<vmem>>) target_semaphore(%arg23 : memref<!tpu.dma_semaphore, #tpu.memory_space<semaphore_mem>>)
    %dma_start3A_448 = arith.constant 3 : i32
    %dma_start3A_449 = tpu.memref_slice %arg2[%dma_start3A_448, %add3A_430] : memref<4x1600000xf32, #tpu.memory_space<hbm>> -> memref<1x10000xf32, #tpu.memory_space<hbm>>
    %dma_start3A_450 = tpu.memref_squeeze %dma_start3A_449 : memref<1x10000xf32, #tpu.memory_space<hbm>> -> memref<10000xf32, #tpu.memory_space<hbm>>
    %dma_start3A_451 = tpu.memref_slice %arg2[%dma_start3A_448, %add3A_430] : memref<4x1600000xf32, #tpu.memory_space<hbm>> -> memref<1x10000xf32, #tpu.memory_space<hbm>>
    %dma_start3A_452 = tpu.memref_squeeze %dma_start3A_451 : memref<1x10000xf32, #tpu.memory_space<hbm>> -> memref<10000xf32, #tpu.memory_space<hbm>>
    tpu.enqueue_dma source(%dma_start3A_452 : memref<10000xf32, #tpu.memory_space<hbm>>) target(%arg16 : memref<10000xf32, #tpu.memory_space<vmem>>) target_semaphore(%arg23 : memref<!tpu.dma_semaphore, #tpu.memory_space<semaphore_mem>>)
    %dma_wait3A_453 = tpu.memref_slice %arg3[%add3A_366] : memref<1600000xi32, #tpu.memory_space<hbm>> -> memref<10000xi32, #tpu.memory_space<hbm>>
    %dma_wait3A_454 = tpu.memref_slice %arg3[%add3A_366] : memref<1600000xi32, #tpu.memory_space<hbm>> -> memref<10000xi32, #tpu.memory_space<hbm>>
    tpu.wait_dma2 semaphore(%arg21 : memref<!tpu.dma_semaphore, #tpu.memory_space<semaphore_mem>>) src(%dma_wait3A_454 : memref<10000xi32, #tpu.memory_space<hbm>>) dst(%arg7 : memref<10000xi32, #tpu.memory_space<vmem>>)
    %dma_wait3A_455 = arith.constant 0 : i32
    %dma_wait3A_456 = tpu.memref_slice %arg2[%dma_wait3A_455, %add3A_366] : memref<4x1600000xf32, #tpu.memory_space<hbm>> -> memref<1x10000xf32, #tpu.memory_space<hbm>>
    %dma_wait3A_457 = tpu.memref_squeeze %dma_wait3A_456 : memref<1x10000xf32, #tpu.memory_space<hbm>> -> memref<10000xf32, #tpu.memory_space<hbm>>
    %dma_wait3A_458 = tpu.memref_slice %arg2[%dma_wait3A_455, %add3A_366] : memref<4x1600000xf32, #tpu.memory_space<hbm>> -> memref<1x10000xf32, #tpu.memory_space<hbm>>
    %dma_wait3A_459 = tpu.memref_squeeze %dma_wait3A_458 : memref<1x10000xf32, #tpu.memory_space<hbm>> -> memref<10000xf32, #tpu.memory_space<hbm>>
    tpu.wait_dma2 semaphore(%arg21 : memref<!tpu.dma_semaphore, #tpu.memory_space<semaphore_mem>>) src(%dma_wait3A_459 : memref<10000xf32, #tpu.memory_space<hbm>>) dst(%arg8 : memref<10000xf32, #tpu.memory_space<vmem>>)
    %dma_wait3A_460 = arith.constant 1 : i32
    %dma_wait3A_461 = tpu.memref_slice %arg2[%dma_wait3A_460, %add3A_366] : memref<4x1600000xf32, #tpu.memory_space<hbm>> -> memref<1x10000xf32, #tpu.memory_space<hbm>>
    %dma_wait3A_462 = tpu.memref_squeeze %dma_wait3A_461 : memref<1x10000xf32, #tpu.memory_space<hbm>> -> memref<10000xf32, #tpu.memory_space<hbm>>
    %dma_wait3A_463 = tpu.memref_slice %arg2[%dma_wait3A_460, %add3A_366] : memref<4x1600000xf32, #tpu.memory_space<hbm>> -> memref<1x10000xf32, #tpu.memory_space<hbm>>
    %dma_wait3A_464 = tpu.memref_squeeze %dma_wait3A_463 : memref<1x10000xf32, #tpu.memory_space<hbm>> -> memref<10000xf32, #tpu.memory_space<hbm>>
    tpu.wait_dma2 semaphore(%arg21 : memref<!tpu.dma_semaphore, #tpu.memory_space<semaphore_mem>>) src(%dma_wait3A_464 : memref<10000xf32, #tpu.memory_space<hbm>>) dst(%arg9 : memref<10000xf32, #tpu.memory_space<vmem>>)
    %dma_wait3A_465 = arith.constant 2 : i32
    %dma_wait3A_466 = tpu.memref_slice %arg2[%dma_wait3A_465, %add3A_366] : memref<4x1600000xf32, #tpu.memory_space<hbm>> -> memref<1x10000xf32, #tpu.memory_space<hbm>>
    %dma_wait3A_467 = tpu.memref_squeeze %dma_wait3A_466 : memref<1x10000xf32, #tpu.memory_space<hbm>> -> memref<10000xf32, #tpu.memory_space<hbm>>
    %dma_wait3A_468 = tpu.memref_slice %arg2[%dma_wait3A_465, %add3A_366] : memref<4x1600000xf32, #tpu.memory_space<hbm>> -> memref<1x10000xf32, #tpu.memory_space<hbm>>
    %dma_wait3A_469 = tpu.memref_squeeze %dma_wait3A_468 : memref<1x10000xf32, #tpu.memory_space<hbm>> -> memref<10000xf32, #tpu.memory_space<hbm>>
    tpu.wait_dma2 semaphore(%arg21 : memref<!tpu.dma_semaphore, #tpu.memory_space<semaphore_mem>>) src(%dma_wait3A_469 : memref<10000xf32, #tpu.memory_space<hbm>>) dst(%arg10 : memref<10000xf32, #tpu.memory_space<vmem>>)
    %dma_wait3A_470 = arith.constant 3 : i32
    %dma_wait3A_471 = tpu.memref_slice %arg2[%dma_wait3A_470, %add3A_366] : memref<4x1600000xf32, #tpu.memory_space<hbm>> -> memref<1x10000xf32, #tpu.memory_space<hbm>>
    %dma_wait3A_472 = tpu.memref_squeeze %dma_wait3A_471 : memref<1x10000xf32, #tpu.memory_space<hbm>> -> memref<10000xf32, #tpu.memory_space<hbm>>
    %dma_wait3A_473 = tpu.memref_slice %arg2[%dma_wait3A_470, %add3A_366] : memref<4x1600000xf32, #tpu.memory_space<hbm>> -> memref<1x10000xf32, #tpu.memory_space<hbm>>
    %dma_wait3A_474 = tpu.memref_squeeze %dma_wait3A_473 : memref<1x10000xf32, #tpu.memory_space<hbm>> -> memref<10000xf32, #tpu.memory_space<hbm>>
    tpu.wait_dma2 semaphore(%arg21 : memref<!tpu.dma_semaphore, #tpu.memory_space<semaphore_mem>>) src(%dma_wait3A_474 : memref<10000xf32, #tpu.memory_space<hbm>>) dst(%arg11 : memref<10000xf32, #tpu.memory_space<vmem>>)
    %dma_start3A_475 = arith.constant 0 : i32
    %dma_start3A_476 = tpu.memref_slice %arg17[%dma_start3A_475] : memref<100096xf32, #tpu.memory_space<vmem_shared>> -> memref<100096xf32, #tpu.memory_space<vmem_shared>>
    tpu.enqueue_indirect_dma source(%arg8 : memref<10000xf32, #tpu.memory_space<vmem>>) target(%dma_start3A_476 : memref<100096xf32, #tpu.memory_space<vmem_shared>>) offsets(%arg7 : memref<10000xi32, #tpu.memory_space<vmem>>) semaphore(%arg22 : memref<!tpu.dma_semaphore, #tpu.memory_space<semaphore_mem>>) {add = true}
    %dma_start3A_477 = arith.constant 0 : i32
    %dma_start3A_478 = tpu.memref_slice %arg18[%dma_start3A_477] : memref<100096xf32, #tpu.memory_space<vmem_shared>> -> memref<100096xf32, #tpu.memory_space<vmem_shared>>
    tpu.enqueue_indirect_dma source(%arg9 : memref<10000xf32, #tpu.memory_space<vmem>>) target(%dma_start3A_478 : memref<100096xf32, #tpu.memory_space<vmem_shared>>) offsets(%arg7 : memref<10000xi32, #tpu.memory_space<vmem>>) semaphore(%arg22 : memref<!tpu.dma_semaphore, #tpu.memory_space<semaphore_mem>>) {add = true}
    %dma_start3A_479 = arith.constant 0 : i32
    %dma_start3A_480 = tpu.memref_slice %arg19[%dma_start3A_479] : memref<100096xf32, #tpu.memory_space<vmem_shared>> -> memref<100096xf32, #tpu.memory_space<vmem_shared>>
    tpu.enqueue_indirect_dma source(%arg10 : memref<10000xf32, #tpu.memory_space<vmem>>) target(%dma_start3A_480 : memref<100096xf32, #tpu.memory_space<vmem_shared>>) offsets(%arg7 : memref<10000xi32, #tpu.memory_space<vmem>>) semaphore(%arg22 : memref<!tpu.dma_semaphore, #tpu.memory_space<semaphore_mem>>) {add = true}
    %dma_start3A_481 = arith.constant 0 : i32
    %dma_start3A_482 = tpu.memref_slice %arg20[%dma_start3A_481] : memref<100096xf32, #tpu.memory_space<vmem_shared>> -> memref<100096xf32, #tpu.memory_space<vmem_shared>>
    tpu.enqueue_indirect_dma source(%arg11 : memref<10000xf32, #tpu.memory_space<vmem>>) target(%dma_start3A_482 : memref<100096xf32, #tpu.memory_space<vmem_shared>>) offsets(%arg7 : memref<10000xi32, #tpu.memory_space<vmem>>) semaphore(%arg22 : memref<!tpu.dma_semaphore, #tpu.memory_space<semaphore_mem>>) {add = true}
    %dma_wait3A_483 = arith.constant 0 : i32
    %dma_wait3A_484 = tpu.memref_slice %arg17[%dma_wait3A_483] : memref<100096xf32, #tpu.memory_space<vmem_shared>> -> memref<100096xf32, #tpu.memory_space<vmem_shared>>
    tpu.wait_indirect_dma semaphore(%arg22 : memref<!tpu.dma_semaphore, #tpu.memory_space<semaphore_mem>>) src(%arg8 : memref<10000xf32, #tpu.memory_space<vmem>>) dst(%dma_wait3A_484 : memref<100096xf32, #tpu.memory_space<vmem_shared>>)
    %dma_wait3A_485 = arith.constant 0 : i32
    %dma_wait3A_486 = tpu.memref_slice %arg18[%dma_wait3A_485] : memref<100096xf32, #tpu.memory_space<vmem_shared>> -> memref<100096xf32, #tpu.memory_space<vmem_shared>>
    tpu.wait_indirect_dma semaphore(%arg22 : memref<!tpu.dma_semaphore, #tpu.memory_space<semaphore_mem>>) src(%arg9 : memref<10000xf32, #tpu.memory_space<vmem>>) dst(%dma_wait3A_486 : memref<100096xf32, #tpu.memory_space<vmem_shared>>)
    %dma_wait3A_487 = arith.constant 0 : i32
    %dma_wait3A_488 = tpu.memref_slice %arg19[%dma_wait3A_487] : memref<100096xf32, #tpu.memory_space<vmem_shared>> -> memref<100096xf32, #tpu.memory_space<vmem_shared>>
    tpu.wait_indirect_dma semaphore(%arg22 : memref<!tpu.dma_semaphore, #tpu.memory_space<semaphore_mem>>) src(%arg10 : memref<10000xf32, #tpu.memory_space<vmem>>) dst(%dma_wait3A_488 : memref<100096xf32, #tpu.memory_space<vmem_shared>>)
    %dma_wait3A_489 = arith.constant 0 : i32
    %dma_wait3A_490 = tpu.memref_slice %arg20[%dma_wait3A_489] : memref<100096xf32, #tpu.memory_space<vmem_shared>> -> memref<100096xf32, #tpu.memory_space<vmem_shared>>
    tpu.wait_indirect_dma semaphore(%arg22 : memref<!tpu.dma_semaphore, #tpu.memory_space<semaphore_mem>>) src(%arg11 : memref<10000xf32, #tpu.memory_space<vmem>>) dst(%dma_wait3A_490 : memref<100096xf32, #tpu.memory_space<vmem_shared>>)
    %mul3A_491 = arith.constant 100000 : i32
    %mul3A_492 = arith.muli %arg1, %mul3A_491 : i32
    %add3A_493 = arith.constant 80000 : i32
    %add3A_494 = arith.addi %mul3A_492, %add3A_493 : i32
    %dma_start3A_495 = tpu.memref_slice %arg3[%add3A_494] : memref<1600000xi32, #tpu.memory_space<hbm>> -> memref<10000xi32, #tpu.memory_space<hbm>>
    %dma_start3A_496 = tpu.memref_slice %arg3[%add3A_494] : memref<1600000xi32, #tpu.memory_space<hbm>> -> memref<10000xi32, #tpu.memory_space<hbm>>
    tpu.enqueue_dma source(%dma_start3A_496 : memref<10000xi32, #tpu.memory_space<hbm>>) target(%arg7 : memref<10000xi32, #tpu.memory_space<vmem>>) target_semaphore(%arg21 : memref<!tpu.dma_semaphore, #tpu.memory_space<semaphore_mem>>)
    %dma_start3A_497 = arith.constant 0 : i32
    %dma_start3A_498 = tpu.memref_slice %arg2[%dma_start3A_497, %add3A_494] : memref<4x1600000xf32, #tpu.memory_space<hbm>> -> memref<1x10000xf32, #tpu.memory_space<hbm>>
    %dma_start3A_499 = tpu.memref_squeeze %dma_start3A_498 : memref<1x10000xf32, #tpu.memory_space<hbm>> -> memref<10000xf32, #tpu.memory_space<hbm>>
    %dma_start3A_500 = tpu.memref_slice %arg2[%dma_start3A_497, %add3A_494] : memref<4x1600000xf32, #tpu.memory_space<hbm>> -> memref<1x10000xf32, #tpu.memory_space<hbm>>
    %dma_start3A_501 = tpu.memref_squeeze %dma_start3A_500 : memref<1x10000xf32, #tpu.memory_space<hbm>> -> memref<10000xf32, #tpu.memory_space<hbm>>
    tpu.enqueue_dma source(%dma_start3A_501 : memref<10000xf32, #tpu.memory_space<hbm>>) target(%arg8 : memref<10000xf32, #tpu.memory_space<vmem>>) target_semaphore(%arg21 : memref<!tpu.dma_semaphore, #tpu.memory_space<semaphore_mem>>)
    %dma_start3A_502 = arith.constant 1 : i32
    %dma_start3A_503 = tpu.memref_slice %arg2[%dma_start3A_502, %add3A_494] : memref<4x1600000xf32, #tpu.memory_space<hbm>> -> memref<1x10000xf32, #tpu.memory_space<hbm>>
    %dma_start3A_504 = tpu.memref_squeeze %dma_start3A_503 : memref<1x10000xf32, #tpu.memory_space<hbm>> -> memref<10000xf32, #tpu.memory_space<hbm>>
    %dma_start3A_505 = tpu.memref_slice %arg2[%dma_start3A_502, %add3A_494] : memref<4x1600000xf32, #tpu.memory_space<hbm>> -> memref<1x10000xf32, #tpu.memory_space<hbm>>
    %dma_start3A_506 = tpu.memref_squeeze %dma_start3A_505 : memref<1x10000xf32, #tpu.memory_space<hbm>> -> memref<10000xf32, #tpu.memory_space<hbm>>
    tpu.enqueue_dma source(%dma_start3A_506 : memref<10000xf32, #tpu.memory_space<hbm>>) target(%arg9 : memref<10000xf32, #tpu.memory_space<vmem>>) target_semaphore(%arg21 : memref<!tpu.dma_semaphore, #tpu.memory_space<semaphore_mem>>)
    %dma_start3A_507 = arith.constant 2 : i32
    %dma_start3A_508 = tpu.memref_slice %arg2[%dma_start3A_507, %add3A_494] : memref<4x1600000xf32, #tpu.memory_space<hbm>> -> memref<1x10000xf32, #tpu.memory_space<hbm>>
    %dma_start3A_509 = tpu.memref_squeeze %dma_start3A_508 : memref<1x10000xf32, #tpu.memory_space<hbm>> -> memref<10000xf32, #tpu.memory_space<hbm>>
    %dma_start3A_510 = tpu.memref_slice %arg2[%dma_start3A_507, %add3A_494] : memref<4x1600000xf32, #tpu.memory_space<hbm>> -> memref<1x10000xf32, #tpu.memory_space<hbm>>
    %dma_start3A_511 = tpu.memref_squeeze %dma_start3A_510 : memref<1x10000xf32, #tpu.memory_space<hbm>> -> memref<10000xf32, #tpu.memory_space<hbm>>
    tpu.enqueue_dma source(%dma_start3A_511 : memref<10000xf32, #tpu.memory_space<hbm>>) target(%arg10 : memref<10000xf32, #tpu.memory_space<vmem>>) target_semaphore(%arg21 : memref<!tpu.dma_semaphore, #tpu.memory_space<semaphore_mem>>)
    %dma_start3A_512 = arith.constant 3 : i32
    %dma_start3A_513 = tpu.memref_slice %arg2[%dma_start3A_512, %add3A_494] : memref<4x1600000xf32, #tpu.memory_space<hbm>> -> memref<1x10000xf32, #tpu.memory_space<hbm>>
    %dma_start3A_514 = tpu.memref_squeeze %dma_start3A_513 : memref<1x10000xf32, #tpu.memory_space<hbm>> -> memref<10000xf32, #tpu.memory_space<hbm>>
    %dma_start3A_515 = tpu.memref_slice %arg2[%dma_start3A_512, %add3A_494] : memref<4x1600000xf32, #tpu.memory_space<hbm>> -> memref<1x10000xf32, #tpu.memory_space<hbm>>
    %dma_start3A_516 = tpu.memref_squeeze %dma_start3A_515 : memref<1x10000xf32, #tpu.memory_space<hbm>> -> memref<10000xf32, #tpu.memory_space<hbm>>
    tpu.enqueue_dma source(%dma_start3A_516 : memref<10000xf32, #tpu.memory_space<hbm>>) target(%arg11 : memref<10000xf32, #tpu.memory_space<vmem>>) target_semaphore(%arg21 : memref<!tpu.dma_semaphore, #tpu.memory_space<semaphore_mem>>)
    %dma_wait3A_517 = tpu.memref_slice %arg3[%add3A_430] : memref<1600000xi32, #tpu.memory_space<hbm>> -> memref<10000xi32, #tpu.memory_space<hbm>>
    %dma_wait3A_518 = tpu.memref_slice %arg3[%add3A_430] : memref<1600000xi32, #tpu.memory_space<hbm>> -> memref<10000xi32, #tpu.memory_space<hbm>>
    tpu.wait_dma2 semaphore(%arg23 : memref<!tpu.dma_semaphore, #tpu.memory_space<semaphore_mem>>) src(%dma_wait3A_518 : memref<10000xi32, #tpu.memory_space<hbm>>) dst(%arg12 : memref<10000xi32, #tpu.memory_space<vmem>>)
    %dma_wait3A_519 = arith.constant 0 : i32
    %dma_wait3A_520 = tpu.memref_slice %arg2[%dma_wait3A_519, %add3A_430] : memref<4x1600000xf32, #tpu.memory_space<hbm>> -> memref<1x10000xf32, #tpu.memory_space<hbm>>
    %dma_wait3A_521 = tpu.memref_squeeze %dma_wait3A_520 : memref<1x10000xf32, #tpu.memory_space<hbm>> -> memref<10000xf32, #tpu.memory_space<hbm>>
    %dma_wait3A_522 = tpu.memref_slice %arg2[%dma_wait3A_519, %add3A_430] : memref<4x1600000xf32, #tpu.memory_space<hbm>> -> memref<1x10000xf32, #tpu.memory_space<hbm>>
    %dma_wait3A_523 = tpu.memref_squeeze %dma_wait3A_522 : memref<1x10000xf32, #tpu.memory_space<hbm>> -> memref<10000xf32, #tpu.memory_space<hbm>>
    tpu.wait_dma2 semaphore(%arg23 : memref<!tpu.dma_semaphore, #tpu.memory_space<semaphore_mem>>) src(%dma_wait3A_523 : memref<10000xf32, #tpu.memory_space<hbm>>) dst(%arg13 : memref<10000xf32, #tpu.memory_space<vmem>>)
    %dma_wait3A_524 = arith.constant 1 : i32
    %dma_wait3A_525 = tpu.memref_slice %arg2[%dma_wait3A_524, %add3A_430] : memref<4x1600000xf32, #tpu.memory_space<hbm>> -> memref<1x10000xf32, #tpu.memory_space<hbm>>
    %dma_wait3A_526 = tpu.memref_squeeze %dma_wait3A_525 : memref<1x10000xf32, #tpu.memory_space<hbm>> -> memref<10000xf32, #tpu.memory_space<hbm>>
    %dma_wait3A_527 = tpu.memref_slice %arg2[%dma_wait3A_524, %add3A_430] : memref<4x1600000xf32, #tpu.memory_space<hbm>> -> memref<1x10000xf32, #tpu.memory_space<hbm>>
    %dma_wait3A_528 = tpu.memref_squeeze %dma_wait3A_527 : memref<1x10000xf32, #tpu.memory_space<hbm>> -> memref<10000xf32, #tpu.memory_space<hbm>>
    tpu.wait_dma2 semaphore(%arg23 : memref<!tpu.dma_semaphore, #tpu.memory_space<semaphore_mem>>) src(%dma_wait3A_528 : memref<10000xf32, #tpu.memory_space<hbm>>) dst(%arg14 : memref<10000xf32, #tpu.memory_space<vmem>>)
    %dma_wait3A_529 = arith.constant 2 : i32
    %dma_wait3A_530 = tpu.memref_slice %arg2[%dma_wait3A_529, %add3A_430] : memref<4x1600000xf32, #tpu.memory_space<hbm>> -> memref<1x10000xf32, #tpu.memory_space<hbm>>
    %dma_wait3A_531 = tpu.memref_squeeze %dma_wait3A_530 : memref<1x10000xf32, #tpu.memory_space<hbm>> -> memref<10000xf32, #tpu.memory_space<hbm>>
    %dma_wait3A_532 = tpu.memref_slice %arg2[%dma_wait3A_529, %add3A_430] : memref<4x1600000xf32, #tpu.memory_space<hbm>> -> memref<1x10000xf32, #tpu.memory_space<hbm>>
    %dma_wait3A_533 = tpu.memref_squeeze %dma_wait3A_532 : memref<1x10000xf32, #tpu.memory_space<hbm>> -> memref<10000xf32, #tpu.memory_space<hbm>>
    tpu.wait_dma2 semaphore(%arg23 : memref<!tpu.dma_semaphore, #tpu.memory_space<semaphore_mem>>) src(%dma_wait3A_533 : memref<10000xf32, #tpu.memory_space<hbm>>) dst(%arg15 : memref<10000xf32, #tpu.memory_space<vmem>>)
    %dma_wait3A_534 = arith.constant 3 : i32
    %dma_wait3A_535 = tpu.memref_slice %arg2[%dma_wait3A_534, %add3A_430] : memref<4x1600000xf32, #tpu.memory_space<hbm>> -> memref<1x10000xf32, #tpu.memory_space<hbm>>
    %dma_wait3A_536 = tpu.memref_squeeze %dma_wait3A_535 : memref<1x10000xf32, #tpu.memory_space<hbm>> -> memref<10000xf32, #tpu.memory_space<hbm>>
    %dma_wait3A_537 = tpu.memref_slice %arg2[%dma_wait3A_534, %add3A_430] : memref<4x1600000xf32, #tpu.memory_space<hbm>> -> memref<1x10000xf32, #tpu.memory_space<hbm>>
    %dma_wait3A_538 = tpu.memref_squeeze %dma_wait3A_537 : memref<1x10000xf32, #tpu.memory_space<hbm>> -> memref<10000xf32, #tpu.memory_space<hbm>>
    tpu.wait_dma2 semaphore(%arg23 : memref<!tpu.dma_semaphore, #tpu.memory_space<semaphore_mem>>) src(%dma_wait3A_538 : memref<10000xf32, #tpu.memory_space<hbm>>) dst(%arg16 : memref<10000xf32, #tpu.memory_space<vmem>>)
    %dma_start3A_539 = arith.constant 0 : i32
    %dma_start3A_540 = tpu.memref_slice %arg17[%dma_start3A_539] : memref<100096xf32, #tpu.memory_space<vmem_shared>> -> memref<100096xf32, #tpu.memory_space<vmem_shared>>
    tpu.enqueue_indirect_dma source(%arg13 : memref<10000xf32, #tpu.memory_space<vmem>>) target(%dma_start3A_540 : memref<100096xf32, #tpu.memory_space<vmem_shared>>) offsets(%arg12 : memref<10000xi32, #tpu.memory_space<vmem>>) semaphore(%arg24 : memref<!tpu.dma_semaphore, #tpu.memory_space<semaphore_mem>>) {add = true}
    %dma_start3A_541 = arith.constant 0 : i32
    %dma_start3A_542 = tpu.memref_slice %arg18[%dma_start3A_541] : memref<100096xf32, #tpu.memory_space<vmem_shared>> -> memref<100096xf32, #tpu.memory_space<vmem_shared>>
    tpu.enqueue_indirect_dma source(%arg14 : memref<10000xf32, #tpu.memory_space<vmem>>) target(%dma_start3A_542 : memref<100096xf32, #tpu.memory_space<vmem_shared>>) offsets(%arg12 : memref<10000xi32, #tpu.memory_space<vmem>>) semaphore(%arg24 : memref<!tpu.dma_semaphore, #tpu.memory_space<semaphore_mem>>) {add = true}
    %dma_start3A_543 = arith.constant 0 : i32
    %dma_start3A_544 = tpu.memref_slice %arg19[%dma_start3A_543] : memref<100096xf32, #tpu.memory_space<vmem_shared>> -> memref<100096xf32, #tpu.memory_space<vmem_shared>>
    tpu.enqueue_indirect_dma source(%arg15 : memref<10000xf32, #tpu.memory_space<vmem>>) target(%dma_start3A_544 : memref<100096xf32, #tpu.memory_space<vmem_shared>>) offsets(%arg12 : memref<10000xi32, #tpu.memory_space<vmem>>) semaphore(%arg24 : memref<!tpu.dma_semaphore, #tpu.memory_space<semaphore_mem>>) {add = true}
    %dma_start3A_545 = arith.constant 0 : i32
    %dma_start3A_546 = tpu.memref_slice %arg20[%dma_start3A_545] : memref<100096xf32, #tpu.memory_space<vmem_shared>> -> memref<100096xf32, #tpu.memory_space<vmem_shared>>
    tpu.enqueue_indirect_dma source(%arg16 : memref<10000xf32, #tpu.memory_space<vmem>>) target(%dma_start3A_546 : memref<100096xf32, #tpu.memory_space<vmem_shared>>) offsets(%arg12 : memref<10000xi32, #tpu.memory_space<vmem>>) semaphore(%arg24 : memref<!tpu.dma_semaphore, #tpu.memory_space<semaphore_mem>>) {add = true}
    %dma_wait3A_547 = arith.constant 0 : i32
    %dma_wait3A_548 = tpu.memref_slice %arg17[%dma_wait3A_547] : memref<100096xf32, #tpu.memory_space<vmem_shared>> -> memref<100096xf32, #tpu.memory_space<vmem_shared>>
    tpu.wait_indirect_dma semaphore(%arg24 : memref<!tpu.dma_semaphore, #tpu.memory_space<semaphore_mem>>) src(%arg13 : memref<10000xf32, #tpu.memory_space<vmem>>) dst(%dma_wait3A_548 : memref<100096xf32, #tpu.memory_space<vmem_shared>>)
    %dma_wait3A_549 = arith.constant 0 : i32
    %dma_wait3A_550 = tpu.memref_slice %arg18[%dma_wait3A_549] : memref<100096xf32, #tpu.memory_space<vmem_shared>> -> memref<100096xf32, #tpu.memory_space<vmem_shared>>
    tpu.wait_indirect_dma semaphore(%arg24 : memref<!tpu.dma_semaphore, #tpu.memory_space<semaphore_mem>>) src(%arg14 : memref<10000xf32, #tpu.memory_space<vmem>>) dst(%dma_wait3A_550 : memref<100096xf32, #tpu.memory_space<vmem_shared>>)
    %dma_wait3A_551 = arith.constant 0 : i32
    %dma_wait3A_552 = tpu.memref_slice %arg19[%dma_wait3A_551] : memref<100096xf32, #tpu.memory_space<vmem_shared>> -> memref<100096xf32, #tpu.memory_space<vmem_shared>>
    tpu.wait_indirect_dma semaphore(%arg24 : memref<!tpu.dma_semaphore, #tpu.memory_space<semaphore_mem>>) src(%arg15 : memref<10000xf32, #tpu.memory_space<vmem>>) dst(%dma_wait3A_552 : memref<100096xf32, #tpu.memory_space<vmem_shared>>)
    %dma_wait3A_553 = arith.constant 0 : i32
    %dma_wait3A_554 = tpu.memref_slice %arg20[%dma_wait3A_553] : memref<100096xf32, #tpu.memory_space<vmem_shared>> -> memref<100096xf32, #tpu.memory_space<vmem_shared>>
    tpu.wait_indirect_dma semaphore(%arg24 : memref<!tpu.dma_semaphore, #tpu.memory_space<semaphore_mem>>) src(%arg16 : memref<10000xf32, #tpu.memory_space<vmem>>) dst(%dma_wait3A_554 : memref<100096xf32, #tpu.memory_space<vmem_shared>>)
    %mul3A_555 = arith.constant 100000 : i32
    %mul3A_556 = arith.muli %arg1, %mul3A_555 : i32
    %add3A_557 = arith.constant 90000 : i32
    %add3A_558 = arith.addi %mul3A_556, %add3A_557 : i32
    %dma_start3A_559 = tpu.memref_slice %arg3[%add3A_558] : memref<1600000xi32, #tpu.memory_space<hbm>> -> memref<10000xi32, #tpu.memory_space<hbm>>
    %dma_start3A_560 = tpu.memref_slice %arg3[%add3A_558] : memref<1600000xi32, #tpu.memory_space<hbm>> -> memref<10000xi32, #tpu.memory_space<hbm>>
    tpu.enqueue_dma source(%dma_start3A_560 : memref<10000xi32, #tpu.memory_space<hbm>>) target(%arg12 : memref<10000xi32, #tpu.memory_space<vmem>>) target_semaphore(%arg23 : memref<!tpu.dma_semaphore, #tpu.memory_space<semaphore_mem>>)
    %dma_start3A_561 = arith.constant 0 : i32
    %dma_start3A_562 = tpu.memref_slice %arg2[%dma_start3A_561, %add3A_558] : memref<4x1600000xf32, #tpu.memory_space<hbm>> -> memref<1x10000xf32, #tpu.memory_space<hbm>>
    %dma_start3A_563 = tpu.memref_squeeze %dma_start3A_562 : memref<1x10000xf32, #tpu.memory_space<hbm>> -> memref<10000xf32, #tpu.memory_space<hbm>>
    %dma_start3A_564 = tpu.memref_slice %arg2[%dma_start3A_561, %add3A_558] : memref<4x1600000xf32, #tpu.memory_space<hbm>> -> memref<1x10000xf32, #tpu.memory_space<hbm>>
    %dma_start3A_565 = tpu.memref_squeeze %dma_start3A_564 : memref<1x10000xf32, #tpu.memory_space<hbm>> -> memref<10000xf32, #tpu.memory_space<hbm>>
    tpu.enqueue_dma source(%dma_start3A_565 : memref<10000xf32, #tpu.memory_space<hbm>>) target(%arg13 : memref<10000xf32, #tpu.memory_space<vmem>>) target_semaphore(%arg23 : memref<!tpu.dma_semaphore, #tpu.memory_space<semaphore_mem>>)
    %dma_start3A_566 = arith.constant 1 : i32
    %dma_start3A_567 = tpu.memref_slice %arg2[%dma_start3A_566, %add3A_558] : memref<4x1600000xf32, #tpu.memory_space<hbm>> -> memref<1x10000xf32, #tpu.memory_space<hbm>>
    %dma_start3A_568 = tpu.memref_squeeze %dma_start3A_567 : memref<1x10000xf32, #tpu.memory_space<hbm>> -> memref<10000xf32, #tpu.memory_space<hbm>>
    %dma_start3A_569 = tpu.memref_slice %arg2[%dma_start3A_566, %add3A_558] : memref<4x1600000xf32, #tpu.memory_space<hbm>> -> memref<1x10000xf32, #tpu.memory_space<hbm>>
    %dma_start3A_570 = tpu.memref_squeeze %dma_start3A_569 : memref<1x10000xf32, #tpu.memory_space<hbm>> -> memref<10000xf32, #tpu.memory_space<hbm>>
    tpu.enqueue_dma source(%dma_start3A_570 : memref<10000xf32, #tpu.memory_space<hbm>>) target(%arg14 : memref<10000xf32, #tpu.memory_space<vmem>>) target_semaphore(%arg23 : memref<!tpu.dma_semaphore, #tpu.memory_space<semaphore_mem>>)
    %dma_start3A_571 = arith.constant 2 : i32
    %dma_start3A_572 = tpu.memref_slice %arg2[%dma_start3A_571, %add3A_558] : memref<4x1600000xf32, #tpu.memory_space<hbm>> -> memref<1x10000xf32, #tpu.memory_space<hbm>>
    %dma_start3A_573 = tpu.memref_squeeze %dma_start3A_572 : memref<1x10000xf32, #tpu.memory_space<hbm>> -> memref<10000xf32, #tpu.memory_space<hbm>>
    %dma_start3A_574 = tpu.memref_slice %arg2[%dma_start3A_571, %add3A_558] : memref<4x1600000xf32, #tpu.memory_space<hbm>> -> memref<1x10000xf32, #tpu.memory_space<hbm>>
    %dma_start3A_575 = tpu.memref_squeeze %dma_start3A_574 : memref<1x10000xf32, #tpu.memory_space<hbm>> -> memref<10000xf32, #tpu.memory_space<hbm>>
    tpu.enqueue_dma source(%dma_start3A_575 : memref<10000xf32, #tpu.memory_space<hbm>>) target(%arg15 : memref<10000xf32, #tpu.memory_space<vmem>>) target_semaphore(%arg23 : memref<!tpu.dma_semaphore, #tpu.memory_space<semaphore_mem>>)
    %dma_start3A_576 = arith.constant 3 : i32
    %dma_start3A_577 = tpu.memref_slice %arg2[%dma_start3A_576, %add3A_558] : memref<4x1600000xf32, #tpu.memory_space<hbm>> -> memref<1x10000xf32, #tpu.memory_space<hbm>>
    %dma_start3A_578 = tpu.memref_squeeze %dma_start3A_577 : memref<1x10000xf32, #tpu.memory_space<hbm>> -> memref<10000xf32, #tpu.memory_space<hbm>>
    %dma_start3A_579 = tpu.memref_slice %arg2[%dma_start3A_576, %add3A_558] : memref<4x1600000xf32, #tpu.memory_space<hbm>> -> memref<1x10000xf32, #tpu.memory_space<hbm>>
    %dma_start3A_580 = tpu.memref_squeeze %dma_start3A_579 : memref<1x10000xf32, #tpu.memory_space<hbm>> -> memref<10000xf32, #tpu.memory_space<hbm>>
    tpu.enqueue_dma source(%dma_start3A_580 : memref<10000xf32, #tpu.memory_space<hbm>>) target(%arg16 : memref<10000xf32, #tpu.memory_space<vmem>>) target_semaphore(%arg23 : memref<!tpu.dma_semaphore, #tpu.memory_space<semaphore_mem>>)
    %dma_wait3A_581 = tpu.memref_slice %arg3[%add3A_494] : memref<1600000xi32, #tpu.memory_space<hbm>> -> memref<10000xi32, #tpu.memory_space<hbm>>
    %dma_wait3A_582 = tpu.memref_slice %arg3[%add3A_494] : memref<1600000xi32, #tpu.memory_space<hbm>> -> memref<10000xi32, #tpu.memory_space<hbm>>
    tpu.wait_dma2 semaphore(%arg21 : memref<!tpu.dma_semaphore, #tpu.memory_space<semaphore_mem>>) src(%dma_wait3A_582 : memref<10000xi32, #tpu.memory_space<hbm>>) dst(%arg7 : memref<10000xi32, #tpu.memory_space<vmem>>)
    %dma_wait3A_583 = arith.constant 0 : i32
    %dma_wait3A_584 = tpu.memref_slice %arg2[%dma_wait3A_583, %add3A_494] : memref<4x1600000xf32, #tpu.memory_space<hbm>> -> memref<1x10000xf32, #tpu.memory_space<hbm>>
    %dma_wait3A_585 = tpu.memref_squeeze %dma_wait3A_584 : memref<1x10000xf32, #tpu.memory_space<hbm>> -> memref<10000xf32, #tpu.memory_space<hbm>>
    %dma_wait3A_586 = tpu.memref_slice %arg2[%dma_wait3A_583, %add3A_494] : memref<4x1600000xf32, #tpu.memory_space<hbm>> -> memref<1x10000xf32, #tpu.memory_space<hbm>>
    %dma_wait3A_587 = tpu.memref_squeeze %dma_wait3A_586 : memref<1x10000xf32, #tpu.memory_space<hbm>> -> memref<10000xf32, #tpu.memory_space<hbm>>
    tpu.wait_dma2 semaphore(%arg21 : memref<!tpu.dma_semaphore, #tpu.memory_space<semaphore_mem>>) src(%dma_wait3A_587 : memref<10000xf32, #tpu.memory_space<hbm>>) dst(%arg8 : memref<10000xf32, #tpu.memory_space<vmem>>)
    %dma_wait3A_588 = arith.constant 1 : i32
    %dma_wait3A_589 = tpu.memref_slice %arg2[%dma_wait3A_588, %add3A_494] : memref<4x1600000xf32, #tpu.memory_space<hbm>> -> memref<1x10000xf32, #tpu.memory_space<hbm>>
    %dma_wait3A_590 = tpu.memref_squeeze %dma_wait3A_589 : memref<1x10000xf32, #tpu.memory_space<hbm>> -> memref<10000xf32, #tpu.memory_space<hbm>>
    %dma_wait3A_591 = tpu.memref_slice %arg2[%dma_wait3A_588, %add3A_494] : memref<4x1600000xf32, #tpu.memory_space<hbm>> -> memref<1x10000xf32, #tpu.memory_space<hbm>>
    %dma_wait3A_592 = tpu.memref_squeeze %dma_wait3A_591 : memref<1x10000xf32, #tpu.memory_space<hbm>> -> memref<10000xf32, #tpu.memory_space<hbm>>
    tpu.wait_dma2 semaphore(%arg21 : memref<!tpu.dma_semaphore, #tpu.memory_space<semaphore_mem>>) src(%dma_wait3A_592 : memref<10000xf32, #tpu.memory_space<hbm>>) dst(%arg9 : memref<10000xf32, #tpu.memory_space<vmem>>)
    %dma_wait3A_593 = arith.constant 2 : i32
    %dma_wait3A_594 = tpu.memref_slice %arg2[%dma_wait3A_593, %add3A_494] : memref<4x1600000xf32, #tpu.memory_space<hbm>> -> memref<1x10000xf32, #tpu.memory_space<hbm>>
    %dma_wait3A_595 = tpu.memref_squeeze %dma_wait3A_594 : memref<1x10000xf32, #tpu.memory_space<hbm>> -> memref<10000xf32, #tpu.memory_space<hbm>>
    %dma_wait3A_596 = tpu.memref_slice %arg2[%dma_wait3A_593, %add3A_494] : memref<4x1600000xf32, #tpu.memory_space<hbm>> -> memref<1x10000xf32, #tpu.memory_space<hbm>>
    %dma_wait3A_597 = tpu.memref_squeeze %dma_wait3A_596 : memref<1x10000xf32, #tpu.memory_space<hbm>> -> memref<10000xf32, #tpu.memory_space<hbm>>
    tpu.wait_dma2 semaphore(%arg21 : memref<!tpu.dma_semaphore, #tpu.memory_space<semaphore_mem>>) src(%dma_wait3A_597 : memref<10000xf32, #tpu.memory_space<hbm>>) dst(%arg10 : memref<10000xf32, #tpu.memory_space<vmem>>)
    %dma_wait3A_598 = arith.constant 3 : i32
    %dma_wait3A_599 = tpu.memref_slice %arg2[%dma_wait3A_598, %add3A_494] : memref<4x1600000xf32, #tpu.memory_space<hbm>> -> memref<1x10000xf32, #tpu.memory_space<hbm>>
    %dma_wait3A_600 = tpu.memref_squeeze %dma_wait3A_599 : memref<1x10000xf32, #tpu.memory_space<hbm>> -> memref<10000xf32, #tpu.memory_space<hbm>>
    %dma_wait3A_601 = tpu.memref_slice %arg2[%dma_wait3A_598, %add3A_494] : memref<4x1600000xf32, #tpu.memory_space<hbm>> -> memref<1x10000xf32, #tpu.memory_space<hbm>>
    %dma_wait3A_602 = tpu.memref_squeeze %dma_wait3A_601 : memref<1x10000xf32, #tpu.memory_space<hbm>> -> memref<10000xf32, #tpu.memory_space<hbm>>
    tpu.wait_dma2 semaphore(%arg21 : memref<!tpu.dma_semaphore, #tpu.memory_space<semaphore_mem>>) src(%dma_wait3A_602 : memref<10000xf32, #tpu.memory_space<hbm>>) dst(%arg11 : memref<10000xf32, #tpu.memory_space<vmem>>)
    %dma_start3A_603 = arith.constant 0 : i32
    %dma_start3A_604 = tpu.memref_slice %arg17[%dma_start3A_603] : memref<100096xf32, #tpu.memory_space<vmem_shared>> -> memref<100096xf32, #tpu.memory_space<vmem_shared>>
    tpu.enqueue_indirect_dma source(%arg8 : memref<10000xf32, #tpu.memory_space<vmem>>) target(%dma_start3A_604 : memref<100096xf32, #tpu.memory_space<vmem_shared>>) offsets(%arg7 : memref<10000xi32, #tpu.memory_space<vmem>>) semaphore(%arg22 : memref<!tpu.dma_semaphore, #tpu.memory_space<semaphore_mem>>) {add = true}
    %dma_start3A_605 = arith.constant 0 : i32
    %dma_start3A_606 = tpu.memref_slice %arg18[%dma_start3A_605] : memref<100096xf32, #tpu.memory_space<vmem_shared>> -> memref<100096xf32, #tpu.memory_space<vmem_shared>>
    tpu.enqueue_indirect_dma source(%arg9 : memref<10000xf32, #tpu.memory_space<vmem>>) target(%dma_start3A_606 : memref<100096xf32, #tpu.memory_space<vmem_shared>>) offsets(%arg7 : memref<10000xi32, #tpu.memory_space<vmem>>) semaphore(%arg22 : memref<!tpu.dma_semaphore, #tpu.memory_space<semaphore_mem>>) {add = true}
    %dma_start3A_607 = arith.constant 0 : i32
    %dma_start3A_608 = tpu.memref_slice %arg19[%dma_start3A_607] : memref<100096xf32, #tpu.memory_space<vmem_shared>> -> memref<100096xf32, #tpu.memory_space<vmem_shared>>
    tpu.enqueue_indirect_dma source(%arg10 : memref<10000xf32, #tpu.memory_space<vmem>>) target(%dma_start3A_608 : memref<100096xf32, #tpu.memory_space<vmem_shared>>) offsets(%arg7 : memref<10000xi32, #tpu.memory_space<vmem>>) semaphore(%arg22 : memref<!tpu.dma_semaphore, #tpu.memory_space<semaphore_mem>>) {add = true}
    %dma_start3A_609 = arith.constant 0 : i32
    %dma_start3A_610 = tpu.memref_slice %arg20[%dma_start3A_609] : memref<100096xf32, #tpu.memory_space<vmem_shared>> -> memref<100096xf32, #tpu.memory_space<vmem_shared>>
    tpu.enqueue_indirect_dma source(%arg11 : memref<10000xf32, #tpu.memory_space<vmem>>) target(%dma_start3A_610 : memref<100096xf32, #tpu.memory_space<vmem_shared>>) offsets(%arg7 : memref<10000xi32, #tpu.memory_space<vmem>>) semaphore(%arg22 : memref<!tpu.dma_semaphore, #tpu.memory_space<semaphore_mem>>) {add = true}
    %dma_wait3A_611 = arith.constant 0 : i32
    %dma_wait3A_612 = tpu.memref_slice %arg17[%dma_wait3A_611] : memref<100096xf32, #tpu.memory_space<vmem_shared>> -> memref<100096xf32, #tpu.memory_space<vmem_shared>>
    tpu.wait_indirect_dma semaphore(%arg22 : memref<!tpu.dma_semaphore, #tpu.memory_space<semaphore_mem>>) src(%arg8 : memref<10000xf32, #tpu.memory_space<vmem>>) dst(%dma_wait3A_612 : memref<100096xf32, #tpu.memory_space<vmem_shared>>)
    %dma_wait3A_613 = arith.constant 0 : i32
    %dma_wait3A_614 = tpu.memref_slice %arg18[%dma_wait3A_613] : memref<100096xf32, #tpu.memory_space<vmem_shared>> -> memref<100096xf32, #tpu.memory_space<vmem_shared>>
    tpu.wait_indirect_dma semaphore(%arg22 : memref<!tpu.dma_semaphore, #tpu.memory_space<semaphore_mem>>) src(%arg9 : memref<10000xf32, #tpu.memory_space<vmem>>) dst(%dma_wait3A_614 : memref<100096xf32, #tpu.memory_space<vmem_shared>>)
    %dma_wait3A_615 = arith.constant 0 : i32
    %dma_wait3A_616 = tpu.memref_slice %arg19[%dma_wait3A_615] : memref<100096xf32, #tpu.memory_space<vmem_shared>> -> memref<100096xf32, #tpu.memory_space<vmem_shared>>
    tpu.wait_indirect_dma semaphore(%arg22 : memref<!tpu.dma_semaphore, #tpu.memory_space<semaphore_mem>>) src(%arg10 : memref<10000xf32, #tpu.memory_space<vmem>>) dst(%dma_wait3A_616 : memref<100096xf32, #tpu.memory_space<vmem_shared>>)
    %dma_wait3A_617 = arith.constant 0 : i32
    %dma_wait3A_618 = tpu.memref_slice %arg20[%dma_wait3A_617] : memref<100096xf32, #tpu.memory_space<vmem_shared>> -> memref<100096xf32, #tpu.memory_space<vmem_shared>>
    tpu.wait_indirect_dma semaphore(%arg22 : memref<!tpu.dma_semaphore, #tpu.memory_space<semaphore_mem>>) src(%arg11 : memref<10000xf32, #tpu.memory_space<vmem>>) dst(%dma_wait3A_618 : memref<100096xf32, #tpu.memory_space<vmem_shared>>)
    %dma_wait3A_619 = tpu.memref_slice %arg3[%add3A_558] : memref<1600000xi32, #tpu.memory_space<hbm>> -> memref<10000xi32, #tpu.memory_space<hbm>>
    %dma_wait3A_620 = tpu.memref_slice %arg3[%add3A_558] : memref<1600000xi32, #tpu.memory_space<hbm>> -> memref<10000xi32, #tpu.memory_space<hbm>>
    tpu.wait_dma2 semaphore(%arg23 : memref<!tpu.dma_semaphore, #tpu.memory_space<semaphore_mem>>) src(%dma_wait3A_620 : memref<10000xi32, #tpu.memory_space<hbm>>) dst(%arg12 : memref<10000xi32, #tpu.memory_space<vmem>>)
    %dma_wait3A_621 = arith.constant 0 : i32
    %dma_wait3A_622 = tpu.memref_slice %arg2[%dma_wait3A_621, %add3A_558] : memref<4x1600000xf32, #tpu.memory_space<hbm>> -> memref<1x10000xf32, #tpu.memory_space<hbm>>
    %dma_wait3A_623 = tpu.memref_squeeze %dma_wait3A_622 : memref<1x10000xf32, #tpu.memory_space<hbm>> -> memref<10000xf32, #tpu.memory_space<hbm>>
    %dma_wait3A_624 = tpu.memref_slice %arg2[%dma_wait3A_621, %add3A_558] : memref<4x1600000xf32, #tpu.memory_space<hbm>> -> memref<1x10000xf32, #tpu.memory_space<hbm>>
    %dma_wait3A_625 = tpu.memref_squeeze %dma_wait3A_624 : memref<1x10000xf32, #tpu.memory_space<hbm>> -> memref<10000xf32, #tpu.memory_space<hbm>>
    tpu.wait_dma2 semaphore(%arg23 : memref<!tpu.dma_semaphore, #tpu.memory_space<semaphore_mem>>) src(%dma_wait3A_625 : memref<10000xf32, #tpu.memory_space<hbm>>) dst(%arg13 : memref<10000xf32, #tpu.memory_space<vmem>>)
    %dma_wait3A_626 = arith.constant 1 : i32
    %dma_wait3A_627 = tpu.memref_slice %arg2[%dma_wait3A_626, %add3A_558] : memref<4x1600000xf32, #tpu.memory_space<hbm>> -> memref<1x10000xf32, #tpu.memory_space<hbm>>
    %dma_wait3A_628 = tpu.memref_squeeze %dma_wait3A_627 : memref<1x10000xf32, #tpu.memory_space<hbm>> -> memref<10000xf32, #tpu.memory_space<hbm>>
    %dma_wait3A_629 = tpu.memref_slice %arg2[%dma_wait3A_626, %add3A_558] : memref<4x1600000xf32, #tpu.memory_space<hbm>> -> memref<1x10000xf32, #tpu.memory_space<hbm>>
    %dma_wait3A_630 = tpu.memref_squeeze %dma_wait3A_629 : memref<1x10000xf32, #tpu.memory_space<hbm>> -> memref<10000xf32, #tpu.memory_space<hbm>>
    tpu.wait_dma2 semaphore(%arg23 : memref<!tpu.dma_semaphore, #tpu.memory_space<semaphore_mem>>) src(%dma_wait3A_630 : memref<10000xf32, #tpu.memory_space<hbm>>) dst(%arg14 : memref<10000xf32, #tpu.memory_space<vmem>>)
    %dma_wait3A_631 = arith.constant 2 : i32
    %dma_wait3A_632 = tpu.memref_slice %arg2[%dma_wait3A_631, %add3A_558] : memref<4x1600000xf32, #tpu.memory_space<hbm>> -> memref<1x10000xf32, #tpu.memory_space<hbm>>
    %dma_wait3A_633 = tpu.memref_squeeze %dma_wait3A_632 : memref<1x10000xf32, #tpu.memory_space<hbm>> -> memref<10000xf32, #tpu.memory_space<hbm>>
    %dma_wait3A_634 = tpu.memref_slice %arg2[%dma_wait3A_631, %add3A_558] : memref<4x1600000xf32, #tpu.memory_space<hbm>> -> memref<1x10000xf32, #tpu.memory_space<hbm>>
    %dma_wait3A_635 = tpu.memref_squeeze %dma_wait3A_634 : memref<1x10000xf32, #tpu.memory_space<hbm>> -> memref<10000xf32, #tpu.memory_space<hbm>>
    tpu.wait_dma2 semaphore(%arg23 : memref<!tpu.dma_semaphore, #tpu.memory_space<semaphore_mem>>) src(%dma_wait3A_635 : memref<10000xf32, #tpu.memory_space<hbm>>) dst(%arg15 : memref<10000xf32, #tpu.memory_space<vmem>>)
    %dma_wait3A_636 = arith.constant 3 : i32
    %dma_wait3A_637 = tpu.memref_slice %arg2[%dma_wait3A_636, %add3A_558] : memref<4x1600000xf32, #tpu.memory_space<hbm>> -> memref<1x10000xf32, #tpu.memory_space<hbm>>
    %dma_wait3A_638 = tpu.memref_squeeze %dma_wait3A_637 : memref<1x10000xf32, #tpu.memory_space<hbm>> -> memref<10000xf32, #tpu.memory_space<hbm>>
    %dma_wait3A_639 = tpu.memref_slice %arg2[%dma_wait3A_636, %add3A_558] : memref<4x1600000xf32, #tpu.memory_space<hbm>> -> memref<1x10000xf32, #tpu.memory_space<hbm>>
    %dma_wait3A_640 = tpu.memref_squeeze %dma_wait3A_639 : memref<1x10000xf32, #tpu.memory_space<hbm>> -> memref<10000xf32, #tpu.memory_space<hbm>>
    tpu.wait_dma2 semaphore(%arg23 : memref<!tpu.dma_semaphore, #tpu.memory_space<semaphore_mem>>) src(%dma_wait3A_640 : memref<10000xf32, #tpu.memory_space<hbm>>) dst(%arg16 : memref<10000xf32, #tpu.memory_space<vmem>>)
    %dma_start3A_641 = arith.constant 0 : i32
    %dma_start3A_642 = tpu.memref_slice %arg17[%dma_start3A_641] : memref<100096xf32, #tpu.memory_space<vmem_shared>> -> memref<100096xf32, #tpu.memory_space<vmem_shared>>
    tpu.enqueue_indirect_dma source(%arg13 : memref<10000xf32, #tpu.memory_space<vmem>>) target(%dma_start3A_642 : memref<100096xf32, #tpu.memory_space<vmem_shared>>) offsets(%arg12 : memref<10000xi32, #tpu.memory_space<vmem>>) semaphore(%arg24 : memref<!tpu.dma_semaphore, #tpu.memory_space<semaphore_mem>>) {add = true}
    %dma_start3A_643 = arith.constant 0 : i32
    %dma_start3A_644 = tpu.memref_slice %arg18[%dma_start3A_643] : memref<100096xf32, #tpu.memory_space<vmem_shared>> -> memref<100096xf32, #tpu.memory_space<vmem_shared>>
    tpu.enqueue_indirect_dma source(%arg14 : memref<10000xf32, #tpu.memory_space<vmem>>) target(%dma_start3A_644 : memref<100096xf32, #tpu.memory_space<vmem_shared>>) offsets(%arg12 : memref<10000xi32, #tpu.memory_space<vmem>>) semaphore(%arg24 : memref<!tpu.dma_semaphore, #tpu.memory_space<semaphore_mem>>) {add = true}
    %dma_start3A_645 = arith.constant 0 : i32
    %dma_start3A_646 = tpu.memref_slice %arg19[%dma_start3A_645] : memref<100096xf32, #tpu.memory_space<vmem_shared>> -> memref<100096xf32, #tpu.memory_space<vmem_shared>>
    tpu.enqueue_indirect_dma source(%arg15 : memref<10000xf32, #tpu.memory_space<vmem>>) target(%dma_start3A_646 : memref<100096xf32, #tpu.memory_space<vmem_shared>>) offsets(%arg12 : memref<10000xi32, #tpu.memory_space<vmem>>) semaphore(%arg24 : memref<!tpu.dma_semaphore, #tpu.memory_space<semaphore_mem>>) {add = true}
    %dma_start3A_647 = arith.constant 0 : i32
    %dma_start3A_648 = tpu.memref_slice %arg20[%dma_start3A_647] : memref<100096xf32, #tpu.memory_space<vmem_shared>> -> memref<100096xf32, #tpu.memory_space<vmem_shared>>
    tpu.enqueue_indirect_dma source(%arg16 : memref<10000xf32, #tpu.memory_space<vmem>>) target(%dma_start3A_648 : memref<100096xf32, #tpu.memory_space<vmem_shared>>) offsets(%arg12 : memref<10000xi32, #tpu.memory_space<vmem>>) semaphore(%arg24 : memref<!tpu.dma_semaphore, #tpu.memory_space<semaphore_mem>>) {add = true}
    %dma_wait3A_649 = arith.constant 0 : i32
    %dma_wait3A_650 = tpu.memref_slice %arg17[%dma_wait3A_649] : memref<100096xf32, #tpu.memory_space<vmem_shared>> -> memref<100096xf32, #tpu.memory_space<vmem_shared>>
    tpu.wait_indirect_dma semaphore(%arg24 : memref<!tpu.dma_semaphore, #tpu.memory_space<semaphore_mem>>) src(%arg13 : memref<10000xf32, #tpu.memory_space<vmem>>) dst(%dma_wait3A_650 : memref<100096xf32, #tpu.memory_space<vmem_shared>>)
    %dma_wait3A_651 = arith.constant 0 : i32
    %dma_wait3A_652 = tpu.memref_slice %arg18[%dma_wait3A_651] : memref<100096xf32, #tpu.memory_space<vmem_shared>> -> memref<100096xf32, #tpu.memory_space<vmem_shared>>
    tpu.wait_indirect_dma semaphore(%arg24 : memref<!tpu.dma_semaphore, #tpu.memory_space<semaphore_mem>>) src(%arg14 : memref<10000xf32, #tpu.memory_space<vmem>>) dst(%dma_wait3A_652 : memref<100096xf32, #tpu.memory_space<vmem_shared>>)
    %dma_wait3A_653 = arith.constant 0 : i32
    %dma_wait3A_654 = tpu.memref_slice %arg19[%dma_wait3A_653] : memref<100096xf32, #tpu.memory_space<vmem_shared>> -> memref<100096xf32, #tpu.memory_space<vmem_shared>>
    tpu.wait_indirect_dma semaphore(%arg24 : memref<!tpu.dma_semaphore, #tpu.memory_space<semaphore_mem>>) src(%arg15 : memref<10000xf32, #tpu.memory_space<vmem>>) dst(%dma_wait3A_654 : memref<100096xf32, #tpu.memory_space<vmem_shared>>)
    %dma_wait3A_655 = arith.constant 0 : i32
    %dma_wait3A_656 = tpu.memref_slice %arg20[%dma_wait3A_655] : memref<100096xf32, #tpu.memory_space<vmem_shared>> -> memref<100096xf32, #tpu.memory_space<vmem_shared>>
    tpu.wait_indirect_dma semaphore(%arg24 : memref<!tpu.dma_semaphore, #tpu.memory_space<semaphore_mem>>) src(%arg16 : memref<10000xf32, #tpu.memory_space<vmem>>) dst(%dma_wait3A_656 : memref<100096xf32, #tpu.memory_space<vmem_shared>>)
    %barrier3A_657 = arith.constant 0 : index
    tpu.barrier barrier_id(%barrier3A_657)
    %jit3A = arith.constant 8 : i32
    %div3A = arith.divsi %add3A, %jit3A : i32
    %sign3A = arith.constant 0 : i32
    %sign3A_658 = arith.cmpi sgt, %add3A, %sign3A : i32
    %sign3A_659 = arith.extui %sign3A_658 : i1 to i32
    %sign3A_660 = arith.constant 0 : i32
    %sign3A_661 = arith.cmpi slt, %add3A, %sign3A_660 : i32
    %sign3A_662 = arith.extui %sign3A_661 : i1 to i32
    %sign3A_663 = arith.subi %sign3A_659, %sign3A_662 : i32
    %sign3A_664 = arith.constant 0 : i32
    %sign3A_665 = arith.cmpi sgt, %jit3A, %sign3A_664 : i32
    %sign3A_666 = arith.extui %sign3A_665 : i1 to i32
    %sign3A_667 = arith.constant 0 : i32
    %sign3A_668 = arith.cmpi slt, %jit3A, %sign3A_667 : i32
    %sign3A_669 = arith.extui %sign3A_668 : i1 to i32
    %sign3A_670 = arith.subi %sign3A_666, %sign3A_669 : i32
    %ne3A = arith.cmpi ne, %sign3A_663, %sign3A_670 : i32
    %rem3A = arith.remsi %add3A, %jit3A : i32
    %ne3A_671 = arith.constant 0 : i32
    %ne3A_672 = arith.cmpi ne, %rem3A, %ne3A_671 : i32
    %and3A = arith.andi %ne3A, %ne3A_672 : i1
    %sub3A = arith.constant 1 : i32
    %sub3A_673 = arith.subi %div3A, %sub3A : i32
    %select_n3A = arith.select %and3A, %sub3A_673, %div3A : i32
    %jit3A_674 = arith.constant 8 : i32
    %eq3A = arith.constant 0 : i32
    %eq3A_675 = arith.cmpi eq, %jit3A_674, %eq3A : i32
    %jit3A_676 = arith.constant 1 : i32
    %select_n3A_677 = arith.select %eq3A_675, %jit3A_676, %jit3A_674 : i32
    %rem3A_678 = arith.remsi %add3A, %select_n3A_677 : i32
    %ne3A_679 = arith.constant 0 : i32
    %ne3A_680 = arith.cmpi ne, %rem3A_678, %ne3A_679 : i32
    %lt3A = arith.constant 0 : i32
    %lt3A_681 = arith.cmpi slt, %rem3A_678, %lt3A : i32
    %lt3A_682 = arith.constant 0 : i32
    %lt3A_683 = arith.cmpi slt, %select_n3A_677, %lt3A_682 : i32
    %ne3A_684 = arith.xori %lt3A_681, %lt3A_683 : i1
    %and3A_685 = arith.andi %ne3A_684, %ne3A_680 : i1
    %add3A_686 = arith.addi %rem3A_678, %select_n3A_677 : i32
    %select_n3A_687 = arith.select %and3A_685, %add3A_686, %rem3A_678 : i32
    %mul3A_688 = arith.constant 12512 : i32
    %mul3A_689 = arith.muli %select_n3A_687, %mul3A_688 : i32
    %eq3A_690 = arith.constant 0 : i32
    %eq3A_691 = arith.cmpi eq, %select_n3A, %eq3A_690 : i32
    %convert_element_type3A = arith.extui %eq3A_691 : i1 to i32
    %cond3A = arith.constant 0 : i32
    %cond3A_692 = arith.cmpi ne, %convert_element_type3A, %cond3A : i32
    scf.if %cond3A_692 {
      "tpu.region"() ({
        %run_scoped3A = tpu.sem_alloc : memref<!tpu.dma_semaphore, #tpu.memory_space<semaphore_mem>>
        %dma_start3A_1183 = tpu.memref_slice %arg6[%select_n3A, %mul3A_689] : memref<4x100096xf32, #tpu.memory_space<hbm>> -> memref<1x12512xf32, #tpu.memory_space<hbm>>
        %dma_start3A_1184 = tpu.memref_squeeze %dma_start3A_1183 : memref<1x12512xf32, #tpu.memory_space<hbm>> -> memref<12512xf32, #tpu.memory_space<hbm>>
        %dma_start3A_1185 = tpu.memref_slice %arg17[%mul3A_689] : memref<100096xf32, #tpu.memory_space<vmem_shared>> -> memref<12512xf32, #tpu.memory_space<vmem_shared>>
        tpu.enqueue_dma source(%dma_start3A_1185 : memref<12512xf32, #tpu.memory_space<vmem_shared>>) target(%dma_start3A_1184 : memref<12512xf32, #tpu.memory_space<hbm>>) target_semaphore(%run_scoped3A : memref<!tpu.dma_semaphore, #tpu.memory_space<semaphore_mem>>)
        %dma_wait3A_1186 = tpu.memref_slice %arg6[%select_n3A, %mul3A_689] : memref<4x100096xf32, #tpu.memory_space<hbm>> -> memref<1x12512xf32, #tpu.memory_space<hbm>>
        %dma_wait3A_1187 = tpu.memref_squeeze %dma_wait3A_1186 : memref<1x12512xf32, #tpu.memory_space<hbm>> -> memref<12512xf32, #tpu.memory_space<hbm>>
        %dma_wait3A_1188 = tpu.memref_slice %arg17[%mul3A_689] : memref<100096xf32, #tpu.memory_space<vmem_shared>> -> memref<12512xf32, #tpu.memory_space<vmem_shared>>
        tpu.wait_dma2 semaphore(%run_scoped3A : memref<!tpu.dma_semaphore, #tpu.memory_space<semaphore_mem>>) src(%dma_wait3A_1188 : memref<12512xf32, #tpu.memory_space<vmem_shared>>) dst(%dma_wait3A_1187 : memref<12512xf32, #tpu.memory_space<hbm>>)
        tpu.yield
      }) : () -> ()
    } else {
    }
    %eq3A_693 = arith.constant 1 : i32
    %eq3A_694 = arith.cmpi eq, %select_n3A, %eq3A_693 : i32
    %convert_element_type3A_695 = arith.extui %eq3A_694 : i1 to i32
    %cond3A_696 = arith.constant 0 : i32
    %cond3A_697 = arith.cmpi ne, %convert_element_type3A_695, %cond3A_696 : i32
    scf.if %cond3A_697 {
      "tpu.region"() ({
        %run_scoped3A = tpu.sem_alloc : memref<!tpu.dma_semaphore, #tpu.memory_space<semaphore_mem>>
        %dma_start3A_1183 = tpu.memref_slice %arg6[%select_n3A, %mul3A_689] : memref<4x100096xf32, #tpu.memory_space<hbm>> -> memref<1x12512xf32, #tpu.memory_space<hbm>>
        %dma_start3A_1184 = tpu.memref_squeeze %dma_start3A_1183 : memref<1x12512xf32, #tpu.memory_space<hbm>> -> memref<12512xf32, #tpu.memory_space<hbm>>
        %dma_start3A_1185 = tpu.memref_slice %arg18[%mul3A_689] : memref<100096xf32, #tpu.memory_space<vmem_shared>> -> memref<12512xf32, #tpu.memory_space<vmem_shared>>
        tpu.enqueue_dma source(%dma_start3A_1185 : memref<12512xf32, #tpu.memory_space<vmem_shared>>) target(%dma_start3A_1184 : memref<12512xf32, #tpu.memory_space<hbm>>) target_semaphore(%run_scoped3A : memref<!tpu.dma_semaphore, #tpu.memory_space<semaphore_mem>>)
        %dma_wait3A_1186 = tpu.memref_slice %arg6[%select_n3A, %mul3A_689] : memref<4x100096xf32, #tpu.memory_space<hbm>> -> memref<1x12512xf32, #tpu.memory_space<hbm>>
        %dma_wait3A_1187 = tpu.memref_squeeze %dma_wait3A_1186 : memref<1x12512xf32, #tpu.memory_space<hbm>> -> memref<12512xf32, #tpu.memory_space<hbm>>
        %dma_wait3A_1188 = tpu.memref_slice %arg18[%mul3A_689] : memref<100096xf32, #tpu.memory_space<vmem_shared>> -> memref<12512xf32, #tpu.memory_space<vmem_shared>>
        tpu.wait_dma2 semaphore(%run_scoped3A : memref<!tpu.dma_semaphore, #tpu.memory_space<semaphore_mem>>) src(%dma_wait3A_1188 : memref<12512xf32, #tpu.memory_space<vmem_shared>>) dst(%dma_wait3A_1187 : memref<12512xf32, #tpu.memory_space<hbm>>)
        tpu.yield
      }) : () -> ()
    } else {
    }
    %eq3A_698 = arith.constant 2 : i32
    %eq3A_699 = arith.cmpi eq, %select_n3A, %eq3A_698 : i32
    %convert_element_type3A_700 = arith.extui %eq3A_699 : i1 to i32
    %cond3A_701 = arith.constant 0 : i32
    %cond3A_702 = arith.cmpi ne, %convert_element_type3A_700, %cond3A_701 : i32
    scf.if %cond3A_702 {
      "tpu.region"() ({
        %run_scoped3A = tpu.sem_alloc : memref<!tpu.dma_semaphore, #tpu.memory_space<semaphore_mem>>
        %dma_start3A_1183 = tpu.memref_slice %arg6[%select_n3A, %mul3A_689] : memref<4x100096xf32, #tpu.memory_space<hbm>> -> memref<1x12512xf32, #tpu.memory_space<hbm>>
        %dma_start3A_1184 = tpu.memref_squeeze %dma_start3A_1183 : memref<1x12512xf32, #tpu.memory_space<hbm>> -> memref<12512xf32, #tpu.memory_space<hbm>>
        %dma_start3A_1185 = tpu.memref_slice %arg19[%mul3A_689] : memref<100096xf32, #tpu.memory_space<vmem_shared>> -> memref<12512xf32, #tpu.memory_space<vmem_shared>>
        tpu.enqueue_dma source(%dma_start3A_1185 : memref<12512xf32, #tpu.memory_space<vmem_shared>>) target(%dma_start3A_1184 : memref<12512xf32, #tpu.memory_space<hbm>>) target_semaphore(%run_scoped3A : memref<!tpu.dma_semaphore, #tpu.memory_space<semaphore_mem>>)
        %dma_wait3A_1186 = tpu.memref_slice %arg6[%select_n3A, %mul3A_689] : memref<4x100096xf32, #tpu.memory_space<hbm>> -> memref<1x12512xf32, #tpu.memory_space<hbm>>
        %dma_wait3A_1187 = tpu.memref_squeeze %dma_wait3A_1186 : memref<1x12512xf32, #tpu.memory_space<hbm>> -> memref<12512xf32, #tpu.memory_space<hbm>>
        %dma_wait3A_1188 = tpu.memref_slice %arg19[%mul3A_689] : memref<100096xf32, #tpu.memory_space<vmem_shared>> -> memref<12512xf32, #tpu.memory_space<vmem_shared>>
        tpu.wait_dma2 semaphore(%run_scoped3A : memref<!tpu.dma_semaphore, #tpu.memory_space<semaphore_mem>>) src(%dma_wait3A_1188 : memref<12512xf32, #tpu.memory_space<vmem_shared>>) dst(%dma_wait3A_1187 : memref<12512xf32, #tpu.memory_space<hbm>>)
        tpu.yield
      }) : () -> ()
    } else {
    }
    %eq3A_703 = arith.constant 3 : i32
    %eq3A_704 = arith.cmpi eq, %select_n3A, %eq3A_703 : i32
    %convert_element_type3A_705 = arith.extui %eq3A_704 : i1 to i32
    %cond3A_706 = arith.constant 0 : i32
    %cond3A_707 = arith.cmpi ne, %convert_element_type3A_705, %cond3A_706 : i32
    scf.if %cond3A_707 {
      "tpu.region"() ({
        %run_scoped3A = tpu.sem_alloc : memref<!tpu.dma_semaphore, #tpu.memory_space<semaphore_mem>>
        %dma_start3A_1183 = tpu.memref_slice %arg6[%select_n3A, %mul3A_689] : memref<4x100096xf32, #tpu.memory_space<hbm>> -> memref<1x12512xf32, #tpu.memory_space<hbm>>
        %dma_start3A_1184 = tpu.memref_squeeze %dma_start3A_1183 : memref<1x12512xf32, #tpu.memory_space<hbm>> -> memref<12512xf32, #tpu.memory_space<hbm>>
        %dma_start3A_1185 = tpu.memref_slice %arg20[%mul3A_689] : memref<100096xf32, #tpu.memory_space<vmem_shared>> -> memref<12512xf32, #tpu.memory_space<vmem_shared>>
        tpu.enqueue_dma source(%dma_start3A_1185 : memref<12512xf32, #tpu.memory_space<vmem_shared>>) target(%dma_start3A_1184 : memref<12512xf32, #tpu.memory_space<hbm>>) target_semaphore(%run_scoped3A : memref<!tpu.dma_semaphore, #tpu.memory_space<semaphore_mem>>)
        %dma_wait3A_1186 = tpu.memref_slice %arg6[%select_n3A, %mul3A_689] : memref<4x100096xf32, #tpu.memory_space<hbm>> -> memref<1x12512xf32, #tpu.memory_space<hbm>>
        %dma_wait3A_1187 = tpu.memref_squeeze %dma_wait3A_1186 : memref<1x12512xf32, #tpu.memory_space<hbm>> -> memref<12512xf32, #tpu.memory_space<hbm>>
        %dma_wait3A_1188 = tpu.memref_slice %arg20[%mul3A_689] : memref<100096xf32, #tpu.memory_space<vmem_shared>> -> memref<12512xf32, #tpu.memory_space<vmem_shared>>
        tpu.wait_dma2 semaphore(%run_scoped3A : memref<!tpu.dma_semaphore, #tpu.memory_space<semaphore_mem>>) src(%dma_wait3A_1188 : memref<12512xf32, #tpu.memory_space<vmem_shared>>) dst(%dma_wait3A_1187 : memref<12512xf32, #tpu.memory_space<hbm>>)
        tpu.yield
      }) : () -> ()
    } else {
    }
    %mul3A_708 = arith.constant 800000 : i32
    %mul3A_709 = arith.muli %arg0, %mul3A_708 : i32
    %mul3A_710 = arith.constant 50000 : i32
    %mul3A_711 = arith.muli %arg1, %mul3A_710 : i32
    %add3A_712 = arith.addi %mul3A_709, %mul3A_711 : i32
    %add3A_713 = arith.constant 0 : i32
    %add3A_714 = arith.addi %add3A_712, %add3A_713 : i32
    %dma_start3A_715 = tpu.memref_slice %arg3[%add3A_714] : memref<1600000xi32, #tpu.memory_space<hbm>> -> memref<10000xi32, #tpu.memory_space<hbm>>
    %dma_start3A_716 = tpu.memref_slice %arg3[%add3A_714] : memref<1600000xi32, #tpu.memory_space<hbm>> -> memref<10000xi32, #tpu.memory_space<hbm>>
    tpu.enqueue_dma source(%dma_start3A_716 : memref<10000xi32, #tpu.memory_space<hbm>>) target(%arg7 : memref<10000xi32, #tpu.memory_space<vmem>>) target_semaphore(%arg21 : memref<!tpu.dma_semaphore, #tpu.memory_space<semaphore_mem>>)
    %mul3A_717 = arith.constant 800000 : i32
    %mul3A_718 = arith.muli %arg0, %mul3A_717 : i32
    %mul3A_719 = arith.constant 50000 : i32
    %mul3A_720 = arith.muli %arg1, %mul3A_719 : i32
    %add3A_721 = arith.addi %mul3A_718, %mul3A_720 : i32
    %add3A_722 = arith.constant 10000 : i32
    %add3A_723 = arith.addi %add3A_721, %add3A_722 : i32
    %dma_start3A_724 = tpu.memref_slice %arg3[%add3A_723] : memref<1600000xi32, #tpu.memory_space<hbm>> -> memref<10000xi32, #tpu.memory_space<hbm>>
    %dma_start3A_725 = tpu.memref_slice %arg3[%add3A_723] : memref<1600000xi32, #tpu.memory_space<hbm>> -> memref<10000xi32, #tpu.memory_space<hbm>>
    tpu.enqueue_dma source(%dma_start3A_725 : memref<10000xi32, #tpu.memory_space<hbm>>) target(%arg12 : memref<10000xi32, #tpu.memory_space<vmem>>) target_semaphore(%arg23 : memref<!tpu.dma_semaphore, #tpu.memory_space<semaphore_mem>>)
    %dma_wait3A_726 = tpu.memref_slice %arg3[%add3A_714] : memref<1600000xi32, #tpu.memory_space<hbm>> -> memref<10000xi32, #tpu.memory_space<hbm>>
    %dma_wait3A_727 = tpu.memref_slice %arg3[%add3A_714] : memref<1600000xi32, #tpu.memory_space<hbm>> -> memref<10000xi32, #tpu.memory_space<hbm>>
    tpu.wait_dma2 semaphore(%arg21 : memref<!tpu.dma_semaphore, #tpu.memory_space<semaphore_mem>>) src(%dma_wait3A_727 : memref<10000xi32, #tpu.memory_space<hbm>>) dst(%arg7 : memref<10000xi32, #tpu.memory_space<vmem>>)
    %dma_start3A_728 = arith.constant 0 : i32
    %dma_start3A_729 = tpu.memref_slice %arg17[%dma_start3A_728] : memref<100096xf32, #tpu.memory_space<vmem_shared>> -> memref<100096xf32, #tpu.memory_space<vmem_shared>>
    tpu.enqueue_indirect_dma source(%dma_start3A_729 : memref<100096xf32, #tpu.memory_space<vmem_shared>>) target(%arg8 : memref<10000xf32, #tpu.memory_space<vmem>>) offsets(%arg7 : memref<10000xi32, #tpu.memory_space<vmem>>) semaphore(%arg22 : memref<!tpu.dma_semaphore, #tpu.memory_space<semaphore_mem>>)
    %dma_start3A_730 = arith.constant 0 : i32
    %dma_start3A_731 = tpu.memref_slice %arg18[%dma_start3A_730] : memref<100096xf32, #tpu.memory_space<vmem_shared>> -> memref<100096xf32, #tpu.memory_space<vmem_shared>>
    tpu.enqueue_indirect_dma source(%dma_start3A_731 : memref<100096xf32, #tpu.memory_space<vmem_shared>>) target(%arg9 : memref<10000xf32, #tpu.memory_space<vmem>>) offsets(%arg7 : memref<10000xi32, #tpu.memory_space<vmem>>) semaphore(%arg22 : memref<!tpu.dma_semaphore, #tpu.memory_space<semaphore_mem>>)
    %dma_start3A_732 = arith.constant 0 : i32
    %dma_start3A_733 = tpu.memref_slice %arg19[%dma_start3A_732] : memref<100096xf32, #tpu.memory_space<vmem_shared>> -> memref<100096xf32, #tpu.memory_space<vmem_shared>>
    tpu.enqueue_indirect_dma source(%dma_start3A_733 : memref<100096xf32, #tpu.memory_space<vmem_shared>>) target(%arg10 : memref<10000xf32, #tpu.memory_space<vmem>>) offsets(%arg7 : memref<10000xi32, #tpu.memory_space<vmem>>) semaphore(%arg22 : memref<!tpu.dma_semaphore, #tpu.memory_space<semaphore_mem>>)
    %dma_start3A_734 = arith.constant 0 : i32
    %dma_start3A_735 = tpu.memref_slice %arg20[%dma_start3A_734] : memref<100096xf32, #tpu.memory_space<vmem_shared>> -> memref<100096xf32, #tpu.memory_space<vmem_shared>>
    tpu.enqueue_indirect_dma source(%dma_start3A_735 : memref<100096xf32, #tpu.memory_space<vmem_shared>>) target(%arg11 : memref<10000xf32, #tpu.memory_space<vmem>>) offsets(%arg7 : memref<10000xi32, #tpu.memory_space<vmem>>) semaphore(%arg22 : memref<!tpu.dma_semaphore, #tpu.memory_space<semaphore_mem>>)
    %dma_wait3A_736 = arith.constant 0 : i32
    %dma_wait3A_737 = tpu.memref_slice %arg17[%dma_wait3A_736] : memref<100096xf32, #tpu.memory_space<vmem_shared>> -> memref<100096xf32, #tpu.memory_space<vmem_shared>>
    tpu.wait_indirect_dma semaphore(%arg22 : memref<!tpu.dma_semaphore, #tpu.memory_space<semaphore_mem>>) src(%dma_wait3A_737 : memref<100096xf32, #tpu.memory_space<vmem_shared>>) dst(%arg8 : memref<10000xf32, #tpu.memory_space<vmem>>)
    %dma_wait3A_738 = arith.constant 0 : i32
    %dma_wait3A_739 = tpu.memref_slice %arg18[%dma_wait3A_738] : memref<100096xf32, #tpu.memory_space<vmem_shared>> -> memref<100096xf32, #tpu.memory_space<vmem_shared>>
    tpu.wait_indirect_dma semaphore(%arg22 : memref<!tpu.dma_semaphore, #tpu.memory_space<semaphore_mem>>) src(%dma_wait3A_739 : memref<100096xf32, #tpu.memory_space<vmem_shared>>) dst(%arg9 : memref<10000xf32, #tpu.memory_space<vmem>>)
    %dma_wait3A_740 = arith.constant 0 : i32
    %dma_wait3A_741 = tpu.memref_slice %arg19[%dma_wait3A_740] : memref<100096xf32, #tpu.memory_space<vmem_shared>> -> memref<100096xf32, #tpu.memory_space<vmem_shared>>
    tpu.wait_indirect_dma semaphore(%arg22 : memref<!tpu.dma_semaphore, #tpu.memory_space<semaphore_mem>>) src(%dma_wait3A_741 : memref<100096xf32, #tpu.memory_space<vmem_shared>>) dst(%arg10 : memref<10000xf32, #tpu.memory_space<vmem>>)
    %dma_wait3A_742 = arith.constant 0 : i32
    %dma_wait3A_743 = tpu.memref_slice %arg20[%dma_wait3A_742] : memref<100096xf32, #tpu.memory_space<vmem_shared>> -> memref<100096xf32, #tpu.memory_space<vmem_shared>>
    tpu.wait_indirect_dma semaphore(%arg22 : memref<!tpu.dma_semaphore, #tpu.memory_space<semaphore_mem>>) src(%dma_wait3A_743 : memref<100096xf32, #tpu.memory_space<vmem_shared>>) dst(%arg11 : memref<10000xf32, #tpu.memory_space<vmem>>)
    %mul3A_744 = arith.constant 800000 : i32
    %mul3A_745 = arith.muli %arg0, %mul3A_744 : i32
    %mul3A_746 = arith.constant 50000 : i32
    %mul3A_747 = arith.muli %arg1, %mul3A_746 : i32
    %add3A_748 = arith.addi %mul3A_745, %mul3A_747 : i32
    %add3A_749 = arith.constant 0 : i32
    %add3A_750 = arith.addi %add3A_748, %add3A_749 : i32
    %dma_start3A_751 = arith.constant 0 : i32
    %dma_start3A_752 = tpu.memref_slice %arg5[%dma_start3A_751, %add3A_750] : memref<4x1600000xf32, #tpu.memory_space<hbm>> -> memref<1x10000xf32, #tpu.memory_space<hbm>>
    %dma_start3A_753 = tpu.memref_squeeze %dma_start3A_752 : memref<1x10000xf32, #tpu.memory_space<hbm>> -> memref<10000xf32, #tpu.memory_space<hbm>>
    %dma_start3A_754 = tpu.memref_slice %arg5[%dma_start3A_751, %add3A_750] : memref<4x1600000xf32, #tpu.memory_space<hbm>> -> memref<1x10000xf32, #tpu.memory_space<hbm>>
    %dma_start3A_755 = tpu.memref_squeeze %dma_start3A_754 : memref<1x10000xf32, #tpu.memory_space<hbm>> -> memref<10000xf32, #tpu.memory_space<hbm>>
    tpu.enqueue_dma source(%arg8 : memref<10000xf32, #tpu.memory_space<vmem>>) target(%dma_start3A_755 : memref<10000xf32, #tpu.memory_space<hbm>>) target_semaphore(%arg21 : memref<!tpu.dma_semaphore, #tpu.memory_space<semaphore_mem>>)
    %mul3A_756 = arith.constant 800000 : i32
    %mul3A_757 = arith.muli %arg0, %mul3A_756 : i32
    %mul3A_758 = arith.constant 50000 : i32
    %mul3A_759 = arith.muli %arg1, %mul3A_758 : i32
    %add3A_760 = arith.addi %mul3A_757, %mul3A_759 : i32
    %add3A_761 = arith.constant 0 : i32
    %add3A_762 = arith.addi %add3A_760, %add3A_761 : i32
    %dma_start3A_763 = arith.constant 1 : i32
    %dma_start3A_764 = tpu.memref_slice %arg5[%dma_start3A_763, %add3A_762] : memref<4x1600000xf32, #tpu.memory_space<hbm>> -> memref<1x10000xf32, #tpu.memory_space<hbm>>
    %dma_start3A_765 = tpu.memref_squeeze %dma_start3A_764 : memref<1x10000xf32, #tpu.memory_space<hbm>> -> memref<10000xf32, #tpu.memory_space<hbm>>
    %dma_start3A_766 = tpu.memref_slice %arg5[%dma_start3A_763, %add3A_762] : memref<4x1600000xf32, #tpu.memory_space<hbm>> -> memref<1x10000xf32, #tpu.memory_space<hbm>>
    %dma_start3A_767 = tpu.memref_squeeze %dma_start3A_766 : memref<1x10000xf32, #tpu.memory_space<hbm>> -> memref<10000xf32, #tpu.memory_space<hbm>>
    tpu.enqueue_dma source(%arg9 : memref<10000xf32, #tpu.memory_space<vmem>>) target(%dma_start3A_767 : memref<10000xf32, #tpu.memory_space<hbm>>) target_semaphore(%arg21 : memref<!tpu.dma_semaphore, #tpu.memory_space<semaphore_mem>>)
    %mul3A_768 = arith.constant 800000 : i32
    %mul3A_769 = arith.muli %arg0, %mul3A_768 : i32
    %mul3A_770 = arith.constant 50000 : i32
    %mul3A_771 = arith.muli %arg1, %mul3A_770 : i32
    %add3A_772 = arith.addi %mul3A_769, %mul3A_771 : i32
    %add3A_773 = arith.constant 0 : i32
    %add3A_774 = arith.addi %add3A_772, %add3A_773 : i32
    %dma_start3A_775 = arith.constant 2 : i32
    %dma_start3A_776 = tpu.memref_slice %arg5[%dma_start3A_775, %add3A_774] : memref<4x1600000xf32, #tpu.memory_space<hbm>> -> memref<1x10000xf32, #tpu.memory_space<hbm>>
    %dma_start3A_777 = tpu.memref_squeeze %dma_start3A_776 : memref<1x10000xf32, #tpu.memory_space<hbm>> -> memref<10000xf32, #tpu.memory_space<hbm>>
    %dma_start3A_778 = tpu.memref_slice %arg5[%dma_start3A_775, %add3A_774] : memref<4x1600000xf32, #tpu.memory_space<hbm>> -> memref<1x10000xf32, #tpu.memory_space<hbm>>
    %dma_start3A_779 = tpu.memref_squeeze %dma_start3A_778 : memref<1x10000xf32, #tpu.memory_space<hbm>> -> memref<10000xf32, #tpu.memory_space<hbm>>
    tpu.enqueue_dma source(%arg10 : memref<10000xf32, #tpu.memory_space<vmem>>) target(%dma_start3A_779 : memref<10000xf32, #tpu.memory_space<hbm>>) target_semaphore(%arg21 : memref<!tpu.dma_semaphore, #tpu.memory_space<semaphore_mem>>)
    %mul3A_780 = arith.constant 800000 : i32
    %mul3A_781 = arith.muli %arg0, %mul3A_780 : i32
    %mul3A_782 = arith.constant 50000 : i32
    %mul3A_783 = arith.muli %arg1, %mul3A_782 : i32
    %add3A_784 = arith.addi %mul3A_781, %mul3A_783 : i32
    %add3A_785 = arith.constant 0 : i32
    %add3A_786 = arith.addi %add3A_784, %add3A_785 : i32
    %dma_start3A_787 = arith.constant 3 : i32
    %dma_start3A_788 = tpu.memref_slice %arg5[%dma_start3A_787, %add3A_786] : memref<4x1600000xf32, #tpu.memory_space<hbm>> -> memref<1x10000xf32, #tpu.memory_space<hbm>>
    %dma_start3A_789 = tpu.memref_squeeze %dma_start3A_788 : memref<1x10000xf32, #tpu.memory_space<hbm>> -> memref<10000xf32, #tpu.memory_space<hbm>>
    %dma_start3A_790 = tpu.memref_slice %arg5[%dma_start3A_787, %add3A_786] : memref<4x1600000xf32, #tpu.memory_space<hbm>> -> memref<1x10000xf32, #tpu.memory_space<hbm>>
    %dma_start3A_791 = tpu.memref_squeeze %dma_start3A_790 : memref<1x10000xf32, #tpu.memory_space<hbm>> -> memref<10000xf32, #tpu.memory_space<hbm>>
    tpu.enqueue_dma source(%arg11 : memref<10000xf32, #tpu.memory_space<vmem>>) target(%dma_start3A_791 : memref<10000xf32, #tpu.memory_space<hbm>>) target_semaphore(%arg21 : memref<!tpu.dma_semaphore, #tpu.memory_space<semaphore_mem>>)
    %dma_wait3A_792 = arith.constant 0 : i32
    %dma_wait3A_793 = tpu.memref_slice %arg5[%dma_wait3A_792, %add3A_750] : memref<4x1600000xf32, #tpu.memory_space<hbm>> -> memref<1x10000xf32, #tpu.memory_space<hbm>>
    %dma_wait3A_794 = tpu.memref_squeeze %dma_wait3A_793 : memref<1x10000xf32, #tpu.memory_space<hbm>> -> memref<10000xf32, #tpu.memory_space<hbm>>
    %dma_wait3A_795 = tpu.memref_slice %arg5[%dma_wait3A_792, %add3A_750] : memref<4x1600000xf32, #tpu.memory_space<hbm>> -> memref<1x10000xf32, #tpu.memory_space<hbm>>
    %dma_wait3A_796 = tpu.memref_squeeze %dma_wait3A_795 : memref<1x10000xf32, #tpu.memory_space<hbm>> -> memref<10000xf32, #tpu.memory_space<hbm>>
    tpu.wait_dma2 semaphore(%arg21 : memref<!tpu.dma_semaphore, #tpu.memory_space<semaphore_mem>>) src(%arg8 : memref<10000xf32, #tpu.memory_space<vmem>>) dst(%dma_wait3A_796 : memref<10000xf32, #tpu.memory_space<hbm>>)
    %dma_wait3A_797 = arith.constant 1 : i32
    %dma_wait3A_798 = tpu.memref_slice %arg5[%dma_wait3A_797, %add3A_762] : memref<4x1600000xf32, #tpu.memory_space<hbm>> -> memref<1x10000xf32, #tpu.memory_space<hbm>>
    %dma_wait3A_799 = tpu.memref_squeeze %dma_wait3A_798 : memref<1x10000xf32, #tpu.memory_space<hbm>> -> memref<10000xf32, #tpu.memory_space<hbm>>
    %dma_wait3A_800 = tpu.memref_slice %arg5[%dma_wait3A_797, %add3A_762] : memref<4x1600000xf32, #tpu.memory_space<hbm>> -> memref<1x10000xf32, #tpu.memory_space<hbm>>
    %dma_wait3A_801 = tpu.memref_squeeze %dma_wait3A_800 : memref<1x10000xf32, #tpu.memory_space<hbm>> -> memref<10000xf32, #tpu.memory_space<hbm>>
    tpu.wait_dma2 semaphore(%arg21 : memref<!tpu.dma_semaphore, #tpu.memory_space<semaphore_mem>>) src(%arg9 : memref<10000xf32, #tpu.memory_space<vmem>>) dst(%dma_wait3A_801 : memref<10000xf32, #tpu.memory_space<hbm>>)
    %dma_wait3A_802 = arith.constant 2 : i32
    %dma_wait3A_803 = tpu.memref_slice %arg5[%dma_wait3A_802, %add3A_774] : memref<4x1600000xf32, #tpu.memory_space<hbm>> -> memref<1x10000xf32, #tpu.memory_space<hbm>>
    %dma_wait3A_804 = tpu.memref_squeeze %dma_wait3A_803 : memref<1x10000xf32, #tpu.memory_space<hbm>> -> memref<10000xf32, #tpu.memory_space<hbm>>
    %dma_wait3A_805 = tpu.memref_slice %arg5[%dma_wait3A_802, %add3A_774] : memref<4x1600000xf32, #tpu.memory_space<hbm>> -> memref<1x10000xf32, #tpu.memory_space<hbm>>
    %dma_wait3A_806 = tpu.memref_squeeze %dma_wait3A_805 : memref<1x10000xf32, #tpu.memory_space<hbm>> -> memref<10000xf32, #tpu.memory_space<hbm>>
    tpu.wait_dma2 semaphore(%arg21 : memref<!tpu.dma_semaphore, #tpu.memory_space<semaphore_mem>>) src(%arg10 : memref<10000xf32, #tpu.memory_space<vmem>>) dst(%dma_wait3A_806 : memref<10000xf32, #tpu.memory_space<hbm>>)
    %dma_wait3A_807 = arith.constant 3 : i32
    %dma_wait3A_808 = tpu.memref_slice %arg5[%dma_wait3A_807, %add3A_786] : memref<4x1600000xf32, #tpu.memory_space<hbm>> -> memref<1x10000xf32, #tpu.memory_space<hbm>>
    %dma_wait3A_809 = tpu.memref_squeeze %dma_wait3A_808 : memref<1x10000xf32, #tpu.memory_space<hbm>> -> memref<10000xf32, #tpu.memory_space<hbm>>
    %dma_wait3A_810 = tpu.memref_slice %arg5[%dma_wait3A_807, %add3A_786] : memref<4x1600000xf32, #tpu.memory_space<hbm>> -> memref<1x10000xf32, #tpu.memory_space<hbm>>
    %dma_wait3A_811 = tpu.memref_squeeze %dma_wait3A_810 : memref<1x10000xf32, #tpu.memory_space<hbm>> -> memref<10000xf32, #tpu.memory_space<hbm>>
    tpu.wait_dma2 semaphore(%arg21 : memref<!tpu.dma_semaphore, #tpu.memory_space<semaphore_mem>>) src(%arg11 : memref<10000xf32, #tpu.memory_space<vmem>>) dst(%dma_wait3A_811 : memref<10000xf32, #tpu.memory_space<hbm>>)
    %mul3A_812 = arith.constant 800000 : i32
    %mul3A_813 = arith.muli %arg0, %mul3A_812 : i32
    %mul3A_814 = arith.constant 50000 : i32
    %mul3A_815 = arith.muli %arg1, %mul3A_814 : i32
    %add3A_816 = arith.addi %mul3A_813, %mul3A_815 : i32
    %add3A_817 = arith.constant 20000 : i32
    %add3A_818 = arith.addi %add3A_816, %add3A_817 : i32
    %dma_start3A_819 = tpu.memref_slice %arg3[%add3A_818] : memref<1600000xi32, #tpu.memory_space<hbm>> -> memref<10000xi32, #tpu.memory_space<hbm>>
    %dma_start3A_820 = tpu.memref_slice %arg3[%add3A_818] : memref<1600000xi32, #tpu.memory_space<hbm>> -> memref<10000xi32, #tpu.memory_space<hbm>>
    tpu.enqueue_dma source(%dma_start3A_820 : memref<10000xi32, #tpu.memory_space<hbm>>) target(%arg7 : memref<10000xi32, #tpu.memory_space<vmem>>) target_semaphore(%arg21 : memref<!tpu.dma_semaphore, #tpu.memory_space<semaphore_mem>>)
    %dma_wait3A_821 = tpu.memref_slice %arg3[%add3A_723] : memref<1600000xi32, #tpu.memory_space<hbm>> -> memref<10000xi32, #tpu.memory_space<hbm>>
    %dma_wait3A_822 = tpu.memref_slice %arg3[%add3A_723] : memref<1600000xi32, #tpu.memory_space<hbm>> -> memref<10000xi32, #tpu.memory_space<hbm>>
    tpu.wait_dma2 semaphore(%arg23 : memref<!tpu.dma_semaphore, #tpu.memory_space<semaphore_mem>>) src(%dma_wait3A_822 : memref<10000xi32, #tpu.memory_space<hbm>>) dst(%arg12 : memref<10000xi32, #tpu.memory_space<vmem>>)
    %dma_start3A_823 = arith.constant 0 : i32
    %dma_start3A_824 = tpu.memref_slice %arg17[%dma_start3A_823] : memref<100096xf32, #tpu.memory_space<vmem_shared>> -> memref<100096xf32, #tpu.memory_space<vmem_shared>>
    tpu.enqueue_indirect_dma source(%dma_start3A_824 : memref<100096xf32, #tpu.memory_space<vmem_shared>>) target(%arg13 : memref<10000xf32, #tpu.memory_space<vmem>>) offsets(%arg12 : memref<10000xi32, #tpu.memory_space<vmem>>) semaphore(%arg24 : memref<!tpu.dma_semaphore, #tpu.memory_space<semaphore_mem>>)
    %dma_start3A_825 = arith.constant 0 : i32
    %dma_start3A_826 = tpu.memref_slice %arg18[%dma_start3A_825] : memref<100096xf32, #tpu.memory_space<vmem_shared>> -> memref<100096xf32, #tpu.memory_space<vmem_shared>>
    tpu.enqueue_indirect_dma source(%dma_start3A_826 : memref<100096xf32, #tpu.memory_space<vmem_shared>>) target(%arg14 : memref<10000xf32, #tpu.memory_space<vmem>>) offsets(%arg12 : memref<10000xi32, #tpu.memory_space<vmem>>) semaphore(%arg24 : memref<!tpu.dma_semaphore, #tpu.memory_space<semaphore_mem>>)
    %dma_start3A_827 = arith.constant 0 : i32
    %dma_start3A_828 = tpu.memref_slice %arg19[%dma_start3A_827] : memref<100096xf32, #tpu.memory_space<vmem_shared>> -> memref<100096xf32, #tpu.memory_space<vmem_shared>>
    tpu.enqueue_indirect_dma source(%dma_start3A_828 : memref<100096xf32, #tpu.memory_space<vmem_shared>>) target(%arg15 : memref<10000xf32, #tpu.memory_space<vmem>>) offsets(%arg12 : memref<10000xi32, #tpu.memory_space<vmem>>) semaphore(%arg24 : memref<!tpu.dma_semaphore, #tpu.memory_space<semaphore_mem>>)
    %dma_start3A_829 = arith.constant 0 : i32
    %dma_start3A_830 = tpu.memref_slice %arg20[%dma_start3A_829] : memref<100096xf32, #tpu.memory_space<vmem_shared>> -> memref<100096xf32, #tpu.memory_space<vmem_shared>>
    tpu.enqueue_indirect_dma source(%dma_start3A_830 : memref<100096xf32, #tpu.memory_space<vmem_shared>>) target(%arg16 : memref<10000xf32, #tpu.memory_space<vmem>>) offsets(%arg12 : memref<10000xi32, #tpu.memory_space<vmem>>) semaphore(%arg24 : memref<!tpu.dma_semaphore, #tpu.memory_space<semaphore_mem>>)
    %dma_wait3A_831 = arith.constant 0 : i32
    %dma_wait3A_832 = tpu.memref_slice %arg17[%dma_wait3A_831] : memref<100096xf32, #tpu.memory_space<vmem_shared>> -> memref<100096xf32, #tpu.memory_space<vmem_shared>>
    tpu.wait_indirect_dma semaphore(%arg24 : memref<!tpu.dma_semaphore, #tpu.memory_space<semaphore_mem>>) src(%dma_wait3A_832 : memref<100096xf32, #tpu.memory_space<vmem_shared>>) dst(%arg13 : memref<10000xf32, #tpu.memory_space<vmem>>)
    %dma_wait3A_833 = arith.constant 0 : i32
    %dma_wait3A_834 = tpu.memref_slice %arg18[%dma_wait3A_833] : memref<100096xf32, #tpu.memory_space<vmem_shared>> -> memref<100096xf32, #tpu.memory_space<vmem_shared>>
    tpu.wait_indirect_dma semaphore(%arg24 : memref<!tpu.dma_semaphore, #tpu.memory_space<semaphore_mem>>) src(%dma_wait3A_834 : memref<100096xf32, #tpu.memory_space<vmem_shared>>) dst(%arg14 : memref<10000xf32, #tpu.memory_space<vmem>>)
    %dma_wait3A_835 = arith.constant 0 : i32
    %dma_wait3A_836 = tpu.memref_slice %arg19[%dma_wait3A_835] : memref<100096xf32, #tpu.memory_space<vmem_shared>> -> memref<100096xf32, #tpu.memory_space<vmem_shared>>
    tpu.wait_indirect_dma semaphore(%arg24 : memref<!tpu.dma_semaphore, #tpu.memory_space<semaphore_mem>>) src(%dma_wait3A_836 : memref<100096xf32, #tpu.memory_space<vmem_shared>>) dst(%arg15 : memref<10000xf32, #tpu.memory_space<vmem>>)
    %dma_wait3A_837 = arith.constant 0 : i32
    %dma_wait3A_838 = tpu.memref_slice %arg20[%dma_wait3A_837] : memref<100096xf32, #tpu.memory_space<vmem_shared>> -> memref<100096xf32, #tpu.memory_space<vmem_shared>>
    tpu.wait_indirect_dma semaphore(%arg24 : memref<!tpu.dma_semaphore, #tpu.memory_space<semaphore_mem>>) src(%dma_wait3A_838 : memref<100096xf32, #tpu.memory_space<vmem_shared>>) dst(%arg16 : memref<10000xf32, #tpu.memory_space<vmem>>)
    %mul3A_839 = arith.constant 800000 : i32
    %mul3A_840 = arith.muli %arg0, %mul3A_839 : i32
    %mul3A_841 = arith.constant 50000 : i32
    %mul3A_842 = arith.muli %arg1, %mul3A_841 : i32
    %add3A_843 = arith.addi %mul3A_840, %mul3A_842 : i32
    %add3A_844 = arith.constant 10000 : i32
    %add3A_845 = arith.addi %add3A_843, %add3A_844 : i32
    %dma_start3A_846 = arith.constant 0 : i32
    %dma_start3A_847 = tpu.memref_slice %arg5[%dma_start3A_846, %add3A_845] : memref<4x1600000xf32, #tpu.memory_space<hbm>> -> memref<1x10000xf32, #tpu.memory_space<hbm>>
    %dma_start3A_848 = tpu.memref_squeeze %dma_start3A_847 : memref<1x10000xf32, #tpu.memory_space<hbm>> -> memref<10000xf32, #tpu.memory_space<hbm>>
    %dma_start3A_849 = tpu.memref_slice %arg5[%dma_start3A_846, %add3A_845] : memref<4x1600000xf32, #tpu.memory_space<hbm>> -> memref<1x10000xf32, #tpu.memory_space<hbm>>
    %dma_start3A_850 = tpu.memref_squeeze %dma_start3A_849 : memref<1x10000xf32, #tpu.memory_space<hbm>> -> memref<10000xf32, #tpu.memory_space<hbm>>
    tpu.enqueue_dma source(%arg13 : memref<10000xf32, #tpu.memory_space<vmem>>) target(%dma_start3A_850 : memref<10000xf32, #tpu.memory_space<hbm>>) target_semaphore(%arg23 : memref<!tpu.dma_semaphore, #tpu.memory_space<semaphore_mem>>)
    %mul3A_851 = arith.constant 800000 : i32
    %mul3A_852 = arith.muli %arg0, %mul3A_851 : i32
    %mul3A_853 = arith.constant 50000 : i32
    %mul3A_854 = arith.muli %arg1, %mul3A_853 : i32
    %add3A_855 = arith.addi %mul3A_852, %mul3A_854 : i32
    %add3A_856 = arith.constant 10000 : i32
    %add3A_857 = arith.addi %add3A_855, %add3A_856 : i32
    %dma_start3A_858 = arith.constant 1 : i32
    %dma_start3A_859 = tpu.memref_slice %arg5[%dma_start3A_858, %add3A_857] : memref<4x1600000xf32, #tpu.memory_space<hbm>> -> memref<1x10000xf32, #tpu.memory_space<hbm>>
    %dma_start3A_860 = tpu.memref_squeeze %dma_start3A_859 : memref<1x10000xf32, #tpu.memory_space<hbm>> -> memref<10000xf32, #tpu.memory_space<hbm>>
    %dma_start3A_861 = tpu.memref_slice %arg5[%dma_start3A_858, %add3A_857] : memref<4x1600000xf32, #tpu.memory_space<hbm>> -> memref<1x10000xf32, #tpu.memory_space<hbm>>
    %dma_start3A_862 = tpu.memref_squeeze %dma_start3A_861 : memref<1x10000xf32, #tpu.memory_space<hbm>> -> memref<10000xf32, #tpu.memory_space<hbm>>
    tpu.enqueue_dma source(%arg14 : memref<10000xf32, #tpu.memory_space<vmem>>) target(%dma_start3A_862 : memref<10000xf32, #tpu.memory_space<hbm>>) target_semaphore(%arg23 : memref<!tpu.dma_semaphore, #tpu.memory_space<semaphore_mem>>)
    %mul3A_863 = arith.constant 800000 : i32
    %mul3A_864 = arith.muli %arg0, %mul3A_863 : i32
    %mul3A_865 = arith.constant 50000 : i32
    %mul3A_866 = arith.muli %arg1, %mul3A_865 : i32
    %add3A_867 = arith.addi %mul3A_864, %mul3A_866 : i32
    %add3A_868 = arith.constant 10000 : i32
    %add3A_869 = arith.addi %add3A_867, %add3A_868 : i32
    %dma_start3A_870 = arith.constant 2 : i32
    %dma_start3A_871 = tpu.memref_slice %arg5[%dma_start3A_870, %add3A_869] : memref<4x1600000xf32, #tpu.memory_space<hbm>> -> memref<1x10000xf32, #tpu.memory_space<hbm>>
    %dma_start3A_872 = tpu.memref_squeeze %dma_start3A_871 : memref<1x10000xf32, #tpu.memory_space<hbm>> -> memref<10000xf32, #tpu.memory_space<hbm>>
    %dma_start3A_873 = tpu.memref_slice %arg5[%dma_start3A_870, %add3A_869] : memref<4x1600000xf32, #tpu.memory_space<hbm>> -> memref<1x10000xf32, #tpu.memory_space<hbm>>
    %dma_start3A_874 = tpu.memref_squeeze %dma_start3A_873 : memref<1x10000xf32, #tpu.memory_space<hbm>> -> memref<10000xf32, #tpu.memory_space<hbm>>
    tpu.enqueue_dma source(%arg15 : memref<10000xf32, #tpu.memory_space<vmem>>) target(%dma_start3A_874 : memref<10000xf32, #tpu.memory_space<hbm>>) target_semaphore(%arg23 : memref<!tpu.dma_semaphore, #tpu.memory_space<semaphore_mem>>)
    %mul3A_875 = arith.constant 800000 : i32
    %mul3A_876 = arith.muli %arg0, %mul3A_875 : i32
    %mul3A_877 = arith.constant 50000 : i32
    %mul3A_878 = arith.muli %arg1, %mul3A_877 : i32
    %add3A_879 = arith.addi %mul3A_876, %mul3A_878 : i32
    %add3A_880 = arith.constant 10000 : i32
    %add3A_881 = arith.addi %add3A_879, %add3A_880 : i32
    %dma_start3A_882 = arith.constant 3 : i32
    %dma_start3A_883 = tpu.memref_slice %arg5[%dma_start3A_882, %add3A_881] : memref<4x1600000xf32, #tpu.memory_space<hbm>> -> memref<1x10000xf32, #tpu.memory_space<hbm>>
    %dma_start3A_884 = tpu.memref_squeeze %dma_start3A_883 : memref<1x10000xf32, #tpu.memory_space<hbm>> -> memref<10000xf32, #tpu.memory_space<hbm>>
    %dma_start3A_885 = tpu.memref_slice %arg5[%dma_start3A_882, %add3A_881] : memref<4x1600000xf32, #tpu.memory_space<hbm>> -> memref<1x10000xf32, #tpu.memory_space<hbm>>
    %dma_start3A_886 = tpu.memref_squeeze %dma_start3A_885 : memref<1x10000xf32, #tpu.memory_space<hbm>> -> memref<10000xf32, #tpu.memory_space<hbm>>
    tpu.enqueue_dma source(%arg16 : memref<10000xf32, #tpu.memory_space<vmem>>) target(%dma_start3A_886 : memref<10000xf32, #tpu.memory_space<hbm>>) target_semaphore(%arg23 : memref<!tpu.dma_semaphore, #tpu.memory_space<semaphore_mem>>)
    %dma_wait3A_887 = arith.constant 0 : i32
    %dma_wait3A_888 = tpu.memref_slice %arg5[%dma_wait3A_887, %add3A_845] : memref<4x1600000xf32, #tpu.memory_space<hbm>> -> memref<1x10000xf32, #tpu.memory_space<hbm>>
    %dma_wait3A_889 = tpu.memref_squeeze %dma_wait3A_888 : memref<1x10000xf32, #tpu.memory_space<hbm>> -> memref<10000xf32, #tpu.memory_space<hbm>>
    %dma_wait3A_890 = tpu.memref_slice %arg5[%dma_wait3A_887, %add3A_845] : memref<4x1600000xf32, #tpu.memory_space<hbm>> -> memref<1x10000xf32, #tpu.memory_space<hbm>>
    %dma_wait3A_891 = tpu.memref_squeeze %dma_wait3A_890 : memref<1x10000xf32, #tpu.memory_space<hbm>> -> memref<10000xf32, #tpu.memory_space<hbm>>
    tpu.wait_dma2 semaphore(%arg23 : memref<!tpu.dma_semaphore, #tpu.memory_space<semaphore_mem>>) src(%arg13 : memref<10000xf32, #tpu.memory_space<vmem>>) dst(%dma_wait3A_891 : memref<10000xf32, #tpu.memory_space<hbm>>)
    %dma_wait3A_892 = arith.constant 1 : i32
    %dma_wait3A_893 = tpu.memref_slice %arg5[%dma_wait3A_892, %add3A_857] : memref<4x1600000xf32, #tpu.memory_space<hbm>> -> memref<1x10000xf32, #tpu.memory_space<hbm>>
    %dma_wait3A_894 = tpu.memref_squeeze %dma_wait3A_893 : memref<1x10000xf32, #tpu.memory_space<hbm>> -> memref<10000xf32, #tpu.memory_space<hbm>>
    %dma_wait3A_895 = tpu.memref_slice %arg5[%dma_wait3A_892, %add3A_857] : memref<4x1600000xf32, #tpu.memory_space<hbm>> -> memref<1x10000xf32, #tpu.memory_space<hbm>>
    %dma_wait3A_896 = tpu.memref_squeeze %dma_wait3A_895 : memref<1x10000xf32, #tpu.memory_space<hbm>> -> memref<10000xf32, #tpu.memory_space<hbm>>
    tpu.wait_dma2 semaphore(%arg23 : memref<!tpu.dma_semaphore, #tpu.memory_space<semaphore_mem>>) src(%arg14 : memref<10000xf32, #tpu.memory_space<vmem>>) dst(%dma_wait3A_896 : memref<10000xf32, #tpu.memory_space<hbm>>)
    %dma_wait3A_897 = arith.constant 2 : i32
    %dma_wait3A_898 = tpu.memref_slice %arg5[%dma_wait3A_897, %add3A_869] : memref<4x1600000xf32, #tpu.memory_space<hbm>> -> memref<1x10000xf32, #tpu.memory_space<hbm>>
    %dma_wait3A_899 = tpu.memref_squeeze %dma_wait3A_898 : memref<1x10000xf32, #tpu.memory_space<hbm>> -> memref<10000xf32, #tpu.memory_space<hbm>>
    %dma_wait3A_900 = tpu.memref_slice %arg5[%dma_wait3A_897, %add3A_869] : memref<4x1600000xf32, #tpu.memory_space<hbm>> -> memref<1x10000xf32, #tpu.memory_space<hbm>>
    %dma_wait3A_901 = tpu.memref_squeeze %dma_wait3A_900 : memref<1x10000xf32, #tpu.memory_space<hbm>> -> memref<10000xf32, #tpu.memory_space<hbm>>
    tpu.wait_dma2 semaphore(%arg23 : memref<!tpu.dma_semaphore, #tpu.memory_space<semaphore_mem>>) src(%arg15 : memref<10000xf32, #tpu.memory_space<vmem>>) dst(%dma_wait3A_901 : memref<10000xf32, #tpu.memory_space<hbm>>)
    %dma_wait3A_902 = arith.constant 3 : i32
    %dma_wait3A_903 = tpu.memref_slice %arg5[%dma_wait3A_902, %add3A_881] : memref<4x1600000xf32, #tpu.memory_space<hbm>> -> memref<1x10000xf32, #tpu.memory_space<hbm>>
    %dma_wait3A_904 = tpu.memref_squeeze %dma_wait3A_903 : memref<1x10000xf32, #tpu.memory_space<hbm>> -> memref<10000xf32, #tpu.memory_space<hbm>>
    %dma_wait3A_905 = tpu.memref_slice %arg5[%dma_wait3A_902, %add3A_881] : memref<4x1600000xf32, #tpu.memory_space<hbm>> -> memref<1x10000xf32, #tpu.memory_space<hbm>>
    %dma_wait3A_906 = tpu.memref_squeeze %dma_wait3A_905 : memref<1x10000xf32, #tpu.memory_space<hbm>> -> memref<10000xf32, #tpu.memory_space<hbm>>
    tpu.wait_dma2 semaphore(%arg23 : memref<!tpu.dma_semaphore, #tpu.memory_space<semaphore_mem>>) src(%arg16 : memref<10000xf32, #tpu.memory_space<vmem>>) dst(%dma_wait3A_906 : memref<10000xf32, #tpu.memory_space<hbm>>)
    %mul3A_907 = arith.constant 800000 : i32
    %mul3A_908 = arith.muli %arg0, %mul3A_907 : i32
    %mul3A_909 = arith.constant 50000 : i32
    %mul3A_910 = arith.muli %arg1, %mul3A_909 : i32
    %add3A_911 = arith.addi %mul3A_908, %mul3A_910 : i32
    %add3A_912 = arith.constant 30000 : i32
    %add3A_913 = arith.addi %add3A_911, %add3A_912 : i32
    %dma_start3A_914 = tpu.memref_slice %arg3[%add3A_913] : memref<1600000xi32, #tpu.memory_space<hbm>> -> memref<10000xi32, #tpu.memory_space<hbm>>
    %dma_start3A_915 = tpu.memref_slice %arg3[%add3A_913] : memref<1600000xi32, #tpu.memory_space<hbm>> -> memref<10000xi32, #tpu.memory_space<hbm>>
    tpu.enqueue_dma source(%dma_start3A_915 : memref<10000xi32, #tpu.memory_space<hbm>>) target(%arg12 : memref<10000xi32, #tpu.memory_space<vmem>>) target_semaphore(%arg23 : memref<!tpu.dma_semaphore, #tpu.memory_space<semaphore_mem>>)
    %dma_wait3A_916 = tpu.memref_slice %arg3[%add3A_818] : memref<1600000xi32, #tpu.memory_space<hbm>> -> memref<10000xi32, #tpu.memory_space<hbm>>
    %dma_wait3A_917 = tpu.memref_slice %arg3[%add3A_818] : memref<1600000xi32, #tpu.memory_space<hbm>> -> memref<10000xi32, #tpu.memory_space<hbm>>
    tpu.wait_dma2 semaphore(%arg21 : memref<!tpu.dma_semaphore, #tpu.memory_space<semaphore_mem>>) src(%dma_wait3A_917 : memref<10000xi32, #tpu.memory_space<hbm>>) dst(%arg7 : memref<10000xi32, #tpu.memory_space<vmem>>)
    %dma_start3A_918 = arith.constant 0 : i32
    %dma_start3A_919 = tpu.memref_slice %arg17[%dma_start3A_918] : memref<100096xf32, #tpu.memory_space<vmem_shared>> -> memref<100096xf32, #tpu.memory_space<vmem_shared>>
    tpu.enqueue_indirect_dma source(%dma_start3A_919 : memref<100096xf32, #tpu.memory_space<vmem_shared>>) target(%arg8 : memref<10000xf32, #tpu.memory_space<vmem>>) offsets(%arg7 : memref<10000xi32, #tpu.memory_space<vmem>>) semaphore(%arg22 : memref<!tpu.dma_semaphore, #tpu.memory_space<semaphore_mem>>)
    %dma_start3A_920 = arith.constant 0 : i32
    %dma_start3A_921 = tpu.memref_slice %arg18[%dma_start3A_920] : memref<100096xf32, #tpu.memory_space<vmem_shared>> -> memref<100096xf32, #tpu.memory_space<vmem_shared>>
    tpu.enqueue_indirect_dma source(%dma_start3A_921 : memref<100096xf32, #tpu.memory_space<vmem_shared>>) target(%arg9 : memref<10000xf32, #tpu.memory_space<vmem>>) offsets(%arg7 : memref<10000xi32, #tpu.memory_space<vmem>>) semaphore(%arg22 : memref<!tpu.dma_semaphore, #tpu.memory_space<semaphore_mem>>)
    %dma_start3A_922 = arith.constant 0 : i32
    %dma_start3A_923 = tpu.memref_slice %arg19[%dma_start3A_922] : memref<100096xf32, #tpu.memory_space<vmem_shared>> -> memref<100096xf32, #tpu.memory_space<vmem_shared>>
    tpu.enqueue_indirect_dma source(%dma_start3A_923 : memref<100096xf32, #tpu.memory_space<vmem_shared>>) target(%arg10 : memref<10000xf32, #tpu.memory_space<vmem>>) offsets(%arg7 : memref<10000xi32, #tpu.memory_space<vmem>>) semaphore(%arg22 : memref<!tpu.dma_semaphore, #tpu.memory_space<semaphore_mem>>)
    %dma_start3A_924 = arith.constant 0 : i32
    %dma_start3A_925 = tpu.memref_slice %arg20[%dma_start3A_924] : memref<100096xf32, #tpu.memory_space<vmem_shared>> -> memref<100096xf32, #tpu.memory_space<vmem_shared>>
    tpu.enqueue_indirect_dma source(%dma_start3A_925 : memref<100096xf32, #tpu.memory_space<vmem_shared>>) target(%arg11 : memref<10000xf32, #tpu.memory_space<vmem>>) offsets(%arg7 : memref<10000xi32, #tpu.memory_space<vmem>>) semaphore(%arg22 : memref<!tpu.dma_semaphore, #tpu.memory_space<semaphore_mem>>)
    %dma_wait3A_926 = arith.constant 0 : i32
    %dma_wait3A_927 = tpu.memref_slice %arg17[%dma_wait3A_926] : memref<100096xf32, #tpu.memory_space<vmem_shared>> -> memref<100096xf32, #tpu.memory_space<vmem_shared>>
    tpu.wait_indirect_dma semaphore(%arg22 : memref<!tpu.dma_semaphore, #tpu.memory_space<semaphore_mem>>) src(%dma_wait3A_927 : memref<100096xf32, #tpu.memory_space<vmem_shared>>) dst(%arg8 : memref<10000xf32, #tpu.memory_space<vmem>>)
    %dma_wait3A_928 = arith.constant 0 : i32
    %dma_wait3A_929 = tpu.memref_slice %arg18[%dma_wait3A_928] : memref<100096xf32, #tpu.memory_space<vmem_shared>> -> memref<100096xf32, #tpu.memory_space<vmem_shared>>
    tpu.wait_indirect_dma semaphore(%arg22 : memref<!tpu.dma_semaphore, #tpu.memory_space<semaphore_mem>>) src(%dma_wait3A_929 : memref<100096xf32, #tpu.memory_space<vmem_shared>>) dst(%arg9 : memref<10000xf32, #tpu.memory_space<vmem>>)
    %dma_wait3A_930 = arith.constant 0 : i32
    %dma_wait3A_931 = tpu.memref_slice %arg19[%dma_wait3A_930] : memref<100096xf32, #tpu.memory_space<vmem_shared>> -> memref<100096xf32, #tpu.memory_space<vmem_shared>>
    tpu.wait_indirect_dma semaphore(%arg22 : memref<!tpu.dma_semaphore, #tpu.memory_space<semaphore_mem>>) src(%dma_wait3A_931 : memref<100096xf32, #tpu.memory_space<vmem_shared>>) dst(%arg10 : memref<10000xf32, #tpu.memory_space<vmem>>)
    %dma_wait3A_932 = arith.constant 0 : i32
    %dma_wait3A_933 = tpu.memref_slice %arg20[%dma_wait3A_932] : memref<100096xf32, #tpu.memory_space<vmem_shared>> -> memref<100096xf32, #tpu.memory_space<vmem_shared>>
    tpu.wait_indirect_dma semaphore(%arg22 : memref<!tpu.dma_semaphore, #tpu.memory_space<semaphore_mem>>) src(%dma_wait3A_933 : memref<100096xf32, #tpu.memory_space<vmem_shared>>) dst(%arg11 : memref<10000xf32, #tpu.memory_space<vmem>>)
    %mul3A_934 = arith.constant 800000 : i32
    %mul3A_935 = arith.muli %arg0, %mul3A_934 : i32
    %mul3A_936 = arith.constant 50000 : i32
    %mul3A_937 = arith.muli %arg1, %mul3A_936 : i32
    %add3A_938 = arith.addi %mul3A_935, %mul3A_937 : i32
    %add3A_939 = arith.constant 20000 : i32
    %add3A_940 = arith.addi %add3A_938, %add3A_939 : i32
    %dma_start3A_941 = arith.constant 0 : i32
    %dma_start3A_942 = tpu.memref_slice %arg5[%dma_start3A_941, %add3A_940] : memref<4x1600000xf32, #tpu.memory_space<hbm>> -> memref<1x10000xf32, #tpu.memory_space<hbm>>
    %dma_start3A_943 = tpu.memref_squeeze %dma_start3A_942 : memref<1x10000xf32, #tpu.memory_space<hbm>> -> memref<10000xf32, #tpu.memory_space<hbm>>
    %dma_start3A_944 = tpu.memref_slice %arg5[%dma_start3A_941, %add3A_940] : memref<4x1600000xf32, #tpu.memory_space<hbm>> -> memref<1x10000xf32, #tpu.memory_space<hbm>>
    %dma_start3A_945 = tpu.memref_squeeze %dma_start3A_944 : memref<1x10000xf32, #tpu.memory_space<hbm>> -> memref<10000xf32, #tpu.memory_space<hbm>>
    tpu.enqueue_dma source(%arg8 : memref<10000xf32, #tpu.memory_space<vmem>>) target(%dma_start3A_945 : memref<10000xf32, #tpu.memory_space<hbm>>) target_semaphore(%arg21 : memref<!tpu.dma_semaphore, #tpu.memory_space<semaphore_mem>>)
    %mul3A_946 = arith.constant 800000 : i32
    %mul3A_947 = arith.muli %arg0, %mul3A_946 : i32
    %mul3A_948 = arith.constant 50000 : i32
    %mul3A_949 = arith.muli %arg1, %mul3A_948 : i32
    %add3A_950 = arith.addi %mul3A_947, %mul3A_949 : i32
    %add3A_951 = arith.constant 20000 : i32
    %add3A_952 = arith.addi %add3A_950, %add3A_951 : i32
    %dma_start3A_953 = arith.constant 1 : i32
    %dma_start3A_954 = tpu.memref_slice %arg5[%dma_start3A_953, %add3A_952] : memref<4x1600000xf32, #tpu.memory_space<hbm>> -> memref<1x10000xf32, #tpu.memory_space<hbm>>
    %dma_start3A_955 = tpu.memref_squeeze %dma_start3A_954 : memref<1x10000xf32, #tpu.memory_space<hbm>> -> memref<10000xf32, #tpu.memory_space<hbm>>
    %dma_start3A_956 = tpu.memref_slice %arg5[%dma_start3A_953, %add3A_952] : memref<4x1600000xf32, #tpu.memory_space<hbm>> -> memref<1x10000xf32, #tpu.memory_space<hbm>>
    %dma_start3A_957 = tpu.memref_squeeze %dma_start3A_956 : memref<1x10000xf32, #tpu.memory_space<hbm>> -> memref<10000xf32, #tpu.memory_space<hbm>>
    tpu.enqueue_dma source(%arg9 : memref<10000xf32, #tpu.memory_space<vmem>>) target(%dma_start3A_957 : memref<10000xf32, #tpu.memory_space<hbm>>) target_semaphore(%arg21 : memref<!tpu.dma_semaphore, #tpu.memory_space<semaphore_mem>>)
    %mul3A_958 = arith.constant 800000 : i32
    %mul3A_959 = arith.muli %arg0, %mul3A_958 : i32
    %mul3A_960 = arith.constant 50000 : i32
    %mul3A_961 = arith.muli %arg1, %mul3A_960 : i32
    %add3A_962 = arith.addi %mul3A_959, %mul3A_961 : i32
    %add3A_963 = arith.constant 20000 : i32
    %add3A_964 = arith.addi %add3A_962, %add3A_963 : i32
    %dma_start3A_965 = arith.constant 2 : i32
    %dma_start3A_966 = tpu.memref_slice %arg5[%dma_start3A_965, %add3A_964] : memref<4x1600000xf32, #tpu.memory_space<hbm>> -> memref<1x10000xf32, #tpu.memory_space<hbm>>
    %dma_start3A_967 = tpu.memref_squeeze %dma_start3A_966 : memref<1x10000xf32, #tpu.memory_space<hbm>> -> memref<10000xf32, #tpu.memory_space<hbm>>
    %dma_start3A_968 = tpu.memref_slice %arg5[%dma_start3A_965, %add3A_964] : memref<4x1600000xf32, #tpu.memory_space<hbm>> -> memref<1x10000xf32, #tpu.memory_space<hbm>>
    %dma_start3A_969 = tpu.memref_squeeze %dma_start3A_968 : memref<1x10000xf32, #tpu.memory_space<hbm>> -> memref<10000xf32, #tpu.memory_space<hbm>>
    tpu.enqueue_dma source(%arg10 : memref<10000xf32, #tpu.memory_space<vmem>>) target(%dma_start3A_969 : memref<10000xf32, #tpu.memory_space<hbm>>) target_semaphore(%arg21 : memref<!tpu.dma_semaphore, #tpu.memory_space<semaphore_mem>>)
    %mul3A_970 = arith.constant 800000 : i32
    %mul3A_971 = arith.muli %arg0, %mul3A_970 : i32
    %mul3A_972 = arith.constant 50000 : i32
    %mul3A_973 = arith.muli %arg1, %mul3A_972 : i32
    %add3A_974 = arith.addi %mul3A_971, %mul3A_973 : i32
    %add3A_975 = arith.constant 20000 : i32
    %add3A_976 = arith.addi %add3A_974, %add3A_975 : i32
    %dma_start3A_977 = arith.constant 3 : i32
    %dma_start3A_978 = tpu.memref_slice %arg5[%dma_start3A_977, %add3A_976] : memref<4x1600000xf32, #tpu.memory_space<hbm>> -> memref<1x10000xf32, #tpu.memory_space<hbm>>
    %dma_start3A_979 = tpu.memref_squeeze %dma_start3A_978 : memref<1x10000xf32, #tpu.memory_space<hbm>> -> memref<10000xf32, #tpu.memory_space<hbm>>
    %dma_start3A_980 = tpu.memref_slice %arg5[%dma_start3A_977, %add3A_976] : memref<4x1600000xf32, #tpu.memory_space<hbm>> -> memref<1x10000xf32, #tpu.memory_space<hbm>>
    %dma_start3A_981 = tpu.memref_squeeze %dma_start3A_980 : memref<1x10000xf32, #tpu.memory_space<hbm>> -> memref<10000xf32, #tpu.memory_space<hbm>>
    tpu.enqueue_dma source(%arg11 : memref<10000xf32, #tpu.memory_space<vmem>>) target(%dma_start3A_981 : memref<10000xf32, #tpu.memory_space<hbm>>) target_semaphore(%arg21 : memref<!tpu.dma_semaphore, #tpu.memory_space<semaphore_mem>>)
    %dma_wait3A_982 = arith.constant 0 : i32
    %dma_wait3A_983 = tpu.memref_slice %arg5[%dma_wait3A_982, %add3A_940] : memref<4x1600000xf32, #tpu.memory_space<hbm>> -> memref<1x10000xf32, #tpu.memory_space<hbm>>
    %dma_wait3A_984 = tpu.memref_squeeze %dma_wait3A_983 : memref<1x10000xf32, #tpu.memory_space<hbm>> -> memref<10000xf32, #tpu.memory_space<hbm>>
    %dma_wait3A_985 = tpu.memref_slice %arg5[%dma_wait3A_982, %add3A_940] : memref<4x1600000xf32, #tpu.memory_space<hbm>> -> memref<1x10000xf32, #tpu.memory_space<hbm>>
    %dma_wait3A_986 = tpu.memref_squeeze %dma_wait3A_985 : memref<1x10000xf32, #tpu.memory_space<hbm>> -> memref<10000xf32, #tpu.memory_space<hbm>>
    tpu.wait_dma2 semaphore(%arg21 : memref<!tpu.dma_semaphore, #tpu.memory_space<semaphore_mem>>) src(%arg8 : memref<10000xf32, #tpu.memory_space<vmem>>) dst(%dma_wait3A_986 : memref<10000xf32, #tpu.memory_space<hbm>>)
    %dma_wait3A_987 = arith.constant 1 : i32
    %dma_wait3A_988 = tpu.memref_slice %arg5[%dma_wait3A_987, %add3A_952] : memref<4x1600000xf32, #tpu.memory_space<hbm>> -> memref<1x10000xf32, #tpu.memory_space<hbm>>
    %dma_wait3A_989 = tpu.memref_squeeze %dma_wait3A_988 : memref<1x10000xf32, #tpu.memory_space<hbm>> -> memref<10000xf32, #tpu.memory_space<hbm>>
    %dma_wait3A_990 = tpu.memref_slice %arg5[%dma_wait3A_987, %add3A_952] : memref<4x1600000xf32, #tpu.memory_space<hbm>> -> memref<1x10000xf32, #tpu.memory_space<hbm>>
    %dma_wait3A_991 = tpu.memref_squeeze %dma_wait3A_990 : memref<1x10000xf32, #tpu.memory_space<hbm>> -> memref<10000xf32, #tpu.memory_space<hbm>>
    tpu.wait_dma2 semaphore(%arg21 : memref<!tpu.dma_semaphore, #tpu.memory_space<semaphore_mem>>) src(%arg9 : memref<10000xf32, #tpu.memory_space<vmem>>) dst(%dma_wait3A_991 : memref<10000xf32, #tpu.memory_space<hbm>>)
    %dma_wait3A_992 = arith.constant 2 : i32
    %dma_wait3A_993 = tpu.memref_slice %arg5[%dma_wait3A_992, %add3A_964] : memref<4x1600000xf32, #tpu.memory_space<hbm>> -> memref<1x10000xf32, #tpu.memory_space<hbm>>
    %dma_wait3A_994 = tpu.memref_squeeze %dma_wait3A_993 : memref<1x10000xf32, #tpu.memory_space<hbm>> -> memref<10000xf32, #tpu.memory_space<hbm>>
    %dma_wait3A_995 = tpu.memref_slice %arg5[%dma_wait3A_992, %add3A_964] : memref<4x1600000xf32, #tpu.memory_space<hbm>> -> memref<1x10000xf32, #tpu.memory_space<hbm>>
    %dma_wait3A_996 = tpu.memref_squeeze %dma_wait3A_995 : memref<1x10000xf32, #tpu.memory_space<hbm>> -> memref<10000xf32, #tpu.memory_space<hbm>>
    tpu.wait_dma2 semaphore(%arg21 : memref<!tpu.dma_semaphore, #tpu.memory_space<semaphore_mem>>) src(%arg10 : memref<10000xf32, #tpu.memory_space<vmem>>) dst(%dma_wait3A_996 : memref<10000xf32, #tpu.memory_space<hbm>>)
    %dma_wait3A_997 = arith.constant 3 : i32
    %dma_wait3A_998 = tpu.memref_slice %arg5[%dma_wait3A_997, %add3A_976] : memref<4x1600000xf32, #tpu.memory_space<hbm>> -> memref<1x10000xf32, #tpu.memory_space<hbm>>
    %dma_wait3A_999 = tpu.memref_squeeze %dma_wait3A_998 : memref<1x10000xf32, #tpu.memory_space<hbm>> -> memref<10000xf32, #tpu.memory_space<hbm>>
    %dma_wait3A_1000 = tpu.memref_slice %arg5[%dma_wait3A_997, %add3A_976] : memref<4x1600000xf32, #tpu.memory_space<hbm>> -> memref<1x10000xf32, #tpu.memory_space<hbm>>
    %dma_wait3A_1001 = tpu.memref_squeeze %dma_wait3A_1000 : memref<1x10000xf32, #tpu.memory_space<hbm>> -> memref<10000xf32, #tpu.memory_space<hbm>>
    tpu.wait_dma2 semaphore(%arg21 : memref<!tpu.dma_semaphore, #tpu.memory_space<semaphore_mem>>) src(%arg11 : memref<10000xf32, #tpu.memory_space<vmem>>) dst(%dma_wait3A_1001 : memref<10000xf32, #tpu.memory_space<hbm>>)
    %mul3A_1002 = arith.constant 800000 : i32
    %mul3A_1003 = arith.muli %arg0, %mul3A_1002 : i32
    %mul3A_1004 = arith.constant 50000 : i32
    %mul3A_1005 = arith.muli %arg1, %mul3A_1004 : i32
    %add3A_1006 = arith.addi %mul3A_1003, %mul3A_1005 : i32
    %add3A_1007 = arith.constant 40000 : i32
    %add3A_1008 = arith.addi %add3A_1006, %add3A_1007 : i32
    %dma_start3A_1009 = tpu.memref_slice %arg3[%add3A_1008] : memref<1600000xi32, #tpu.memory_space<hbm>> -> memref<10000xi32, #tpu.memory_space<hbm>>
    %dma_start3A_1010 = tpu.memref_slice %arg3[%add3A_1008] : memref<1600000xi32, #tpu.memory_space<hbm>> -> memref<10000xi32, #tpu.memory_space<hbm>>
    tpu.enqueue_dma source(%dma_start3A_1010 : memref<10000xi32, #tpu.memory_space<hbm>>) target(%arg7 : memref<10000xi32, #tpu.memory_space<vmem>>) target_semaphore(%arg21 : memref<!tpu.dma_semaphore, #tpu.memory_space<semaphore_mem>>)
    %dma_wait3A_1011 = tpu.memref_slice %arg3[%add3A_913] : memref<1600000xi32, #tpu.memory_space<hbm>> -> memref<10000xi32, #tpu.memory_space<hbm>>
    %dma_wait3A_1012 = tpu.memref_slice %arg3[%add3A_913] : memref<1600000xi32, #tpu.memory_space<hbm>> -> memref<10000xi32, #tpu.memory_space<hbm>>
    tpu.wait_dma2 semaphore(%arg23 : memref<!tpu.dma_semaphore, #tpu.memory_space<semaphore_mem>>) src(%dma_wait3A_1012 : memref<10000xi32, #tpu.memory_space<hbm>>) dst(%arg12 : memref<10000xi32, #tpu.memory_space<vmem>>)
    %dma_start3A_1013 = arith.constant 0 : i32
    %dma_start3A_1014 = tpu.memref_slice %arg17[%dma_start3A_1013] : memref<100096xf32, #tpu.memory_space<vmem_shared>> -> memref<100096xf32, #tpu.memory_space<vmem_shared>>
    tpu.enqueue_indirect_dma source(%dma_start3A_1014 : memref<100096xf32, #tpu.memory_space<vmem_shared>>) target(%arg13 : memref<10000xf32, #tpu.memory_space<vmem>>) offsets(%arg12 : memref<10000xi32, #tpu.memory_space<vmem>>) semaphore(%arg24 : memref<!tpu.dma_semaphore, #tpu.memory_space<semaphore_mem>>)
    %dma_start3A_1015 = arith.constant 0 : i32
    %dma_start3A_1016 = tpu.memref_slice %arg18[%dma_start3A_1015] : memref<100096xf32, #tpu.memory_space<vmem_shared>> -> memref<100096xf32, #tpu.memory_space<vmem_shared>>
    tpu.enqueue_indirect_dma source(%dma_start3A_1016 : memref<100096xf32, #tpu.memory_space<vmem_shared>>) target(%arg14 : memref<10000xf32, #tpu.memory_space<vmem>>) offsets(%arg12 : memref<10000xi32, #tpu.memory_space<vmem>>) semaphore(%arg24 : memref<!tpu.dma_semaphore, #tpu.memory_space<semaphore_mem>>)
    %dma_start3A_1017 = arith.constant 0 : i32
    %dma_start3A_1018 = tpu.memref_slice %arg19[%dma_start3A_1017] : memref<100096xf32, #tpu.memory_space<vmem_shared>> -> memref<100096xf32, #tpu.memory_space<vmem_shared>>
    tpu.enqueue_indirect_dma source(%dma_start3A_1018 : memref<100096xf32, #tpu.memory_space<vmem_shared>>) target(%arg15 : memref<10000xf32, #tpu.memory_space<vmem>>) offsets(%arg12 : memref<10000xi32, #tpu.memory_space<vmem>>) semaphore(%arg24 : memref<!tpu.dma_semaphore, #tpu.memory_space<semaphore_mem>>)
    %dma_start3A_1019 = arith.constant 0 : i32
    %dma_start3A_1020 = tpu.memref_slice %arg20[%dma_start3A_1019] : memref<100096xf32, #tpu.memory_space<vmem_shared>> -> memref<100096xf32, #tpu.memory_space<vmem_shared>>
    tpu.enqueue_indirect_dma source(%dma_start3A_1020 : memref<100096xf32, #tpu.memory_space<vmem_shared>>) target(%arg16 : memref<10000xf32, #tpu.memory_space<vmem>>) offsets(%arg12 : memref<10000xi32, #tpu.memory_space<vmem>>) semaphore(%arg24 : memref<!tpu.dma_semaphore, #tpu.memory_space<semaphore_mem>>)
    %dma_wait3A_1021 = arith.constant 0 : i32
    %dma_wait3A_1022 = tpu.memref_slice %arg17[%dma_wait3A_1021] : memref<100096xf32, #tpu.memory_space<vmem_shared>> -> memref<100096xf32, #tpu.memory_space<vmem_shared>>
    tpu.wait_indirect_dma semaphore(%arg24 : memref<!tpu.dma_semaphore, #tpu.memory_space<semaphore_mem>>) src(%dma_wait3A_1022 : memref<100096xf32, #tpu.memory_space<vmem_shared>>) dst(%arg13 : memref<10000xf32, #tpu.memory_space<vmem>>)
    %dma_wait3A_1023 = arith.constant 0 : i32
    %dma_wait3A_1024 = tpu.memref_slice %arg18[%dma_wait3A_1023] : memref<100096xf32, #tpu.memory_space<vmem_shared>> -> memref<100096xf32, #tpu.memory_space<vmem_shared>>
    tpu.wait_indirect_dma semaphore(%arg24 : memref<!tpu.dma_semaphore, #tpu.memory_space<semaphore_mem>>) src(%dma_wait3A_1024 : memref<100096xf32, #tpu.memory_space<vmem_shared>>) dst(%arg14 : memref<10000xf32, #tpu.memory_space<vmem>>)
    %dma_wait3A_1025 = arith.constant 0 : i32
    %dma_wait3A_1026 = tpu.memref_slice %arg19[%dma_wait3A_1025] : memref<100096xf32, #tpu.memory_space<vmem_shared>> -> memref<100096xf32, #tpu.memory_space<vmem_shared>>
    tpu.wait_indirect_dma semaphore(%arg24 : memref<!tpu.dma_semaphore, #tpu.memory_space<semaphore_mem>>) src(%dma_wait3A_1026 : memref<100096xf32, #tpu.memory_space<vmem_shared>>) dst(%arg15 : memref<10000xf32, #tpu.memory_space<vmem>>)
    %dma_wait3A_1027 = arith.constant 0 : i32
    %dma_wait3A_1028 = tpu.memref_slice %arg20[%dma_wait3A_1027] : memref<100096xf32, #tpu.memory_space<vmem_shared>> -> memref<100096xf32, #tpu.memory_space<vmem_shared>>
    tpu.wait_indirect_dma semaphore(%arg24 : memref<!tpu.dma_semaphore, #tpu.memory_space<semaphore_mem>>) src(%dma_wait3A_1028 : memref<100096xf32, #tpu.memory_space<vmem_shared>>) dst(%arg16 : memref<10000xf32, #tpu.memory_space<vmem>>)
    %mul3A_1029 = arith.constant 800000 : i32
    %mul3A_1030 = arith.muli %arg0, %mul3A_1029 : i32
    %mul3A_1031 = arith.constant 50000 : i32
    %mul3A_1032 = arith.muli %arg1, %mul3A_1031 : i32
    %add3A_1033 = arith.addi %mul3A_1030, %mul3A_1032 : i32
    %add3A_1034 = arith.constant 30000 : i32
    %add3A_1035 = arith.addi %add3A_1033, %add3A_1034 : i32
    %dma_start3A_1036 = arith.constant 0 : i32
    %dma_start3A_1037 = tpu.memref_slice %arg5[%dma_start3A_1036, %add3A_1035] : memref<4x1600000xf32, #tpu.memory_space<hbm>> -> memref<1x10000xf32, #tpu.memory_space<hbm>>
    %dma_start3A_1038 = tpu.memref_squeeze %dma_start3A_1037 : memref<1x10000xf32, #tpu.memory_space<hbm>> -> memref<10000xf32, #tpu.memory_space<hbm>>
    %dma_start3A_1039 = tpu.memref_slice %arg5[%dma_start3A_1036, %add3A_1035] : memref<4x1600000xf32, #tpu.memory_space<hbm>> -> memref<1x10000xf32, #tpu.memory_space<hbm>>
    %dma_start3A_1040 = tpu.memref_squeeze %dma_start3A_1039 : memref<1x10000xf32, #tpu.memory_space<hbm>> -> memref<10000xf32, #tpu.memory_space<hbm>>
    tpu.enqueue_dma source(%arg13 : memref<10000xf32, #tpu.memory_space<vmem>>) target(%dma_start3A_1040 : memref<10000xf32, #tpu.memory_space<hbm>>) target_semaphore(%arg23 : memref<!tpu.dma_semaphore, #tpu.memory_space<semaphore_mem>>)
    %mul3A_1041 = arith.constant 800000 : i32
    %mul3A_1042 = arith.muli %arg0, %mul3A_1041 : i32
    %mul3A_1043 = arith.constant 50000 : i32
    %mul3A_1044 = arith.muli %arg1, %mul3A_1043 : i32
    %add3A_1045 = arith.addi %mul3A_1042, %mul3A_1044 : i32
    %add3A_1046 = arith.constant 30000 : i32
    %add3A_1047 = arith.addi %add3A_1045, %add3A_1046 : i32
    %dma_start3A_1048 = arith.constant 1 : i32
    %dma_start3A_1049 = tpu.memref_slice %arg5[%dma_start3A_1048, %add3A_1047] : memref<4x1600000xf32, #tpu.memory_space<hbm>> -> memref<1x10000xf32, #tpu.memory_space<hbm>>
    %dma_start3A_1050 = tpu.memref_squeeze %dma_start3A_1049 : memref<1x10000xf32, #tpu.memory_space<hbm>> -> memref<10000xf32, #tpu.memory_space<hbm>>
    %dma_start3A_1051 = tpu.memref_slice %arg5[%dma_start3A_1048, %add3A_1047] : memref<4x1600000xf32, #tpu.memory_space<hbm>> -> memref<1x10000xf32, #tpu.memory_space<hbm>>
    %dma_start3A_1052 = tpu.memref_squeeze %dma_start3A_1051 : memref<1x10000xf32, #tpu.memory_space<hbm>> -> memref<10000xf32, #tpu.memory_space<hbm>>
    tpu.enqueue_dma source(%arg14 : memref<10000xf32, #tpu.memory_space<vmem>>) target(%dma_start3A_1052 : memref<10000xf32, #tpu.memory_space<hbm>>) target_semaphore(%arg23 : memref<!tpu.dma_semaphore, #tpu.memory_space<semaphore_mem>>)
    %mul3A_1053 = arith.constant 800000 : i32
    %mul3A_1054 = arith.muli %arg0, %mul3A_1053 : i32
    %mul3A_1055 = arith.constant 50000 : i32
    %mul3A_1056 = arith.muli %arg1, %mul3A_1055 : i32
    %add3A_1057 = arith.addi %mul3A_1054, %mul3A_1056 : i32
    %add3A_1058 = arith.constant 30000 : i32
    %add3A_1059 = arith.addi %add3A_1057, %add3A_1058 : i32
    %dma_start3A_1060 = arith.constant 2 : i32
    %dma_start3A_1061 = tpu.memref_slice %arg5[%dma_start3A_1060, %add3A_1059] : memref<4x1600000xf32, #tpu.memory_space<hbm>> -> memref<1x10000xf32, #tpu.memory_space<hbm>>
    %dma_start3A_1062 = tpu.memref_squeeze %dma_start3A_1061 : memref<1x10000xf32, #tpu.memory_space<hbm>> -> memref<10000xf32, #tpu.memory_space<hbm>>
    %dma_start3A_1063 = tpu.memref_slice %arg5[%dma_start3A_1060, %add3A_1059] : memref<4x1600000xf32, #tpu.memory_space<hbm>> -> memref<1x10000xf32, #tpu.memory_space<hbm>>
    %dma_start3A_1064 = tpu.memref_squeeze %dma_start3A_1063 : memref<1x10000xf32, #tpu.memory_space<hbm>> -> memref<10000xf32, #tpu.memory_space<hbm>>
    tpu.enqueue_dma source(%arg15 : memref<10000xf32, #tpu.memory_space<vmem>>) target(%dma_start3A_1064 : memref<10000xf32, #tpu.memory_space<hbm>>) target_semaphore(%arg23 : memref<!tpu.dma_semaphore, #tpu.memory_space<semaphore_mem>>)
    %mul3A_1065 = arith.constant 800000 : i32
    %mul3A_1066 = arith.muli %arg0, %mul3A_1065 : i32
    %mul3A_1067 = arith.constant 50000 : i32
    %mul3A_1068 = arith.muli %arg1, %mul3A_1067 : i32
    %add3A_1069 = arith.addi %mul3A_1066, %mul3A_1068 : i32
    %add3A_1070 = arith.constant 30000 : i32
    %add3A_1071 = arith.addi %add3A_1069, %add3A_1070 : i32
    %dma_start3A_1072 = arith.constant 3 : i32
    %dma_start3A_1073 = tpu.memref_slice %arg5[%dma_start3A_1072, %add3A_1071] : memref<4x1600000xf32, #tpu.memory_space<hbm>> -> memref<1x10000xf32, #tpu.memory_space<hbm>>
    %dma_start3A_1074 = tpu.memref_squeeze %dma_start3A_1073 : memref<1x10000xf32, #tpu.memory_space<hbm>> -> memref<10000xf32, #tpu.memory_space<hbm>>
    %dma_start3A_1075 = tpu.memref_slice %arg5[%dma_start3A_1072, %add3A_1071] : memref<4x1600000xf32, #tpu.memory_space<hbm>> -> memref<1x10000xf32, #tpu.memory_space<hbm>>
    %dma_start3A_1076 = tpu.memref_squeeze %dma_start3A_1075 : memref<1x10000xf32, #tpu.memory_space<hbm>> -> memref<10000xf32, #tpu.memory_space<hbm>>
    tpu.enqueue_dma source(%arg16 : memref<10000xf32, #tpu.memory_space<vmem>>) target(%dma_start3A_1076 : memref<10000xf32, #tpu.memory_space<hbm>>) target_semaphore(%arg23 : memref<!tpu.dma_semaphore, #tpu.memory_space<semaphore_mem>>)
    %dma_wait3A_1077 = arith.constant 0 : i32
    %dma_wait3A_1078 = tpu.memref_slice %arg5[%dma_wait3A_1077, %add3A_1035] : memref<4x1600000xf32, #tpu.memory_space<hbm>> -> memref<1x10000xf32, #tpu.memory_space<hbm>>
    %dma_wait3A_1079 = tpu.memref_squeeze %dma_wait3A_1078 : memref<1x10000xf32, #tpu.memory_space<hbm>> -> memref<10000xf32, #tpu.memory_space<hbm>>
    %dma_wait3A_1080 = tpu.memref_slice %arg5[%dma_wait3A_1077, %add3A_1035] : memref<4x1600000xf32, #tpu.memory_space<hbm>> -> memref<1x10000xf32, #tpu.memory_space<hbm>>
    %dma_wait3A_1081 = tpu.memref_squeeze %dma_wait3A_1080 : memref<1x10000xf32, #tpu.memory_space<hbm>> -> memref<10000xf32, #tpu.memory_space<hbm>>
    tpu.wait_dma2 semaphore(%arg23 : memref<!tpu.dma_semaphore, #tpu.memory_space<semaphore_mem>>) src(%arg13 : memref<10000xf32, #tpu.memory_space<vmem>>) dst(%dma_wait3A_1081 : memref<10000xf32, #tpu.memory_space<hbm>>)
    %dma_wait3A_1082 = arith.constant 1 : i32
    %dma_wait3A_1083 = tpu.memref_slice %arg5[%dma_wait3A_1082, %add3A_1047] : memref<4x1600000xf32, #tpu.memory_space<hbm>> -> memref<1x10000xf32, #tpu.memory_space<hbm>>
    %dma_wait3A_1084 = tpu.memref_squeeze %dma_wait3A_1083 : memref<1x10000xf32, #tpu.memory_space<hbm>> -> memref<10000xf32, #tpu.memory_space<hbm>>
    %dma_wait3A_1085 = tpu.memref_slice %arg5[%dma_wait3A_1082, %add3A_1047] : memref<4x1600000xf32, #tpu.memory_space<hbm>> -> memref<1x10000xf32, #tpu.memory_space<hbm>>
    %dma_wait3A_1086 = tpu.memref_squeeze %dma_wait3A_1085 : memref<1x10000xf32, #tpu.memory_space<hbm>> -> memref<10000xf32, #tpu.memory_space<hbm>>
    tpu.wait_dma2 semaphore(%arg23 : memref<!tpu.dma_semaphore, #tpu.memory_space<semaphore_mem>>) src(%arg14 : memref<10000xf32, #tpu.memory_space<vmem>>) dst(%dma_wait3A_1086 : memref<10000xf32, #tpu.memory_space<hbm>>)
    %dma_wait3A_1087 = arith.constant 2 : i32
    %dma_wait3A_1088 = tpu.memref_slice %arg5[%dma_wait3A_1087, %add3A_1059] : memref<4x1600000xf32, #tpu.memory_space<hbm>> -> memref<1x10000xf32, #tpu.memory_space<hbm>>
    %dma_wait3A_1089 = tpu.memref_squeeze %dma_wait3A_1088 : memref<1x10000xf32, #tpu.memory_space<hbm>> -> memref<10000xf32, #tpu.memory_space<hbm>>
    %dma_wait3A_1090 = tpu.memref_slice %arg5[%dma_wait3A_1087, %add3A_1059] : memref<4x1600000xf32, #tpu.memory_space<hbm>> -> memref<1x10000xf32, #tpu.memory_space<hbm>>
    %dma_wait3A_1091 = tpu.memref_squeeze %dma_wait3A_1090 : memref<1x10000xf32, #tpu.memory_space<hbm>> -> memref<10000xf32, #tpu.memory_space<hbm>>
    tpu.wait_dma2 semaphore(%arg23 : memref<!tpu.dma_semaphore, #tpu.memory_space<semaphore_mem>>) src(%arg15 : memref<10000xf32, #tpu.memory_space<vmem>>) dst(%dma_wait3A_1091 : memref<10000xf32, #tpu.memory_space<hbm>>)
    %dma_wait3A_1092 = arith.constant 3 : i32
    %dma_wait3A_1093 = tpu.memref_slice %arg5[%dma_wait3A_1092, %add3A_1071] : memref<4x1600000xf32, #tpu.memory_space<hbm>> -> memref<1x10000xf32, #tpu.memory_space<hbm>>
    %dma_wait3A_1094 = tpu.memref_squeeze %dma_wait3A_1093 : memref<1x10000xf32, #tpu.memory_space<hbm>> -> memref<10000xf32, #tpu.memory_space<hbm>>
    %dma_wait3A_1095 = tpu.memref_slice %arg5[%dma_wait3A_1092, %add3A_1071] : memref<4x1600000xf32, #tpu.memory_space<hbm>> -> memref<1x10000xf32, #tpu.memory_space<hbm>>
    %dma_wait3A_1096 = tpu.memref_squeeze %dma_wait3A_1095 : memref<1x10000xf32, #tpu.memory_space<hbm>> -> memref<10000xf32, #tpu.memory_space<hbm>>
    tpu.wait_dma2 semaphore(%arg23 : memref<!tpu.dma_semaphore, #tpu.memory_space<semaphore_mem>>) src(%arg16 : memref<10000xf32, #tpu.memory_space<vmem>>) dst(%dma_wait3A_1096 : memref<10000xf32, #tpu.memory_space<hbm>>)
    %dma_wait3A_1097 = tpu.memref_slice %arg3[%add3A_1008] : memref<1600000xi32, #tpu.memory_space<hbm>> -> memref<10000xi32, #tpu.memory_space<hbm>>
    %dma_wait3A_1098 = tpu.memref_slice %arg3[%add3A_1008] : memref<1600000xi32, #tpu.memory_space<hbm>> -> memref<10000xi32, #tpu.memory_space<hbm>>
    tpu.wait_dma2 semaphore(%arg21 : memref<!tpu.dma_semaphore, #tpu.memory_space<semaphore_mem>>) src(%dma_wait3A_1098 : memref<10000xi32, #tpu.memory_space<hbm>>) dst(%arg7 : memref<10000xi32, #tpu.memory_space<vmem>>)
    %dma_start3A_1099 = arith.constant 0 : i32
    %dma_start3A_1100 = tpu.memref_slice %arg17[%dma_start3A_1099] : memref<100096xf32, #tpu.memory_space<vmem_shared>> -> memref<100096xf32, #tpu.memory_space<vmem_shared>>
    tpu.enqueue_indirect_dma source(%dma_start3A_1100 : memref<100096xf32, #tpu.memory_space<vmem_shared>>) target(%arg8 : memref<10000xf32, #tpu.memory_space<vmem>>) offsets(%arg7 : memref<10000xi32, #tpu.memory_space<vmem>>) semaphore(%arg22 : memref<!tpu.dma_semaphore, #tpu.memory_space<semaphore_mem>>)
    %dma_start3A_1101 = arith.constant 0 : i32
    %dma_start3A_1102 = tpu.memref_slice %arg18[%dma_start3A_1101] : memref<100096xf32, #tpu.memory_space<vmem_shared>> -> memref<100096xf32, #tpu.memory_space<vmem_shared>>
    tpu.enqueue_indirect_dma source(%dma_start3A_1102 : memref<100096xf32, #tpu.memory_space<vmem_shared>>) target(%arg9 : memref<10000xf32, #tpu.memory_space<vmem>>) offsets(%arg7 : memref<10000xi32, #tpu.memory_space<vmem>>) semaphore(%arg22 : memref<!tpu.dma_semaphore, #tpu.memory_space<semaphore_mem>>)
    %dma_start3A_1103 = arith.constant 0 : i32
    %dma_start3A_1104 = tpu.memref_slice %arg19[%dma_start3A_1103] : memref<100096xf32, #tpu.memory_space<vmem_shared>> -> memref<100096xf32, #tpu.memory_space<vmem_shared>>
    tpu.enqueue_indirect_dma source(%dma_start3A_1104 : memref<100096xf32, #tpu.memory_space<vmem_shared>>) target(%arg10 : memref<10000xf32, #tpu.memory_space<vmem>>) offsets(%arg7 : memref<10000xi32, #tpu.memory_space<vmem>>) semaphore(%arg22 : memref<!tpu.dma_semaphore, #tpu.memory_space<semaphore_mem>>)
    %dma_start3A_1105 = arith.constant 0 : i32
    %dma_start3A_1106 = tpu.memref_slice %arg20[%dma_start3A_1105] : memref<100096xf32, #tpu.memory_space<vmem_shared>> -> memref<100096xf32, #tpu.memory_space<vmem_shared>>
    tpu.enqueue_indirect_dma source(%dma_start3A_1106 : memref<100096xf32, #tpu.memory_space<vmem_shared>>) target(%arg11 : memref<10000xf32, #tpu.memory_space<vmem>>) offsets(%arg7 : memref<10000xi32, #tpu.memory_space<vmem>>) semaphore(%arg22 : memref<!tpu.dma_semaphore, #tpu.memory_space<semaphore_mem>>)
    %dma_wait3A_1107 = arith.constant 0 : i32
    %dma_wait3A_1108 = tpu.memref_slice %arg17[%dma_wait3A_1107] : memref<100096xf32, #tpu.memory_space<vmem_shared>> -> memref<100096xf32, #tpu.memory_space<vmem_shared>>
    tpu.wait_indirect_dma semaphore(%arg22 : memref<!tpu.dma_semaphore, #tpu.memory_space<semaphore_mem>>) src(%dma_wait3A_1108 : memref<100096xf32, #tpu.memory_space<vmem_shared>>) dst(%arg8 : memref<10000xf32, #tpu.memory_space<vmem>>)
    %dma_wait3A_1109 = arith.constant 0 : i32
    %dma_wait3A_1110 = tpu.memref_slice %arg18[%dma_wait3A_1109] : memref<100096xf32, #tpu.memory_space<vmem_shared>> -> memref<100096xf32, #tpu.memory_space<vmem_shared>>
    tpu.wait_indirect_dma semaphore(%arg22 : memref<!tpu.dma_semaphore, #tpu.memory_space<semaphore_mem>>) src(%dma_wait3A_1110 : memref<100096xf32, #tpu.memory_space<vmem_shared>>) dst(%arg9 : memref<10000xf32, #tpu.memory_space<vmem>>)
    %dma_wait3A_1111 = arith.constant 0 : i32
    %dma_wait3A_1112 = tpu.memref_slice %arg19[%dma_wait3A_1111] : memref<100096xf32, #tpu.memory_space<vmem_shared>> -> memref<100096xf32, #tpu.memory_space<vmem_shared>>
    tpu.wait_indirect_dma semaphore(%arg22 : memref<!tpu.dma_semaphore, #tpu.memory_space<semaphore_mem>>) src(%dma_wait3A_1112 : memref<100096xf32, #tpu.memory_space<vmem_shared>>) dst(%arg10 : memref<10000xf32, #tpu.memory_space<vmem>>)
    %dma_wait3A_1113 = arith.constant 0 : i32
    %dma_wait3A_1114 = tpu.memref_slice %arg20[%dma_wait3A_1113] : memref<100096xf32, #tpu.memory_space<vmem_shared>> -> memref<100096xf32, #tpu.memory_space<vmem_shared>>
    tpu.wait_indirect_dma semaphore(%arg22 : memref<!tpu.dma_semaphore, #tpu.memory_space<semaphore_mem>>) src(%dma_wait3A_1114 : memref<100096xf32, #tpu.memory_space<vmem_shared>>) dst(%arg11 : memref<10000xf32, #tpu.memory_space<vmem>>)
    %mul3A_1115 = arith.constant 800000 : i32
    %mul3A_1116 = arith.muli %arg0, %mul3A_1115 : i32
    %mul3A_1117 = arith.constant 50000 : i32
    %mul3A_1118 = arith.muli %arg1, %mul3A_1117 : i32
    %add3A_1119 = arith.addi %mul3A_1116, %mul3A_1118 : i32
    %add3A_1120 = arith.constant 40000 : i32
    %add3A_1121 = arith.addi %add3A_1119, %add3A_1120 : i32
    %dma_start3A_1122 = arith.constant 0 : i32
    %dma_start3A_1123 = tpu.memref_slice %arg5[%dma_start3A_1122, %add3A_1121] : memref<4x1600000xf32, #tpu.memory_space<hbm>> -> memref<1x10000xf32, #tpu.memory_space<hbm>>
    %dma_start3A_1124 = tpu.memref_squeeze %dma_start3A_1123 : memref<1x10000xf32, #tpu.memory_space<hbm>> -> memref<10000xf32, #tpu.memory_space<hbm>>
    %dma_start3A_1125 = tpu.memref_slice %arg5[%dma_start3A_1122, %add3A_1121] : memref<4x1600000xf32, #tpu.memory_space<hbm>> -> memref<1x10000xf32, #tpu.memory_space<hbm>>
    %dma_start3A_1126 = tpu.memref_squeeze %dma_start3A_1125 : memref<1x10000xf32, #tpu.memory_space<hbm>> -> memref<10000xf32, #tpu.memory_space<hbm>>
    tpu.enqueue_dma source(%arg8 : memref<10000xf32, #tpu.memory_space<vmem>>) target(%dma_start3A_1126 : memref<10000xf32, #tpu.memory_space<hbm>>) target_semaphore(%arg21 : memref<!tpu.dma_semaphore, #tpu.memory_space<semaphore_mem>>)
    %mul3A_1127 = arith.constant 800000 : i32
    %mul3A_1128 = arith.muli %arg0, %mul3A_1127 : i32
    %mul3A_1129 = arith.constant 50000 : i32
    %mul3A_1130 = arith.muli %arg1, %mul3A_1129 : i32
    %add3A_1131 = arith.addi %mul3A_1128, %mul3A_1130 : i32
    %add3A_1132 = arith.constant 40000 : i32
    %add3A_1133 = arith.addi %add3A_1131, %add3A_1132 : i32
    %dma_start3A_1134 = arith.constant 1 : i32
    %dma_start3A_1135 = tpu.memref_slice %arg5[%dma_start3A_1134, %add3A_1133] : memref<4x1600000xf32, #tpu.memory_space<hbm>> -> memref<1x10000xf32, #tpu.memory_space<hbm>>
    %dma_start3A_1136 = tpu.memref_squeeze %dma_start3A_1135 : memref<1x10000xf32, #tpu.memory_space<hbm>> -> memref<10000xf32, #tpu.memory_space<hbm>>
    %dma_start3A_1137 = tpu.memref_slice %arg5[%dma_start3A_1134, %add3A_1133] : memref<4x1600000xf32, #tpu.memory_space<hbm>> -> memref<1x10000xf32, #tpu.memory_space<hbm>>
    %dma_start3A_1138 = tpu.memref_squeeze %dma_start3A_1137 : memref<1x10000xf32, #tpu.memory_space<hbm>> -> memref<10000xf32, #tpu.memory_space<hbm>>
    tpu.enqueue_dma source(%arg9 : memref<10000xf32, #tpu.memory_space<vmem>>) target(%dma_start3A_1138 : memref<10000xf32, #tpu.memory_space<hbm>>) target_semaphore(%arg21 : memref<!tpu.dma_semaphore, #tpu.memory_space<semaphore_mem>>)
    %mul3A_1139 = arith.constant 800000 : i32
    %mul3A_1140 = arith.muli %arg0, %mul3A_1139 : i32
    %mul3A_1141 = arith.constant 50000 : i32
    %mul3A_1142 = arith.muli %arg1, %mul3A_1141 : i32
    %add3A_1143 = arith.addi %mul3A_1140, %mul3A_1142 : i32
    %add3A_1144 = arith.constant 40000 : i32
    %add3A_1145 = arith.addi %add3A_1143, %add3A_1144 : i32
    %dma_start3A_1146 = arith.constant 2 : i32
    %dma_start3A_1147 = tpu.memref_slice %arg5[%dma_start3A_1146, %add3A_1145] : memref<4x1600000xf32, #tpu.memory_space<hbm>> -> memref<1x10000xf32, #tpu.memory_space<hbm>>
    %dma_start3A_1148 = tpu.memref_squeeze %dma_start3A_1147 : memref<1x10000xf32, #tpu.memory_space<hbm>> -> memref<10000xf32, #tpu.memory_space<hbm>>
    %dma_start3A_1149 = tpu.memref_slice %arg5[%dma_start3A_1146, %add3A_1145] : memref<4x1600000xf32, #tpu.memory_space<hbm>> -> memref<1x10000xf32, #tpu.memory_space<hbm>>
    %dma_start3A_1150 = tpu.memref_squeeze %dma_start3A_1149 : memref<1x10000xf32, #tpu.memory_space<hbm>> -> memref<10000xf32, #tpu.memory_space<hbm>>
    tpu.enqueue_dma source(%arg10 : memref<10000xf32, #tpu.memory_space<vmem>>) target(%dma_start3A_1150 : memref<10000xf32, #tpu.memory_space<hbm>>) target_semaphore(%arg21 : memref<!tpu.dma_semaphore, #tpu.memory_space<semaphore_mem>>)
    %mul3A_1151 = arith.constant 800000 : i32
    %mul3A_1152 = arith.muli %arg0, %mul3A_1151 : i32
    %mul3A_1153 = arith.constant 50000 : i32
    %mul3A_1154 = arith.muli %arg1, %mul3A_1153 : i32
    %add3A_1155 = arith.addi %mul3A_1152, %mul3A_1154 : i32
    %add3A_1156 = arith.constant 40000 : i32
    %add3A_1157 = arith.addi %add3A_1155, %add3A_1156 : i32
    %dma_start3A_1158 = arith.constant 3 : i32
    %dma_start3A_1159 = tpu.memref_slice %arg5[%dma_start3A_1158, %add3A_1157] : memref<4x1600000xf32, #tpu.memory_space<hbm>> -> memref<1x10000xf32, #tpu.memory_space<hbm>>
    %dma_start3A_1160 = tpu.memref_squeeze %dma_start3A_1159 : memref<1x10000xf32, #tpu.memory_space<hbm>> -> memref<10000xf32, #tpu.memory_space<hbm>>
    %dma_start3A_1161 = tpu.memref_slice %arg5[%dma_start3A_1158, %add3A_1157] : memref<4x1600000xf32, #tpu.memory_space<hbm>> -> memref<1x10000xf32, #tpu.memory_space<hbm>>
    %dma_start3A_1162 = tpu.memref_squeeze %dma_start3A_1161 : memref<1x10000xf32, #tpu.memory_space<hbm>> -> memref<10000xf32, #tpu.memory_space<hbm>>
    tpu.enqueue_dma source(%arg11 : memref<10000xf32, #tpu.memory_space<vmem>>) target(%dma_start3A_1162 : memref<10000xf32, #tpu.memory_space<hbm>>) target_semaphore(%arg21 : memref<!tpu.dma_semaphore, #tpu.memory_space<semaphore_mem>>)
    %dma_wait3A_1163 = arith.constant 0 : i32
    %dma_wait3A_1164 = tpu.memref_slice %arg5[%dma_wait3A_1163, %add3A_1121] : memref<4x1600000xf32, #tpu.memory_space<hbm>> -> memref<1x10000xf32, #tpu.memory_space<hbm>>
    %dma_wait3A_1165 = tpu.memref_squeeze %dma_wait3A_1164 : memref<1x10000xf32, #tpu.memory_space<hbm>> -> memref<10000xf32, #tpu.memory_space<hbm>>
    %dma_wait3A_1166 = tpu.memref_slice %arg5[%dma_wait3A_1163, %add3A_1121] : memref<4x1600000xf32, #tpu.memory_space<hbm>> -> memref<1x10000xf32, #tpu.memory_space<hbm>>
    %dma_wait3A_1167 = tpu.memref_squeeze %dma_wait3A_1166 : memref<1x10000xf32, #tpu.memory_space<hbm>> -> memref<10000xf32, #tpu.memory_space<hbm>>
    tpu.wait_dma2 semaphore(%arg21 : memref<!tpu.dma_semaphore, #tpu.memory_space<semaphore_mem>>) src(%arg8 : memref<10000xf32, #tpu.memory_space<vmem>>) dst(%dma_wait3A_1167 : memref<10000xf32, #tpu.memory_space<hbm>>)
    %dma_wait3A_1168 = arith.constant 1 : i32
    %dma_wait3A_1169 = tpu.memref_slice %arg5[%dma_wait3A_1168, %add3A_1133] : memref<4x1600000xf32, #tpu.memory_space<hbm>> -> memref<1x10000xf32, #tpu.memory_space<hbm>>
    %dma_wait3A_1170 = tpu.memref_squeeze %dma_wait3A_1169 : memref<1x10000xf32, #tpu.memory_space<hbm>> -> memref<10000xf32, #tpu.memory_space<hbm>>
    %dma_wait3A_1171 = tpu.memref_slice %arg5[%dma_wait3A_1168, %add3A_1133] : memref<4x1600000xf32, #tpu.memory_space<hbm>> -> memref<1x10000xf32, #tpu.memory_space<hbm>>
    %dma_wait3A_1172 = tpu.memref_squeeze %dma_wait3A_1171 : memref<1x10000xf32, #tpu.memory_space<hbm>> -> memref<10000xf32, #tpu.memory_space<hbm>>
    tpu.wait_dma2 semaphore(%arg21 : memref<!tpu.dma_semaphore, #tpu.memory_space<semaphore_mem>>) src(%arg9 : memref<10000xf32, #tpu.memory_space<vmem>>) dst(%dma_wait3A_1172 : memref<10000xf32, #tpu.memory_space<hbm>>)
    %dma_wait3A_1173 = arith.constant 2 : i32
    %dma_wait3A_1174 = tpu.memref_slice %arg5[%dma_wait3A_1173, %add3A_1145] : memref<4x1600000xf32, #tpu.memory_space<hbm>> -> memref<1x10000xf32, #tpu.memory_space<hbm>>
    %dma_wait3A_1175 = tpu.memref_squeeze %dma_wait3A_1174 : memref<1x10000xf32, #tpu.memory_space<hbm>> -> memref<10000xf32, #tpu.memory_space<hbm>>
    %dma_wait3A_1176 = tpu.memref_slice %arg5[%dma_wait3A_1173, %add3A_1145] : memref<4x1600000xf32, #tpu.memory_space<hbm>> -> memref<1x10000xf32, #tpu.memory_space<hbm>>
    %dma_wait3A_1177 = tpu.memref_squeeze %dma_wait3A_1176 : memref<1x10000xf32, #tpu.memory_space<hbm>> -> memref<10000xf32, #tpu.memory_space<hbm>>
    tpu.wait_dma2 semaphore(%arg21 : memref<!tpu.dma_semaphore, #tpu.memory_space<semaphore_mem>>) src(%arg10 : memref<10000xf32, #tpu.memory_space<vmem>>) dst(%dma_wait3A_1177 : memref<10000xf32, #tpu.memory_space<hbm>>)
    %dma_wait3A_1178 = arith.constant 3 : i32
    %dma_wait3A_1179 = tpu.memref_slice %arg5[%dma_wait3A_1178, %add3A_1157] : memref<4x1600000xf32, #tpu.memory_space<hbm>> -> memref<1x10000xf32, #tpu.memory_space<hbm>>
    %dma_wait3A_1180 = tpu.memref_squeeze %dma_wait3A_1179 : memref<1x10000xf32, #tpu.memory_space<hbm>> -> memref<10000xf32, #tpu.memory_space<hbm>>
    %dma_wait3A_1181 = tpu.memref_slice %arg5[%dma_wait3A_1178, %add3A_1157] : memref<4x1600000xf32, #tpu.memory_space<hbm>> -> memref<1x10000xf32, #tpu.memory_space<hbm>>
    %dma_wait3A_1182 = tpu.memref_squeeze %dma_wait3A_1181 : memref<1x10000xf32, #tpu.memory_space<hbm>> -> memref<10000xf32, #tpu.memory_space<hbm>>
    tpu.wait_dma2 semaphore(%arg21 : memref<!tpu.dma_semaphore, #tpu.memory_space<semaphore_mem>>) src(%arg11 : memref<10000xf32, #tpu.memory_space<vmem>>) dst(%dma_wait3A_1182 : memref<10000xf32, #tpu.memory_space<hbm>>)
    return
  }
}

</mosaic_0001>

<sc_bundles>
// kernel: _sc_step.3.cloned.1.call-start
scs
__scs_entry_jumppad:
0x0: {  	(pc) =	sbr.rel $0x88, $3  }
0x1: {  	(tag) =	ssettag $0x0;
	lr =	simm.s32 $0x1  }
0x2: {  	[smem:$0x3F9E] =	sst lr;
	_ =	strace $0xD0000000  }
0x3: {  	_ = 	snop  }
0x4: {  	_ = 	snop  }
0x5: {  	_ = 	snop  }
0x6: {  	_ = 	snop  }
0x7: {  	_ = 	snop  }
__scs_overlays_trampoline_lowered:
0x8: {  	[smem:$0x3FAD] =	sst s0  }
0x9: {  	[smem:$0x3FAE] =	sst s1  }
0xa: {  	[smem:$0x3FAF] =	sst s2  }
0xb: {  	[smem:$0x3FB0] =	sst s3  }
0xc: {  	[smem:$0x3FB1] =	sst s4  }
0xd: {  	[smem:$0x3FB2] =	sst s5  }
0xe: {  	[smem:$0x3FB3] =	sst s6  }
0xf: {  	[smem:$0x3FB4] =	sst s7  }
0x10: {  	[smem:$0x3FB5] =	sst s8  }
0x11: {  	[smem:$0x3FB6] =	sst s9;
	s0 =	simm.s32 @!p0 $0x0  }
0x12: {  	s1 =	sld [smem:$0x3F9C];
	s0 =	simm.s32 @p0 $0x1  }
0x13: {  	[smem:$0x3FB7] =	sst s0;
	s0 =	simm.s32 @!p1 $0x0  }
0x14: {  	s2 =	sld [smem:$0x3F9B];
	s0 =	simm.s32 @p1 $0x1  }
0x15: {  	[smem:$0x3FB8] =	sst s0;
	s0 =	simm.s32 @!p2 $0x0  }
0x16: {  	s3 =	sld [smem:$0x3FDB];
	s0 =	simm.s32 @p2 $0x1  }
0x17: {  	s4 =	simm.s32 $0x1BF5;
	[smem:$0x3FBA] =	sst s0  }
0x18: {  	s0 =	sld [smem:$0x3F9D];
	_ =	swait.ge [sflag:s4], $0x0  }
0x19: {  	s7 =	sld [smem:$0x3F9E]  }
0x1a: {  	s8 =	sadd.s32 $0xFFFFE003, lr  }
0x1b: {  	s9 =	sadd.s32 $0xFFFFFEF7, lr;
	s5 =	simm.s32 $0xFFFFFFFF;
	p2 =	slt.u32 s8, $0xFFFFF086  }
0x1c: {  	p1 =	slt.u32 s9, $0xF7A;
	s5 =	simm.s32 @!p2 $0x0  }
0x1d: {  	s5 =	simm.s32 @p1 $0x1;
	p0 =	seq.s32 s7, s2  }
0x1e: {  	s7 =	smul.u32 @!p0 $0xF7A, s2;
	p2 =	seq.s32 @!p0 s5, $0x0  }
0x1f: {  	s9 =	smul.u32 $0xF7A, s1;
	s8 =	simm.s32 @!p0 $0x1BF5;
	p2 =	por !p2, p0  }
0x20: {  	[sflag:s8] =	ssyncset.s32 @!p0 $0xFFFFF086;
	s6 =	sadd.s32 @!p0 s3, s7;
	s7 =	simm.s32 @!p0 $0x108  }
0x21: {  	s3 =	sadd.s32 s3, s9;
	s6 =	sadd.s32 @!p0 $0x88, s6;
	s7 =	simm.s32 @p2 $0x1082  }
0x22: {  	[simem:s7], [sflag:s8] =	dma.local @!p0 [hbm:s6], $0xF7A  }
0x23: {  	s9 =	sor.u32 $0xD0000000, s2;
	s6 =	simm.s32 $0x108;
	_ =	swait.ge @!p0 [sflag:s8], $0x0  }
0x24: {  	s3 =	sadd.s32 $0x88, s3;
	s6 =	simm.s32 @!p1 $0x1082;
	[sflag:s4] =	ssyncset.s32 $0xFFFFF086  }
0x25: {  	[simem:s6], [sflag:s4] =	dma.local [hbm:s3], $0xF7A  }
0x26: {  	[smem:$0x3F9E] =	sst s1;
	(tag) =	ssettag s2;
	_ =	strace s9  }
0x27: {  	s1 =	sld [smem:$0x3FAE]  }
0x28: {  	s2 =	sld [smem:$0x3FAF]  }
0x29: {  	s4 =	sld [smem:$0x3FB1]  }
0x2a: {  	p0 =	seq.s32 s5, $0x0;
	s5 =	sld [smem:$0x3FB2]  }
0x2b: {  	s6 =	sld [smem:$0x3FB3]  }
0x2c: {  	s7 =	sld [smem:$0x3FB4]  }
0x2d: {  	s3 =	simm.s32 $0x108;
	s8 =	sld [smem:$0x3FB5]  }
0x2e: {  	s3 =	simm.s32 @!p0 $0x1082;
	s9 =	sld [smem:$0x3FB6]  }
0x2f: {  	lr =	sadd.s32 s0, s3;
	s0 =	sld [smem:$0x3FAD]  }
0x30: {  	s3 =	sld [smem:$0x3FB0]  }
0x31: {  	[smem:$0x3FB9] =	sst s10  }
0x32: {  	s10 =	sld [smem:$0x3FB7];
	_ =	sdelay $0x3  }
0x33: {  	p0 =	seq.s32 s10, $0x1;
	s10 =	sld [smem:$0x3FB9];
	_ =	sdelay $0x3  }
0x34: {  	[smem:$0x3FB9] =	sst s10  }
0x35: {  	s10 =	sld [smem:$0x3FB8];
	_ =	sdelay $0x3  }
0x36: {  	p1 =	seq.s32 s10, $0x1;
	s10 =	sld [smem:$0x3FB9];
	_ =	sdelay $0x3  }
0x37: {  	[smem:$0x3FB9] =	sst s10  }
0x38: {  	s10 =	sld [smem:$0x3FBA]  }
0x39: {  	_ = 	snop;
	(pc) =	sbr.ind lr, $3  }
0x3a: {  	_ = 	snop  }
0x3b: {  	_ = 	snop  }
0x3c: {  	p2 =	seq.s32 s10, $0x1;
	s10 =	sld [smem:$0x3FB9]  }
0x3d: {  	_ =	shalt  }
0x3e: {  	_ =	shalt  }
0x3f: {  	_ =	shalt  }
0x40: {  	_ =	shalt  }
0x41: {  	_ =	shalt  }
0x42: {  	_ =	shalt  }
0x43: {  	_ =	shalt  }
0x44: {  	_ =	shalt  }
0x45: {  	_ =	shalt  }
0x46: {  	_ =	shalt  }
0x47: {  	_ =	shalt  }
0x48: {  	_ =	shalt  }
0x49: {  	_ =	shalt  }
0x4a: {  	_ =	shalt  }
0x4b: {  	_ =	shalt  }
0x4c: {  	_ =	shalt  }
0x4d: {  	_ =	shalt  }
0x4e: {  	_ =	shalt  }
0x4f: {  	_ =	shalt  }
0x50: {  	_ =	shalt  }
0x51: {  	_ =	shalt  }
0x52: {  	_ =	shalt  }
0x53: {  	_ =	shalt  }
0x54: {  	_ =	shalt  }
0x55: {  	_ =	shalt  }
0x56: {  	_ =	shalt  }
0x57: {  	_ =	shalt  }
0x58: {  	_ =	shalt  }
0x59: {  	_ =	shalt  }
0x5a: {  	_ =	shalt  }
0x5b: {  	_ =	shalt  }
0x5c: {  	_ =	shalt  }
0x5d: {  	_ =	shalt  }
0x5e: {  	_ =	shalt  }
0x5f: {  	_ =	shalt  }
0x60: {  	_ =	shalt  }
0x61: {  	_ =	shalt  }
0x62: {  	_ =	shalt  }
0x63: {  	_ =	shalt  }
0x64: {  	_ =	shalt  }
0x65: {  	_ =	shalt  }
0x66: {  	_ =	shalt  }
0x67: {  	_ =	shalt  }
0x68: {  	_ =	shalt  }
0x69: {  	_ =	shalt  }
0x6a: {  	_ =	shalt  }
0x6b: {  	_ =	shalt  }
0x6c: {  	_ =	shalt  }
0x6d: {  	_ =	shalt  }
0x6e: {  	_ =	shalt  }
0x6f: {  	_ =	shalt  }
0x70: {  	_ =	shalt  }
0x71: {  	_ =	shalt  }
0x72: {  	_ =	shalt  }
0x73: {  	_ =	shalt  }
0x74: {  	_ =	shalt  }
0x75: {  	_ =	shalt  }
0x76: {  	_ =	shalt  }
0x77: {  	_ =	shalt  }
0x78: {  	_ =	shalt  }
0x79: {  	_ =	shalt  }
0x7a: {  	_ =	shalt  }
0x7b: {  	_ =	shalt  }
0x7c: {  	_ =	shalt  }
0x7d: {  	_ =	shalt  }
0x7e: {  	_ =	shalt  }
0x7f: {  	_ =	shalt  }
0x80: {  	_ =	shalt  }
0x81: {  	_ =	shalt  }
0x82: {  	_ =	shalt  }
0x83: {  	_ =	shalt  }
0x84: {  	_ =	shalt  }
0x85: {  	_ =	shalt  }
0x86: {  	_ =	shalt  }
0x87: {  	_ =	shalt  }
.Lfunc_end0:
.L_simem_size_0:
called_computation_lowered:
.L_overlay_start_0:
0x88: {  	s2 =	sld [smem:$0x3FD9]  }
0x89: {  	s3 =	sld [smem:$0x3FFE];
	_ =	sdelay $0x1  }
0x8a: {  	s1 =	srdreg.scid  }
0x8b: {  	s0 =	sand.u32 $0x1, s1  }
0x8c: {  	s17 =	sshll.u32 s0, $0xA;
	s2 =	sadd.s32 s3, s2  }
0x8d: {  	s2 =	sadd.s32 s2, s17  }
0x8e: {  	[smem:$0x3FC5] =	sst s2  }
0x8f: {  	_ = 	snop  }
0x90: {  	s2 =	sld [smem:$0x3FC8]  }
0x91: {  	s18 =	sld [smem:$0x3FC7];
	(tm) =	ssettm $0x1  }
0x92: {  	s4 =	sld [smem:$0x3FFB];
	_ =	sdelay $0x3  }
0x93: {  	_ =	strace s4  }
0x94: {  	s4 =	sld [smem:$0x3FFC];
	_ =	sdelay $0x3  }
0x95: {  	_ =	strace s4  }
0x96: {  	s4 =	sld [smem:$0x3FFD];
	_ =	sdelay $0x3  }
0x97: {  	_ =	strace s4  }
0x98: {  	_ =	strace $0x8FFFFFFF  }
0x99: {  	s19 =	sld [smem:$0x3FDB];
	_ =	sdelay $0x1  }
0x9a: {  	s5 =	simm.s32 $_scs_section_size  }
0x9b: {  	s6 =	simm.s32 $_size__tile_overlayer_lowered;
	s7 =	simm.s32 $_tile_overlayer_lowered  }
0x9c: {  	s22 =	simm.s32 $0x1BFF;
	s21 =	sshll.u32 s7, $0x1;
	s4 =	sadd.s32 s5, s19  }
0x9d: {  	s8 =	simm.s32 $0x0;
	s20 =	sshll.u32 s6, $0x1;
	s6 =	sadd.s32 s21, s4  }
0x9e: {  	[timem:s8], [sflag:s22] =	dma.local [hbm:s6], s20  }
0x9f: {  	_ =	swait.ge [sflag:s22], s20  }
0xa0: {  	s5 =	ssub.s32 $0x0, s20;
	[sflag:s22] =	ssyncset.done $0x0  }
0xa1: {  	[sflag:s22] =	ssyncadd.s32 s5;
	_ =	sdelay $0x1  }
0xa2: {  	s23 =	simm.s32 $0x1B8B  }
0xa3: {  	_ =	swait.ge [sflag:s23], $0x1  }
0xa4: {  	[sflag:s23] =	ssyncset.done $0x0  }
0xa5: {  	s25 =	simm.s32 $0x1B8E;
	s24 =	sld [smem:$0x3FFE];
	[sflag:s23] =	ssyncadd.s32 $0xFFFFFFFF  }
0xa6: {  	s26 =	simm.s32 $execute0_lowered;
	[smem:$0x3FD2] =	sst s25  }
0xa7: {  	s6 =	sshll.u32 s26, $0x1;
	_ =	strace $0x80000046;
	[dreg:$0x1] =	wrdreg $0xFFFFFFFF  }
0xa8: {  	s28 =	simm.s32 $_size_execute0_lowered;
	s4 =	sadd.s32 s4, s6;
	[dreg:$0x0] =	wrdreg $0x0  }
0xa9: {  	s6 =	sshll.u32 s28, $0x1;
	[dreg:$0x2] =	wrdreg s4  }
0xaa: {  	[dreg:$0x3] =	wrdreg s6  }
0xab: {  	[dreg:$0x4] =	wrdreg $0xC0  }
0xac: {  	_ =	task [dreg:s8], $0x5FFFF  }
0xad: {  	[dreg:$0x1] =	wrdreg $0xFFFFFFFF  }
0xae: {  	[dreg:$0x0] =	wrdreg $0x60  }
0xaf: {  	[dreg:$0x2] =	wrdreg s24  }
0xb0: {  	[dreg:$0x3] =	wrdreg s2  }
0xb1: {  	[dreg:$0x4] =	wrdreg s18  }
0xb2: {  	[dreg:$0x5] =	wrdreg $0x186A00  }
0xb3: {  	[dreg:$0x6] =	wrdreg $0x19F100  }
0xb4: {  	[dreg:$0x7] =	wrdreg $0x1B7800  }
0xb5: {  	[dreg:$0x8] =	wrdreg $0x1CFF00  }
0xb6: {  	[dreg:$0x9] =	wrdreg $0x9  }
0xb7: {  	_ =	task.clear_ibuf [dreg:s8], $0xAFFFF;
	_ =	strace $0x90000046  }
0xb8: {  	s29 =	simm.s32 $0x9;
	_ =	strace $0x80000048  }
0xb9: {  	_ =	swait.ge [sflag:s29], $0x1  }
0xba: {  	[sflag:s29] =	ssyncadd.s32 $0xFFFFFFFF  }
0xbb: {  	_ =	strace $0x90000048  }
0xbc: {  	_ =	sfence  }
0xbd: {  	s30 =	sld [smem:$0x0];
	_ =	sdelay $0x2  }
0xbe: {  	s31 =	sshll.u32 s1, $0xD;
	s1 =	sshrl.u32 s1, $0x2  }
0xbf: {  	s3 =	sand.u32 $0x4000, s31;
	s1 =	sadd.s32 s1, s30  }
0xc0: {  	s0 =	sor.u32 s3, s0;
	s1 =	sshll.u32 s1, $0x11  }
0xc1: {  	s0 =	sor.u32 s1, s0  }
0xc2: {  	s0 =	sadd.s32 $0x8F2B, s0  }
0xc3: {  	[sflag:s0] =	ssyncadd.remote.s32 $0x1  }
0xc4: {  	_ =	sfence.sel $0xFFFF  }
0xc5: {  	[dreg:$0x0] =	wrdreg $0xFFFFFFFF;
	(pc) =	sbr.abs _section_cstart, $3  }
0xc6: {  	[dreg:$0x1] =	wrdreg $0xFFFFFFFF  }
0xc7: {  	_ =	task.clear_ibuf [dreg:s8], $0x2FFFF;
	_ =	strace $0x9FFFFFFF  }
0xc8: {  	(tm) =	ssettm $0x7FFFFFFF  }
0xc9: {  	_ =	shalt  }
tec
execute0_lowered:
.L_overlay_start_1:
0x0: {  	(tag) =	ssettag $0x1  }
0x1: {  	s0 =	rddreg [dreg:$0x0]  }
0x2: {  	s3 =	rddreg [dreg:$0x1]  }
0x3: {  	s1 =	srdreg.scid;
	s2 =	rddreg [dreg:$0x2]  }
0x4: {  	s14 =	stileid.u32;
	s31 =	rddreg [dreg:$0x3]  }
0x5: {  	s5 =	sand.u32 $0x1, s1;
	s4 =	smul.u32 $0x1870, s14;
	s1 =	simm.s32 $0x0  }
0x6: {  	s8 =	smul.u32 $0x186A0, s14;
	s9 =	sadd.s32 $0x800, s0;
	s15 =	sand.u32 $0x7, s14  }
0x7: {  	s6 =	ssub.s32 $0x2, s5;
	[smem:$0x7FF] =	sst s1;
	s19 =	sshll.u32 s5, $0x4  }
0x8: {  	p1 =	sne.s32 s15, $0x0;
	s5 =	smul.u32 $0xC3500, s5;
	s7 =	sshrl.u32 s6, $0x1  }
0x9: {  	s10 =	sshrl.u32 s4, $0x3;
	s8 =	sshrl.u32 s8, $0x3;
	s7 =	ssub.s32 s6, s7  }
0xa: {  	s6 =	sor.u32 s14, s19;
	s2 =	sadd.s32 s2, s10;
	s20 =	sadd.s32 $0x4E2, s8  }
0xb: {  	s21 =	sadd.s32 $0x9C4, s8;
	s23 =	sadd.s32 $0xEA6, s8;
	s19 =	sadd.s32 s3, s8  }
0xc: {  	s25 =	sadd.s32 $0x1388, s8;
	s11 =	sadd.s32 s3, s20;
	[dreg:$0x16] =	wrdreg s19  }
0xd: {  	s12 =	sadd.s32 $0x186A, s8;
	s10 =	sadd.s32 s9, s20;
	[dreg:$0x8] =	wrdreg s11  }
0xe: {  	s16 =	sadd.s32 $0x1D4C, s8;
	s22 =	sadd.s32 s3, s21;
	[dreg:$0x9] =	wrdreg s10  }
0xf: {  	s17 =	sadd.s32 $0x222E, s8;
	s24 =	sadd.s32 s3, s23;
	[dreg:$0xa] =	wrdreg s22  }
0x10: {  	s26 =	sadd.s32 s3, s25;
	s13 =	sadd.s32 s3, s12;
	[dreg:$0xc] =	wrdreg s24  }
0x11: {  	p0 =	seq.s32 s6, $0x0;
	s6 =	sshrl.u32 s6, $0x3;
	[dreg:$0xe] =	wrdreg s26  }
0x12: {  	s18 =	sadd.s32 s3, s17;
	s20 =	sadd.s32 $0x2710, s8;
	[dreg:$0x10] =	wrdreg s13  }
0x13: {  	s10 =	sadd.s32 s9, s21;
	p0 =	por !p1, !p0;
	[dreg:$0x14] =	wrdreg s18  }
0x14: {  	s13 =	smul.u32 $0xC350, s14;
	s11 =	sadd.s32 s9, s16;
	[dreg:$0xb] =	wrdreg s10  }
0x15: {  	s18 =	sadd.s32 s9, s8;
	s21 =	sadd.s32 s3, s20;
	[dreg:$0x13] =	wrdreg s11  }
0x16: {  	s8 =	sadd.s32 $0x2BF2, s8;
	s10 =	sadd.s32 s9, s23;
	[dreg:$0x17] =	wrdreg s21  }
0x17: {  	s24 =	sadd.s32 $0xD0400, s0;
	s22 =	sadd.s32 s9, s8;
	[dreg:$0xd] =	wrdreg s10  }
0x18: {  	p0 =	por !p0, !p0;
	s23 =	sadd.s32 s3, s8;
	[dreg:$0x19] =	wrdreg s22  }
0x19: {  	s10 =	sadd.s32 s9, s25;
	s5 =	sadd.s32 s13, s5;
	[dreg:$0x1a] =	wrdreg s23  }
0x1a: {  	[dreg:$0xf] =	wrdreg s10;
	s10 =	sadd.s32 s9, s12;
	s5 =	sshrl.u32 s5, $0x3  }
0x1b: {  	s12 =	sadd.s32 s3, s16;
	[dreg:$0x11] =	wrdreg s10;
	s25 =	sadd.s32 $0x4E2, s5  }
0x1c: {  	[dreg:$0x12] =	wrdreg s12;
	s26 =	sadd.s32 $0x9C4, s5;
	s13 =	sadd.s32 s3, s25  }
0x1d: {  	s19 =	sadd.s32 $0xEA6, s5;
	s16 =	sadd.s32 s24, s26;
	[dreg:$0x1c] =	wrdreg s13  }
0x1e: {  	s12 =	simm.s32 $0x1;
	s21 =	sadd.s32 s3, s19;
	[dreg:$0x1f] =	wrdreg s16  }
0x1f: {  	s12 =	simm.s32 @!p0 $0x0;
	s22 =	sadd.s32 s24, s19;
	[smem:$0x7C7] =	sst s21  }
0x20: {  	s11 =	ssub.s32 s6, s12;
	s6 =	sadd.s32 s9, s17;
	[smem:$0x7C9] =	sst s22  }
0x21: {  	s12 =	smul.u32 $0x30E0, s15;
	s15 =	sadd.s32 s3, s26;
	[dreg:$0x15] =	wrdreg s6  }
0x22: {  	s17 =	sadd.s32 s3, s5;
	[dreg:$0x1e] =	wrdreg s15  }
0x23: {  	s30 =	sadd.s32 s24, s5;
	[smem:$0x7C6] =	sst s17  }
0x24: {  	s6 =	sadd.s32 s9, s20;
	s20 =	sadd.s32 $0x1388, s5;
	s5 =	rddreg [dreg:$0x5]  }
0x25: {  	[dreg:$0x18] =	wrdreg s6;
	s6 =	sadd.s32 s24, s25  }
0x26: {  	s3 =	sadd.s32 s3, s20;
	[dreg:$0x1d] =	wrdreg s6  }
0x27: {  	p0 =	seq.s32 s11, $0x0;
	[smem:$0x7C8] =	sst s3  }
0x28: {  	s23 =	smul.u32 $0x18700, s11;
	s10 =	sadd.s32 s12, s31;
	s3 =	rddreg [dreg:$0x4]  }
0x29: {  	s8 =	sadd.s32 s24, s20;
	s6 =	rddreg [dreg:$0x6];
	s13 =	sadd.s32 s12, s3  }
0x2a: {  	s0 =	sadd.s32 $0xC4000, s0;
	[smem:$0x7CA] =	sst s8;
	s13 =	smov.u32 @p0 s10  }
0x2b: {  	s24 =	sadd.s32 s4, s31;
	s8 =	sadd.s32 s12, s23;
	[smem:$0x7CB] =	sst s13  }
0x2c: {  	s25 =	sadd.s32 s4, s3;
	_ =	strace $0x80000047;
	[smem:$0x7CC] =	sst s0  }
0x2d: {  	s26 =	sadd.s32 s4, s5;
	s10 =	sshrl.u32 s25, $0x3;
	[smem:$0x7CD] =	sst s8  }
0x2e: {  	s4 =	sadd.s32 s4, s6;
	s13 =	sshrl.u32 s26, $0x3;
	[smem:$0x7CF] =	sst s10  }
0x2f: {  	s15 =	sshrl.u32 s4, $0x3;
	[smem:$0x7D0] =	sst s13  }
0x30: {  	s16 =	sshll.u32 s14, $0x6;
	[smem:$0x7D1] =	sst s15  }
0x31: {  	s17 =	sadd.s32 $0x30D40, s18;
	[smem:$0x7D2] =	sst s16  }
0x32: {  	s19 =	sadd.s32 $0x61A80, s18;
	[smem:$0x7D3] =	sst s17  }
0x33: {  	s20 =	sadd.s32 $0x927C0, s18;
	[smem:$0x7D4] =	sst s19  }
0x34: {  	s21 =	sadd.s32 $0x31222, s18;
	[smem:$0x7D5] =	sst s20  }
0x35: {  	s22 =	sadd.s32 $0x61F62, s18;
	[smem:$0x7D6] =	sst s21  }
0x36: {  	s23 =	sadd.s32 $0x92CA2, s18;
	[smem:$0x7D7] =	sst s22  }
0x37: {  	p1 =	sgt.s32 s11, $0x1;
	s25 =	sadd.s32 $0x62444, s18;
	[smem:$0x7D8] =	sst s23  }
0x38: {  	p2 =	seq.s32 s11, $0x2;
	s26 =	sadd.s32 $0x93184, s18;
	[smem:$0x7DA] =	sst s25  }
0x39: {  	p3 =	seq.s32 s11, $0x3;
	s4 =	sadd.s32 $0x31BE6, s18;
	[smem:$0x7DB] =	sst s26  }
0x3a: {  	s9 =	smax.u32 s7, $0x1;
	s7 =	sadd.s32 $0x62926, s18;
	[smem:$0x7DC] =	sst s4  }
0x3b: {  	p4 =	seq.s32 @!p0 s11, $0x1;
	s11 =	sadd.s32 $0x62E08, s18;
	[smem:$0x7DD] =	sst s7  }
0x3c: {  	[smem:$0x7E0] =	sst s11  }
0x3d: {  	s0 =	sshrl.u32 s24, $0x3;
	[dreg:$0x1b] =	wrdreg s12  }
0x3e: {  	s24 =	sadd.s32 $0x31704, s18;
	[smem:$0x7CE] =	sst s0  }
0x3f: {  	s8 =	sadd.s32 $0x93666, s18;
	[smem:$0x7D9] =	sst s24  }
0x40: {  	s10 =	sadd.s32 $0x320C8, s18;
	[smem:$0x7DE] =	sst s8  }
0x41: {  	s13 =	sadd.s32 $0x93B48, s18;
	[smem:$0x7DF] =	sst s10  }
0x42: {  	s15 =	sadd.s32 $0x325AA, s18;
	[smem:$0x7E1] =	sst s13  }
0x43: {  	s14 =	sor.u32 $0x1C01, s16;
	s16 =	sadd.s32 $0x632EA, s18;
	[smem:$0x7E2] =	sst s15  }
0x44: {  	s17 =	sadd.s32 $0x9402A, s18;
	[smem:$0x7E3] =	sst s16  }
0x45: {  	s19 =	sadd.s32 $0x32A8C, s18;
	[smem:$0x7E4] =	sst s17  }
0x46: {  	s20 =	sadd.s32 $0x637CC, s18;
	[smem:$0x7E5] =	sst s19  }
0x47: {  	s21 =	sadd.s32 $0x9450C, s18;
	[smem:$0x7E6] =	sst s20  }
0x48: {  	s22 =	sadd.s32 $0x32F6E, s18;
	[smem:$0x7E7] =	sst s21  }
0x49: {  	s23 =	sadd.s32 $0x63CAE, s18;
	[smem:$0x7E8] =	sst s22  }
0x4a: {  	s25 =	sadd.s32 $0x33450, s18;
	[smem:$0x7E9] =	sst s23  }
0x4b: {  	s26 =	sadd.s32 $0x64190, s18;
	[smem:$0x7EB] =	sst s25  }
0x4c: {  	s4 =	sadd.s32 $0x94ED0, s18;
	[smem:$0x7EC] =	sst s26  }
0x4d: {  	s7 =	sadd.s32 $0x33932, s18;
	[smem:$0x7ED] =	sst s4  }
0x4e: {  	s11 =	sadd.s32 s12, s6;
	[smem:$0x7EE] =	sst s7  }
0x4f: {  	s24 =	sadd.s32 $0x949EE, s18;
	[smem:$0x7F1] =	sst s11  }
0x50: {  	s8 =	sadd.s32 $0x64672, s18;
	[smem:$0x7EA] =	sst s24  }
0x51: {  	s10 =	sadd.s32 $0x953B2, s18;
	[smem:$0x7EF] =	sst s8  }
0x52: {  	s13 =	sadd.s32 s12, s5;
	[smem:$0x7F0] =	sst s10  }
0x53: {  	s15 =	sadd.s32 $0x30D40, s30;
	[smem:$0x7F2] =	sst s13  }
0x54: {  	s16 =	sadd.s32 $0x61A80, s30;
	[smem:$0x7F3] =	sst s15  }
0x55: {  	s28 =	simm.s32 $0x1;
	s17 =	sadd.s32 $0x927C0, s30;
	[smem:$0x7F4] =	sst s16  }
0x56: {  	s29 =	simm.s32 $0xEA60;
	s19 =	sadd.s32 $0x31222, s30;
	[smem:$0x7F5] =	sst s17  }
0x57: {  	p4 =	por p0, p4;
	s20 =	sadd.s32 $0x61F62, s30;
	[smem:$0x7F6] =	sst s19  }
0x58: {  	s21 =	sadd.s32 $0x92CA2, s30;
	s22 =	sadd.s32 $0x31704, s30;
	[smem:$0x7F7] =	sst s20  }
0x59: {  	s23 =	sadd.s32 $0x62444, s30;
	s25 =	sadd.s32 $0x31BE6, s30;
	[smem:$0x7F8] =	sst s21  }
0x5a: {  	s26 =	sadd.s32 $0x62926, s30;
	s0 =	simm.s32 $0x11170;
	[smem:$0x7F9] =	sst s22  }
0x5b: {  	s4 =	simm.s32 $0x15F90;
	s7 =	simm.s32 $0x2;
	[smem:$0x7FA] =	sst s23  }
0x5c: {  	s11 =	simm.s32 $0x4;
	s12 =	simm.s32 $0x5;
	[smem:$0x7FC] =	sst s25  }
.Ltmp0:
0x5d: {  	s24 =	sadd.s32 $0x93184, s30;
	[smem:$0x7FD] =	sst s26;
	(pc) =	sbr.rel .LBB2_1-.Ltmp0, $4  }
0x5e: {  	s16 =	sadd.s32 $0x93666, s30;
	s17 =	sadd.s32 $0x320C8, s30;
	s19 =	sadd.s32 $0x62E08, s30  }
0x5f: {  	s20 =	sadd.s32 $0x93B48, s30;
	s21 =	simm.s32 $0x2710;
	s22 =	simm.s32 $0x4E20  }
0x60: {  	s25 =	simm.s32 $0x9C40;
	s26 =	simm.s32 $0xC350;
	s23 =	simm.s32 $0x13880  }
0x61: {  	s10 =	simm.s32 $0x3;
	[smem:$0x7FB] =	sst s24;
	s24 =	simm.s32 $0x7530  }
.LBB2_7:
0x62: {  	s15 =	sld [smem:$0x7CC];
	_ =	sdelay $0x1  }
0x63: {  	s13 =	sshrl.u32 s13, $0x3  }
0x64: {  	s13 =	sadd.s32 s15, s13;
	s15 =	sld [smem:$0x7D2];
	_ =	sdelay $0x2  }
0x65: {  	s8 =	sshrl.u32 s8, $0x3;
	s15 =	sor.u32 $0x1C05, s15  }
0x66: {  	[hbm:s13], [sflag:s15] =	dma.local [spmem:s8], $0x61C  }
0x67: {  	_ =	swait.ge [sflag:s12], $0x61C  }
0x68: {  	[sflag:s12] =	ssyncset.done $0x0  }
0x69: {  	[sflag:s12] =	ssyncadd.s32 $0xFFFFF9E4  }
.LBB2_8:
0x6a: {  	s8 =	sld [smem:$0x7C6];
	_ =	sdelay $0x2  }
0x6b: {  	[tilespmem:s1], [sflag:$0x1] =	stream.linear.gather [hbm4b:s8+s1], $0x2710, $0x38;
	[tilespmem:$0x1E860] =	vst v63  }
0x6c: {  	s15 =	rddreg [dreg:$0x1c]  }
0x6d: {  	[tilespmem:s26], [sflag:$0x3] =	stream.linear.gather [hbm4b:s15+s1], $0x2710, $0x38;
	[tilespmem:$0x1E860] =	vst v63  }
0x6e: {  	_ =	swait.ge [sflag:s28], $0x2710  }
0x6f: {  	[sflag:s28] =	ssyncset.done $0x0  }
0x70: {  	[sflag:s28] =	ssyncadd.s32 $0xFFFFD8F0  }
0x71: {  	[tilespmem:s21], [sflag:$0x2] =	stream.indirect.gather [spmem:s31], $0x1, s1, s21, $0xb8;
	[tilespmem:$0x1E860] =	vst v63  }
0x72: {  	_ = 	snop  }
0x73: {  	[tilespmem:s22], [sflag:$0x2] =	stream.indirect.gather [spmem:s3], $0x1, s1, s21, $0xb8;
	[tilespmem:$0x1E860] =	vst v63  }
0x74: {  	_ = 	snop  }
0x75: {  	[tilespmem:s24], [sflag:$0x2] =	stream.indirect.gather [spmem:s5], $0x1, s1, s21, $0xb8;
	[tilespmem:$0x1E860] =	vst v63  }
0x76: {  	_ = 	snop  }
0x77: {  	[tilespmem:s25], [sflag:$0x2] =	stream.indirect.gather [spmem:s6], $0x1, s1, s21, $0xb8;
	[tilespmem:$0x1E860] =	vst v63  }
0x78: {  	_ =	swait.ge [sflag:s7], $0x2710  }
0x79: {  	[sflag:s7] =	ssyncset.done $0x0  }
0x7a: {  	[sflag:s7] =	ssyncadd.s32 $0xFFFFD8F0  }
0x7b: {  	_ =	swait.ge [sflag:s7], $0x2710  }
0x7c: {  	[sflag:s7] =	ssyncset.done $0x0  }
0x7d: {  	[sflag:s7] =	ssyncadd.s32 $0xFFFFD8F0  }
0x7e: {  	_ =	swait.ge [sflag:s7], $0x2710  }
0x7f: {  	[sflag:s7] =	ssyncset.done $0x0  }
0x80: {  	[sflag:s7] =	ssyncadd.s32 $0xFFFFD8F0  }
0x81: {  	_ =	swait.ge [sflag:s7], $0x2710  }
0x82: {  	[sflag:s7] =	ssyncset.done $0x0  }
0x83: {  	s13 =	sld [smem:$0x7F3];
	[sflag:s7] =	ssyncadd.s32 $0xFFFFD8F0  }
0x84: {  	[hbm4b:s30+s1] =	stream.linear.scatter [tilespmem:s21], [sflag:$0x1], $0x2710, $0x38;
	[tilespmem:$0x1E860] =	vst v63  }
0x85: {  	s15 =	sld [smem:$0x7F4]  }
0x86: {  	[hbm4b:s13+s1] =	stream.linear.scatter [tilespmem:s22], [sflag:$0x1], $0x2710, $0x38;
	[tilespmem:$0x1E860] =	vst v63  }
0x87: {  	s13 =	sld [smem:$0x7F5]  }
0x88: {  	[hbm4b:s15+s1] =	stream.linear.scatter [tilespmem:s24], [sflag:$0x1], $0x2710, $0x38;
	[tilespmem:$0x1E860] =	vst v63  }
0x89: {  	_ = 	snop  }
0x8a: {  	[hbm4b:s13+s1] =	stream.linear.scatter [tilespmem:s25], [sflag:$0x1], $0x2710, $0x38;
	[tilespmem:$0x1E860] =	vst v63  }
0x8b: {  	_ =	swait.ge [sflag:s28], $0x2710  }
0x8c: {  	[sflag:s28] =	ssyncset.done $0x0  }
0x8d: {  	[sflag:s28] =	ssyncadd.s32 $0xFFFFD8F0  }
0x8e: {  	_ =	swait.ge [sflag:s28], $0x2710  }
0x8f: {  	[sflag:s28] =	ssyncset.done $0x0  }
0x90: {  	[sflag:s28] =	ssyncadd.s32 $0xFFFFD8F0  }
0x91: {  	_ =	swait.ge [sflag:s28], $0x2710  }
0x92: {  	[sflag:s28] =	ssyncset.done $0x0  }
0x93: {  	[sflag:s28] =	ssyncadd.s32 $0xFFFFD8F0  }
0x94: {  	_ =	swait.ge [sflag:s28], $0x2710  }
0x95: {  	[sflag:s28] =	ssyncset.done $0x0  }
0x96: {  	s15 =	rddreg [dreg:$0x1e];
	[sflag:s28] =	ssyncadd.s32 $0xFFFFD8F0  }
0x97: {  	[tilespmem:s1], [sflag:$0x1] =	stream.linear.gather [hbm4b:s15+s1], $0x2710, $0x38;
	[tilespmem:$0x1E860] =	vst v63  }
0x98: {  	_ =	swait.ge [sflag:s10], $0x2710  }
0x99: {  	[sflag:s10] =	ssyncset.done $0x0  }
0x9a: {  	[sflag:s10] =	ssyncadd.s32 $0xFFFFD8F0  }
0x9b: {  	[tilespmem:s29], [sflag:$0x4] =	stream.indirect.gather [spmem:s31], $0x1, s26, s21, $0xb8;
	[tilespmem:$0x1E860] =	vst v63  }
0x9c: {  	_ = 	snop  }
0x9d: {  	[tilespmem:s0], [sflag:$0x4] =	stream.indirect.gather [spmem:s3], $0x1, s26, s21, $0xb8;
	[tilespmem:$0x1E860] =	vst v63  }
0x9e: {  	_ = 	snop  }
0x9f: {  	[tilespmem:s23], [sflag:$0x4] =	stream.indirect.gather [spmem:s5], $0x1, s26, s21, $0xb8;
	[tilespmem:$0x1E860] =	vst v63  }
0xa0: {  	_ = 	snop  }
0xa1: {  	[tilespmem:s4], [sflag:$0x4] =	stream.indirect.gather [spmem:s6], $0x1, s26, s21, $0xb8;
	[tilespmem:$0x1E860] =	vst v63  }
0xa2: {  	_ =	swait.ge [sflag:s11], $0x2710  }
0xa3: {  	[sflag:s11] =	ssyncset.done $0x0  }
0xa4: {  	[sflag:s11] =	ssyncadd.s32 $0xFFFFD8F0  }
0xa5: {  	_ =	swait.ge [sflag:s11], $0x2710  }
0xa6: {  	[sflag:s11] =	ssyncset.done $0x0  }
0xa7: {  	[sflag:s11] =	ssyncadd.s32 $0xFFFFD8F0  }
0xa8: {  	_ =	swait.ge [sflag:s11], $0x2710  }
0xa9: {  	[sflag:s11] =	ssyncset.done $0x0  }
0xaa: {  	[sflag:s11] =	ssyncadd.s32 $0xFFFFD8F0  }
0xab: {  	_ =	swait.ge [sflag:s11], $0x2710  }
0xac: {  	[sflag:s11] =	ssyncset.done $0x0;
	s13 =	rddreg [dreg:$0x1d]  }
0xad: {  	s15 =	sld [smem:$0x7F6];
	[sflag:s11] =	ssyncadd.s32 $0xFFFFD8F0  }
0xae: {  	[hbm4b:s13+s1] =	stream.linear.scatter [tilespmem:s29], [sflag:$0x3], $0x2710, $0x38;
	[tilespmem:$0x1E860] =	vst v63  }
0xaf: {  	s13 =	sld [smem:$0x7F7]  }
0xb0: {  	[hbm4b:s15+s1] =	stream.linear.scatter [tilespmem:s0], [sflag:$0x3], $0x2710, $0x38;
	[tilespmem:$0x1E860] =	vst v63  }
0xb1: {  	s15 =	sld [smem:$0x7F8]  }
0xb2: {  	[hbm4b:s13+s1] =	stream.linear.scatter [tilespmem:s23], [sflag:$0x3], $0x2710, $0x38;
	[tilespmem:$0x1E860] =	vst v63  }
0xb3: {  	_ = 	snop  }
0xb4: {  	[hbm4b:s15+s1] =	stream.linear.scatter [tilespmem:s4], [sflag:$0x3], $0x2710, $0x38;
	[tilespmem:$0x1E860] =	vst v63  }
0xb5: {  	_ =	swait.ge [sflag:s10], $0x2710  }
0xb6: {  	[sflag:s10] =	ssyncset.done $0x0  }
0xb7: {  	[sflag:s10] =	ssyncadd.s32 $0xFFFFD8F0  }
0xb8: {  	_ =	swait.ge [sflag:s10], $0x2710  }
0xb9: {  	[sflag:s10] =	ssyncset.done $0x0  }
0xba: {  	[sflag:s10] =	ssyncadd.s32 $0xFFFFD8F0  }
0xbb: {  	_ =	swait.ge [sflag:s10], $0x2710  }
0xbc: {  	[sflag:s10] =	ssyncset.done $0x0  }
0xbd: {  	[sflag:s10] =	ssyncadd.s32 $0xFFFFD8F0  }
0xbe: {  	_ =	swait.ge [sflag:s10], $0x2710  }
0xbf: {  	s13 =	sld [smem:$0x7C7]  }
0xc0: {  	[sflag:s10] =	ssyncset.done $0x0  }
0xc1: {  	[sflag:s10] =	ssyncadd.s32 $0xFFFFD8F0  }
0xc2: {  	[tilespmem:s26], [sflag:$0x3] =	stream.linear.gather [hbm4b:s13+s1], $0x2710, $0x38;
	[tilespmem:$0x1E860] =	vst v63  }
0xc3: {  	_ =	swait.ge [sflag:s28], $0x2710  }
0xc4: {  	[sflag:s28] =	ssyncset.done $0x0  }
0xc5: {  	[sflag:s28] =	ssyncadd.s32 $0xFFFFD8F0  }
0xc6: {  	[tilespmem:s21], [sflag:$0x2] =	stream.indirect.gather [spmem:s31], $0x1, s1, s21, $0xb8;
	[tilespmem:$0x1E860] =	vst v63  }
0xc7: {  	_ = 	snop  }
0xc8: {  	[tilespmem:s22], [sflag:$0x2] =	stream.indirect.gather [spmem:s3], $0x1, s1, s21, $0xb8;
	[tilespmem:$0x1E860] =	vst v63  }
0xc9: {  	_ = 	snop  }
0xca: {  	[tilespmem:s24], [sflag:$0x2] =	stream.indirect.gather [spmem:s5], $0x1, s1, s21, $0xb8;
	[tilespmem:$0x1E860] =	vst v63  }
0xcb: {  	_ = 	snop  }
0xcc: {  	[tilespmem:s25], [sflag:$0x2] =	stream.indirect.gather [spmem:s6], $0x1, s1, s21, $0xb8;
	[tilespmem:$0x1E860] =	vst v63  }
0xcd: {  	_ =	swait.ge [sflag:s7], $0x2710  }
0xce: {  	[sflag:s7] =	ssyncset.done $0x0  }
0xcf: {  	[sflag:s7] =	ssyncadd.s32 $0xFFFFD8F0  }
0xd0: {  	_ =	swait.ge [sflag:s7], $0x2710  }
0xd1: {  	[sflag:s7] =	ssyncset.done $0x0  }
0xd2: {  	[sflag:s7] =	ssyncadd.s32 $0xFFFFD8F0  }
0xd3: {  	_ =	swait.ge [sflag:s7], $0x2710  }
0xd4: {  	[sflag:s7] =	ssyncset.done $0x0  }
0xd5: {  	[sflag:s7] =	ssyncadd.s32 $0xFFFFD8F0  }
0xd6: {  	_ =	swait.ge [sflag:s7], $0x2710  }
0xd7: {  	[sflag:s7] =	ssyncset.done $0x0;
	s15 =	rddreg [dreg:$0x1f]  }
0xd8: {  	s13 =	sld [smem:$0x7F9];
	[sflag:s7] =	ssyncadd.s32 $0xFFFFD8F0  }
0xd9: {  	[hbm4b:s15+s1] =	stream.linear.scatter [tilespmem:s21], [sflag:$0x1], $0x2710, $0x38;
	[tilespmem:$0x1E860] =	vst v63  }
0xda: {  	s15 =	sld [smem:$0x7FA]  }
0xdb: {  	[hbm4b:s13+s1] =	stream.linear.scatter [tilespmem:s22], [sflag:$0x1], $0x2710, $0x38;
	[tilespmem:$0x1E860] =	vst v63  }
0xdc: {  	s13 =	sld [smem:$0x7FB]  }
0xdd: {  	[hbm4b:s15+s1] =	stream.linear.scatter [tilespmem:s24], [sflag:$0x1], $0x2710, $0x38;
	[tilespmem:$0x1E860] =	vst v63  }
0xde: {  	_ = 	snop  }
0xdf: {  	[hbm4b:s13+s1] =	stream.linear.scatter [tilespmem:s25], [sflag:$0x1], $0x2710, $0x38;
	[tilespmem:$0x1E860] =	vst v63  }
0xe0: {  	_ =	swait.ge [sflag:s28], $0x2710  }
0xe1: {  	[sflag:s28] =	ssyncset.done $0x0  }
0xe2: {  	[sflag:s28] =	ssyncadd.s32 $0xFFFFD8F0  }
0xe3: {  	_ =	swait.ge [sflag:s28], $0x2710  }
0xe4: {  	[sflag:s28] =	ssyncset.done $0x0  }
0xe5: {  	[sflag:s28] =	ssyncadd.s32 $0xFFFFD8F0  }
0xe6: {  	_ =	swait.ge [sflag:s28], $0x2710  }
0xe7: {  	[sflag:s28] =	ssyncset.done $0x0  }
0xe8: {  	[sflag:s28] =	ssyncadd.s32 $0xFFFFD8F0  }
0xe9: {  	_ =	swait.ge [sflag:s28], $0x2710  }
0xea: {  	s15 =	sld [smem:$0x7C8]  }
0xeb: {  	[sflag:s28] =	ssyncset.done $0x0  }
0xec: {  	[sflag:s28] =	ssyncadd.s32 $0xFFFFD8F0  }
0xed: {  	[tilespmem:s1], [sflag:$0x1] =	stream.linear.gather [hbm4b:s15+s1], $0x2710, $0x38;
	[tilespmem:$0x1E860] =	vst v63  }
0xee: {  	_ =	swait.ge [sflag:s10], $0x2710  }
0xef: {  	[sflag:s10] =	ssyncset.done $0x0  }
0xf0: {  	[sflag:s10] =	ssyncadd.s32 $0xFFFFD8F0  }
0xf1: {  	[tilespmem:s29], [sflag:$0x4] =	stream.indirect.gather [spmem:s31], $0x1, s26, s21, $0xb8;
	[tilespmem:$0x1E860] =	vst v63  }
0xf2: {  	_ = 	snop  }
0xf3: {  	[tilespmem:s0], [sflag:$0x4] =	stream.indirect.gather [spmem:s3], $0x1, s26, s21, $0xb8;
	[tilespmem:$0x1E860] =	vst v63  }
0xf4: {  	_ = 	snop  }
0xf5: {  	[tilespmem:s23], [sflag:$0x4] =	stream.indirect.gather [spmem:s5], $0x1, s26, s21, $0xb8;
	[tilespmem:$0x1E860] =	vst v63  }
0xf6: {  	_ = 	snop  }
0xf7: {  	[tilespmem:s4], [sflag:$0x4] =	stream.indirect.gather [spmem:s6], $0x1, s26, s21, $0xb8;
	[tilespmem:$0x1E860] =	vst v63  }
0xf8: {  	_ =	swait.ge [sflag:s11], $0x2710  }
0xf9: {  	[sflag:s11] =	ssyncset.done $0x0  }
0xfa: {  	[sflag:s11] =	ssyncadd.s32 $0xFFFFD8F0  }
0xfb: {  	_ =	swait.ge [sflag:s11], $0x2710  }
0xfc: {  	[sflag:s11] =	ssyncset.done $0x0  }
0xfd: {  	[sflag:s11] =	ssyncadd.s32 $0xFFFFD8F0  }
0xfe: {  	_ =	swait.ge [sflag:s11], $0x2710  }
0xff: {  	[sflag:s11] =	ssyncset.done $0x0  }
0x100: {  	[sflag:s11] =	ssyncadd.s32 $0xFFFFD8F0  }
0x101: {  	_ =	swait.ge [sflag:s11], $0x2710  }
0x102: {  	s13 =	sld [smem:$0x7C9]  }
0x103: {  	[sflag:s11] =	ssyncset.done $0x0  }
0x104: {  	s15 =	sld [smem:$0x7FC];
	[sflag:s11] =	ssyncadd.s32 $0xFFFFD8F0  }
0x105: {  	[hbm4b:s13+s1] =	stream.linear.scatter [tilespmem:s29], [sflag:$0x3], $0x2710, $0x38;
	[tilespmem:$0x1E860] =	vst v63  }
0x106: {  	s13 =	sld [smem:$0x7FD]  }
0x107: {  	[hbm4b:s15+s1] =	stream.linear.scatter [tilespmem:s0], [sflag:$0x3], $0x2710, $0x38;
	[tilespmem:$0x1E860] =	vst v63  }
0x108: {  	_ = 	snop  }
0x109: {  	[hbm4b:s13+s1] =	stream.linear.scatter [tilespmem:s23], [sflag:$0x3], $0x2710, $0x38;
	[tilespmem:$0x1E860] =	vst v63  }
0x10a: {  	_ = 	snop  }
0x10b: {  	[hbm4b:s16+s1] =	stream.linear.scatter [tilespmem:s4], [sflag:$0x3], $0x2710, $0x38;
	[tilespmem:$0x1E860] =	vst v63  }
0x10c: {  	_ =	swait.ge [sflag:s10], $0x2710  }
0x10d: {  	[sflag:s10] =	ssyncset.done $0x0  }
0x10e: {  	[sflag:s10] =	ssyncadd.s32 $0xFFFFD8F0  }
0x10f: {  	_ =	swait.ge [sflag:s10], $0x2710  }
0x110: {  	[sflag:s10] =	ssyncset.done $0x0  }
0x111: {  	[sflag:s10] =	ssyncadd.s32 $0xFFFFD8F0  }
0x112: {  	_ =	swait.ge [sflag:s10], $0x2710  }
0x113: {  	[sflag:s10] =	ssyncset.done $0x0  }
0x114: {  	[sflag:s10] =	ssyncadd.s32 $0xFFFFD8F0  }
0x115: {  	_ =	swait.ge [sflag:s10], $0x2710  }
0x116: {  	[sflag:s10] =	ssyncset.done $0x0  }
0x117: {  	[sflag:s10] =	ssyncadd.s32 $0xFFFFD8F0  }
0x118: {  	_ =	swait.ge [sflag:s28], $0x2710  }
0x119: {  	[sflag:s28] =	ssyncset.done $0x0  }
0x11a: {  	[sflag:s28] =	ssyncadd.s32 $0xFFFFD8F0  }
0x11b: {  	[tilespmem:s21], [sflag:$0x2] =	stream.indirect.gather [spmem:s31], $0x1, s1, s21, $0xb8;
	[tilespmem:$0x1E860] =	vst v63  }
0x11c: {  	_ = 	snop  }
0x11d: {  	[tilespmem:s22], [sflag:$0x2] =	stream.indirect.gather [spmem:s3], $0x1, s1, s21, $0xb8;
	[tilespmem:$0x1E860] =	vst v63  }
0x11e: {  	_ = 	snop  }
0x11f: {  	[tilespmem:s24], [sflag:$0x2] =	stream.indirect.gather [spmem:s5], $0x1, s1, s21, $0xb8;
	[tilespmem:$0x1E860] =	vst v63  }
0x120: {  	_ = 	snop  }
0x121: {  	[tilespmem:s25], [sflag:$0x2] =	stream.indirect.gather [spmem:s6], $0x1, s1, s21, $0xb8;
	[tilespmem:$0x1E860] =	vst v63  }
0x122: {  	_ =	swait.ge [sflag:s7], $0x2710  }
0x123: {  	[sflag:s7] =	ssyncset.done $0x0  }
0x124: {  	[sflag:s7] =	ssyncadd.s32 $0xFFFFD8F0  }
0x125: {  	_ =	swait.ge [sflag:s7], $0x2710  }
0x126: {  	[sflag:s7] =	ssyncset.done $0x0  }
0x127: {  	[sflag:s7] =	ssyncadd.s32 $0xFFFFD8F0  }
0x128: {  	_ =	swait.ge [sflag:s7], $0x2710  }
0x129: {  	[sflag:s7] =	ssyncset.done $0x0  }
0x12a: {  	[sflag:s7] =	ssyncadd.s32 $0xFFFFD8F0  }
0x12b: {  	_ =	swait.ge [sflag:s7], $0x2710  }
0x12c: {  	s15 =	sld [smem:$0x7CA]  }
0x12d: {  	[sflag:s7] =	ssyncset.done $0x0  }
0x12e: {  	[sflag:s7] =	ssyncadd.s32 $0xFFFFD8F0  }
0x12f: {  	[hbm4b:s15+s1] =	stream.linear.scatter [tilespmem:s21], [sflag:$0x1], $0x2710, $0x38;
	[tilespmem:$0x1E860] =	vst v63  }
0x130: {  	_ = 	snop  }
0x131: {  	[hbm4b:s17+s1] =	stream.linear.scatter [tilespmem:s22], [sflag:$0x1], $0x2710, $0x38;
	[tilespmem:$0x1E860] =	vst v63  }
0x132: {  	_ = 	snop  }
0x133: {  	[hbm4b:s19+s1] =	stream.linear.scatter [tilespmem:s24], [sflag:$0x1], $0x2710, $0x38;
	[tilespmem:$0x1E860] =	vst v63  }
0x134: {  	_ = 	snop  }
0x135: {  	[hbm4b:s20+s1] =	stream.linear.scatter [tilespmem:s25], [sflag:$0x1], $0x2710, $0x38;
	[tilespmem:$0x1E860] =	vst v63  }
0x136: {  	_ =	swait.ge [sflag:s28], $0x2710  }
0x137: {  	[sflag:s28] =	ssyncset.done $0x0  }
0x138: {  	[sflag:s28] =	ssyncadd.s32 $0xFFFFD8F0  }
0x139: {  	_ =	swait.ge [sflag:s28], $0x2710  }
0x13a: {  	[sflag:s28] =	ssyncset.done $0x0  }
0x13b: {  	s9 =	sadd.s32 $0xFFFFFFFF, s9;
	[sflag:s28] =	ssyncadd.s32 $0xFFFFD8F0  }
0x13c: {  	p5 =	sne.s32 s9, $0x0;
	_ =	swait.ge [sflag:s28], $0x2710  }
.Ltmp1:
0x13d: {  	[sflag:s28] =	ssyncset.done $0x0;
	(pc) =	sbr.rel @!p5 .LBB2_9-.Ltmp1, $4  }
0x13e: {  	[sflag:s28] =	ssyncadd.s32 $0xFFFFD8F0  }
0x13f: {  	_ =	swait.ge [sflag:s28], $0x2710  }
0x140: {  	[sflag:s28] =	ssyncset.done $0x0  }
0x141: {  	[sflag:s28] =	ssyncadd.s32 $0xFFFFD8F0  }
.LBB2_1:
0x142: {  	s8 =	sld [smem:$0x7CE];
	_ =	sdelay $0x2  }
0x143: {  	[spmem:s8], [sflag:s14] =	dma.local [hbm:s2], $0x30E  }
0x144: {  	s8 =	sld [smem:$0x7CF];
	_ =	sdelay $0x2  }
0x145: {  	[spmem:s8], [sflag:s14] =	dma.local [hbm:s2], $0x30E  }
0x146: {  	s8 =	sld [smem:$0x7D0];
	_ =	sdelay $0x2  }
0x147: {  	[spmem:s8], [sflag:s14] =	dma.local [hbm:s2], $0x30E  }
0x148: {  	s8 =	sld [smem:$0x7D1];
	_ =	sdelay $0x2  }
0x149: {  	[spmem:s8], [sflag:s14] =	dma.local [hbm:s2], $0x30E  }
0x14a: {  	_ =	swait.ge [sflag:s28], $0x30E  }
0x14b: {  	[sflag:s28] =	ssyncset.done $0x0  }
0x14c: {  	[sflag:s28] =	ssyncadd.s32 $0xFFFFFCF2  }
0x14d: {  	_ =	swait.ge [sflag:s28], $0x30E  }
0x14e: {  	[sflag:s28] =	ssyncset.done $0x0  }
0x14f: {  	[sflag:s28] =	ssyncadd.s32 $0xFFFFFCF2  }
0x150: {  	_ =	swait.ge [sflag:s28], $0x30E  }
0x151: {  	[sflag:s28] =	ssyncset.done $0x0  }
0x152: {  	[sflag:s28] =	ssyncadd.s32 $0xFFFFFCF2  }
0x153: {  	_ =	swait.ge [sflag:s28], $0x30E  }
0x154: {  	[sflag:s28] =	ssyncset.done $0x0  }
0x155: {  	[sflag:s28] =	ssyncadd.s32 $0xFFFFFCF2  }
0x156: {  	[bflag:$0x0] =	sbarrier.arrive $0xFFFF  }
0x157: {  	s15 =	rddreg [dreg:$0x16]  }
0x158: {  	[tilespmem:s1], [sflag:$0x1] =	stream.linear.gather [hbm4b:s15+s1], $0x2710, $0x38;
	[tilespmem:$0x1E860] =	vst v63  }
0x159: {  	s13 =	sld [smem:$0x7D3]  }
0x15a: {  	[tilespmem:s21], [sflag:$0x1] =	stream.linear.gather [hbm4b:s18+s1], $0x2710, $0x38;
	[tilespmem:$0x1E860] =	vst v63  }
0x15b: {  	s15 =	sld [smem:$0x7D4]  }
0x15c: {  	[tilespmem:s22], [sflag:$0x1] =	stream.linear.gather [hbm4b:s13+s1], $0x2710, $0x38;
	[tilespmem:$0x1E860] =	vst v63  }
0x15d: {  	s13 =	sld [smem:$0x7D5]  }
0x15e: {  	[tilespmem:s24], [sflag:$0x1] =	stream.linear.gather [hbm4b:s15+s1], $0x2710, $0x38;
	[tilespmem:$0x1E860] =	vst v63  }
0x15f: {  	s15 =	rddreg [dreg:$0x8]  }
0x160: {  	[tilespmem:s25], [sflag:$0x1] =	stream.linear.gather [hbm4b:s13+s1], $0x2710, $0x38;
	[tilespmem:$0x1E860] =	vst v63  }
0x161: {  	s13 =	rddreg [dreg:$0x9]  }
0x162: {  	[tilespmem:s26], [sflag:$0x3] =	stream.linear.gather [hbm4b:s15+s1], $0x2710, $0x38;
	[tilespmem:$0x1E860] =	vst v63  }
0x163: {  	s15 =	sld [smem:$0x7D6]  }
0x164: {  	[tilespmem:s29], [sflag:$0x3] =	stream.linear.gather [hbm4b:s13+s1], $0x2710, $0x38;
	[tilespmem:$0x1E860] =	vst v63  }
0x165: {  	s13 =	sld [smem:$0x7D7]  }
0x166: {  	[tilespmem:s0], [sflag:$0x3] =	stream.linear.gather [hbm4b:s15+s1], $0x2710, $0x38;
	[tilespmem:$0x1E860] =	vst v63  }
0x167: {  	s15 =	sld [smem:$0x7D8]  }
0x168: {  	[tilespmem:s23], [sflag:$0x3] =	stream.linear.gather [hbm4b:s13+s1], $0x2710, $0x38;
	[tilespmem:$0x1E860] =	vst v63  }
0x169: {  	_ = 	snop  }
0x16a: {  	[tilespmem:s4], [sflag:$0x3] =	stream.linear.gather [hbm4b:s15+s1], $0x2710, $0x38;
	[tilespmem:$0x1E860] =	vst v63  }
0x16b: {  	_ =	swait.ge [sflag:s28], $0x2710  }
0x16c: {  	[sflag:s28] =	ssyncset.done $0x0  }
0x16d: {  	[sflag:s28] =	ssyncadd.s32 $0xFFFFD8F0  }
0x16e: {  	_ =	swait.ge [sflag:s28], $0x2710  }
0x16f: {  	[sflag:s28] =	ssyncset.done $0x0  }
0x170: {  	[sflag:s28] =	ssyncadd.s32 $0xFFFFD8F0  }
0x171: {  	_ =	swait.ge [sflag:s28], $0x2710  }
0x172: {  	[sflag:s28] =	ssyncset.done $0x0  }
0x173: {  	[sflag:s28] =	ssyncadd.s32 $0xFFFFD8F0  }
0x174: {  	_ =	swait.ge [sflag:s28], $0x2710  }
0x175: {  	[sflag:s28] =	ssyncset.done $0x0  }
0x176: {  	[sflag:s28] =	ssyncadd.s32 $0xFFFFD8F0  }
0x177: {  	_ =	swait.ge [sflag:s28], $0x2710  }
0x178: {  	[sflag:s28] =	ssyncset.done $0x0  }
0x179: {  	[sflag:s28] =	ssyncadd.s32 $0xFFFFD8F0  }
0x17a: {  	[spmem:s31] =	stream.indirect.scatter.add.f32 [tilespmem:s21], [sflag:$0x2], $0x1, s1, s21, $0xb8;
	[tilespmem:$0x1E860] =	vst v63  }
0x17b: {  	_ = 	snop  }
0x17c: {  	[spmem:s3] =	stream.indirect.scatter.add.f32 [tilespmem:s22], [sflag:$0x2], $0x1, s1, s21, $0xb8;
	[tilespmem:$0x1E860] =	vst v63  }
0x17d: {  	_ = 	snop  }
0x17e: {  	[spmem:s5] =	stream.indirect.scatter.add.f32 [tilespmem:s24], [sflag:$0x2], $0x1, s1, s21, $0xb8;
	[tilespmem:$0x1E860] =	vst v63  }
0x17f: {  	_ = 	snop  }
0x180: {  	[spmem:s6] =	stream.indirect.scatter.add.f32 [tilespmem:s25], [sflag:$0x2], $0x1, s1, s21, $0xb8;
	[tilespmem:$0x1E860] =	vst v63  }
0x181: {  	_ =	swait.ge [sflag:s7], $0x2710  }
0x182: {  	[sflag:s7] =	ssyncset.done $0x0  }
0x183: {  	[sflag:s7] =	ssyncadd.s32 $0xFFFFD8F0  }
0x184: {  	_ =	swait.ge [sflag:s7], $0x2710  }
0x185: {  	[sflag:s7] =	ssyncset.done $0x0  }
0x186: {  	[sflag:s7] =	ssyncadd.s32 $0xFFFFD8F0  }
0x187: {  	_ =	swait.ge [sflag:s7], $0x2710  }
0x188: {  	[sflag:s7] =	ssyncset.done $0x0  }
0x189: {  	[sflag:s7] =	ssyncadd.s32 $0xFFFFD8F0  }
0x18a: {  	_ =	swait.ge [sflag:s7], $0x2710  }
0x18b: {  	[sflag:s7] =	ssyncset.done $0x0;
	s13 =	rddreg [dreg:$0xa]  }
0x18c: {  	s15 =	rddreg [dreg:$0xb];
	[sflag:s7] =	ssyncadd.s32 $0xFFFFD8F0  }
0x18d: {  	[tilespmem:s1], [sflag:$0x1] =	stream.linear.gather [hbm4b:s13+s1], $0x2710, $0x38;
	[tilespmem:$0x1E860] =	vst v63  }
0x18e: {  	s13 =	sld [smem:$0x7D9]  }
0x18f: {  	[tilespmem:s21], [sflag:$0x1] =	stream.linear.gather [hbm4b:s15+s1], $0x2710, $0x38;
	[tilespmem:$0x1E860] =	vst v63  }
0x190: {  	s15 =	sld [smem:$0x7DA]  }
0x191: {  	[tilespmem:s22], [sflag:$0x1] =	stream.linear.gather [hbm4b:s13+s1], $0x2710, $0x38;
	[tilespmem:$0x1E860] =	vst v63  }
0x192: {  	s13 =	sld [smem:$0x7DB]  }
0x193: {  	[tilespmem:s24], [sflag:$0x1] =	stream.linear.gather [hbm4b:s15+s1], $0x2710, $0x38;
	[tilespmem:$0x1E860] =	vst v63  }
0x194: {  	_ = 	snop  }
0x195: {  	[tilespmem:s25], [sflag:$0x1] =	stream.linear.gather [hbm4b:s13+s1], $0x2710, $0x38;
	[tilespmem:$0x1E860] =	vst v63  }
0x196: {  	_ =	swait.ge [sflag:s10], $0x2710  }
0x197: {  	[sflag:s10] =	ssyncset.done $0x0  }
0x198: {  	[sflag:s10] =	ssyncadd.s32 $0xFFFFD8F0  }
0x199: {  	_ =	swait.ge [sflag:s10], $0x2710  }
0x19a: {  	[sflag:s10] =	ssyncset.done $0x0  }
0x19b: {  	[sflag:s10] =	ssyncadd.s32 $0xFFFFD8F0  }
0x19c: {  	_ =	swait.ge [sflag:s10], $0x2710  }
0x19d: {  	[sflag:s10] =	ssyncset.done $0x0  }
0x19e: {  	[sflag:s10] =	ssyncadd.s32 $0xFFFFD8F0  }
0x19f: {  	_ =	swait.ge [sflag:s10], $0x2710  }
0x1a0: {  	[sflag:s10] =	ssyncset.done $0x0  }
0x1a1: {  	[sflag:s10] =	ssyncadd.s32 $0xFFFFD8F0  }
0x1a2: {  	_ =	swait.ge [sflag:s10], $0x2710  }
0x1a3: {  	[sflag:s10] =	ssyncset.done $0x0  }
0x1a4: {  	[sflag:s10] =	ssyncadd.s32 $0xFFFFD8F0  }
0x1a5: {  	[spmem:s31] =	stream.indirect.scatter.add.f32 [tilespmem:s29], [sflag:$0x4], $0x1, s26, s21, $0xb8;
	[tilespmem:$0x1E860] =	vst v63  }
0x1a6: {  	_ = 	snop  }
0x1a7: {  	[spmem:s3] =	stream.indirect.scatter.add.f32 [tilespmem:s0], [sflag:$0x4], $0x1, s26, s21, $0xb8;
	[tilespmem:$0x1E860] =	vst v63  }
0x1a8: {  	_ = 	snop  }
0x1a9: {  	[spmem:s5] =	stream.indirect.scatter.add.f32 [tilespmem:s23], [sflag:$0x4], $0x1, s26, s21, $0xb8;
	[tilespmem:$0x1E860] =	vst v63  }
0x1aa: {  	_ = 	snop  }
0x1ab: {  	[spmem:s6] =	stream.indirect.scatter.add.f32 [tilespmem:s4], [sflag:$0x4], $0x1, s26, s21, $0xb8;
	[tilespmem:$0x1E860] =	vst v63  }
0x1ac: {  	_ =	swait.ge [sflag:s11], $0x2710  }
0x1ad: {  	[sflag:s11] =	ssyncset.done $0x0  }
0x1ae: {  	[sflag:s11] =	ssyncadd.s32 $0xFFFFD8F0  }
0x1af: {  	_ =	swait.ge [sflag:s11], $0x2710  }
0x1b0: {  	[sflag:s11] =	ssyncset.done $0x0  }
0x1b1: {  	[sflag:s11] =	ssyncadd.s32 $0xFFFFD8F0  }
0x1b2: {  	_ =	swait.ge [sflag:s11], $0x2710  }
0x1b3: {  	[sflag:s11] =	ssyncset.done $0x0  }
0x1b4: {  	[sflag:s11] =	ssyncadd.s32 $0xFFFFD8F0  }
0x1b5: {  	_ =	swait.ge [sflag:s11], $0x2710  }
0x1b6: {  	[sflag:s11] =	ssyncset.done $0x0;
	s15 =	rddreg [dreg:$0xc]  }
0x1b7: {  	s13 =	rddreg [dreg:$0xd];
	[sflag:s11] =	ssyncadd.s32 $0xFFFFD8F0  }
0x1b8: {  	[tilespmem:s26], [sflag:$0x3] =	stream.linear.gather [hbm4b:s15+s1], $0x2710, $0x38;
	[tilespmem:$0x1E860] =	vst v63  }
0x1b9: {  	s15 =	sld [smem:$0x7DC]  }
0x1ba: {  	[tilespmem:s29], [sflag:$0x3] =	stream.linear.gather [hbm4b:s13+s1], $0x2710, $0x38;
	[tilespmem:$0x1E860] =	vst v63  }
0x1bb: {  	s13 =	sld [smem:$0x7DD]  }
0x1bc: {  	[tilespmem:s0], [sflag:$0x3] =	stream.linear.gather [hbm4b:s15+s1], $0x2710, $0x38;
	[tilespmem:$0x1E860] =	vst v63  }
0x1bd: {  	s15 =	sld [smem:$0x7DE]  }
0x1be: {  	[tilespmem:s23], [sflag:$0x3] =	stream.linear.gather [hbm4b:s13+s1], $0x2710, $0x38;
	[tilespmem:$0x1E860] =	vst v63  }
0x1bf: {  	_ = 	snop  }
0x1c0: {  	[tilespmem:s4], [sflag:$0x3] =	stream.linear.gather [hbm4b:s15+s1], $0x2710, $0x38;
	[tilespmem:$0x1E860] =	vst v63  }
0x1c1: {  	_ =	swait.ge [sflag:s28], $0x2710  }
0x1c2: {  	[sflag:s28] =	ssyncset.done $0x0  }
0x1c3: {  	[sflag:s28] =	ssyncadd.s32 $0xFFFFD8F0  }
0x1c4: {  	_ =	swait.ge [sflag:s28], $0x2710  }
0x1c5: {  	[sflag:s28] =	ssyncset.done $0x0  }
0x1c6: {  	[sflag:s28] =	ssyncadd.s32 $0xFFFFD8F0  }
0x1c7: {  	_ =	swait.ge [sflag:s28], $0x2710  }
0x1c8: {  	[sflag:s28] =	ssyncset.done $0x0  }
0x1c9: {  	[sflag:s28] =	ssyncadd.s32 $0xFFFFD8F0  }
0x1ca: {  	_ =	swait.ge [sflag:s28], $0x2710  }
0x1cb: {  	[sflag:s28] =	ssyncset.done $0x0  }
0x1cc: {  	[sflag:s28] =	ssyncadd.s32 $0xFFFFD8F0  }
0x1cd: {  	_ =	swait.ge [sflag:s28], $0x2710  }
0x1ce: {  	[sflag:s28] =	ssyncset.done $0x0  }
0x1cf: {  	[sflag:s28] =	ssyncadd.s32 $0xFFFFD8F0  }
0x1d0: {  	[spmem:s31] =	stream.indirect.scatter.add.f32 [tilespmem:s21], [sflag:$0x2], $0x1, s1, s21, $0xb8;
	[tilespmem:$0x1E860] =	vst v63  }
0x1d1: {  	_ = 	snop  }
0x1d2: {  	[spmem:s3] =	stream.indirect.scatter.add.f32 [tilespmem:s22], [sflag:$0x2], $0x1, s1, s21, $0xb8;
	[tilespmem:$0x1E860] =	vst v63  }
0x1d3: {  	_ = 	snop  }
0x1d4: {  	[spmem:s5] =	stream.indirect.scatter.add.f32 [tilespmem:s24], [sflag:$0x2], $0x1, s1, s21, $0xb8;
	[tilespmem:$0x1E860] =	vst v63  }
0x1d5: {  	_ = 	snop  }
0x1d6: {  	[spmem:s6] =	stream.indirect.scatter.add.f32 [tilespmem:s25], [sflag:$0x2], $0x1, s1, s21, $0xb8;
	[tilespmem:$0x1E860] =	vst v63  }
0x1d7: {  	_ =	swait.ge [sflag:s7], $0x2710  }
0x1d8: {  	[sflag:s7] =	ssyncset.done $0x0  }
0x1d9: {  	[sflag:s7] =	ssyncadd.s32 $0xFFFFD8F0  }
0x1da: {  	_ =	swait.ge [sflag:s7], $0x2710  }
0x1db: {  	[sflag:s7] =	ssyncset.done $0x0  }
0x1dc: {  	[sflag:s7] =	ssyncadd.s32 $0xFFFFD8F0  }
0x1dd: {  	_ =	swait.ge [sflag:s7], $0x2710  }
0x1de: {  	[sflag:s7] =	ssyncset.done $0x0  }
0x1df: {  	[sflag:s7] =	ssyncadd.s32 $0xFFFFD8F0  }
0x1e0: {  	_ =	swait.ge [sflag:s7], $0x2710  }
0x1e1: {  	[sflag:s7] =	ssyncset.done $0x0;
	s13 =	rddreg [dreg:$0xe]  }
0x1e2: {  	s15 =	rddreg [dreg:$0xf];
	[sflag:s7] =	ssyncadd.s32 $0xFFFFD8F0  }
0x1e3: {  	[tilespmem:s1], [sflag:$0x1] =	stream.linear.gather [hbm4b:s13+s1], $0x2710, $0x38;
	[tilespmem:$0x1E860] =	vst v63  }
0x1e4: {  	s13 =	sld [smem:$0x7DF]  }
0x1e5: {  	[tilespmem:s21], [sflag:$0x1] =	stream.linear.gather [hbm4b:s15+s1], $0x2710, $0x38;
	[tilespmem:$0x1E860] =	vst v63  }
0x1e6: {  	s15 =	sld [smem:$0x7E0]  }
0x1e7: {  	[tilespmem:s22], [sflag:$0x1] =	stream.linear.gather [hbm4b:s13+s1], $0x2710, $0x38;
	[tilespmem:$0x1E860] =	vst v63  }
0x1e8: {  	s13 =	sld [smem:$0x7E1]  }
0x1e9: {  	[tilespmem:s24], [sflag:$0x1] =	stream.linear.gather [hbm4b:s15+s1], $0x2710, $0x38;
	[tilespmem:$0x1E860] =	vst v63  }
0x1ea: {  	_ = 	snop  }
0x1eb: {  	[tilespmem:s25], [sflag:$0x1] =	stream.linear.gather [hbm4b:s13+s1], $0x2710, $0x38;
	[tilespmem:$0x1E860] =	vst v63  }
0x1ec: {  	_ =	swait.ge [sflag:s10], $0x2710  }
0x1ed: {  	[sflag:s10] =	ssyncset.done $0x0  }
0x1ee: {  	[sflag:s10] =	ssyncadd.s32 $0xFFFFD8F0  }
0x1ef: {  	_ =	swait.ge [sflag:s10], $0x2710  }
0x1f0: {  	[sflag:s10] =	ssyncset.done $0x0  }
0x1f1: {  	[sflag:s10] =	ssyncadd.s32 $0xFFFFD8F0  }
0x1f2: {  	_ =	swait.ge [sflag:s10], $0x2710  }
0x1f3: {  	[sflag:s10] =	ssyncset.done $0x0  }
0x1f4: {  	[sflag:s10] =	ssyncadd.s32 $0xFFFFD8F0  }
0x1f5: {  	_ =	swait.ge [sflag:s10], $0x2710  }
0x1f6: {  	[sflag:s10] =	ssyncset.done $0x0  }
0x1f7: {  	[sflag:s10] =	ssyncadd.s32 $0xFFFFD8F0  }
0x1f8: {  	_ =	swait.ge [sflag:s10], $0x2710  }
0x1f9: {  	[sflag:s10] =	ssyncset.done $0x0  }
0x1fa: {  	[sflag:s10] =	ssyncadd.s32 $0xFFFFD8F0  }
0x1fb: {  	[spmem:s31] =	stream.indirect.scatter.add.f32 [tilespmem:s29], [sflag:$0x4], $0x1, s26, s21, $0xb8;
	[tilespmem:$0x1E860] =	vst v63  }
0x1fc: {  	_ = 	snop  }
0x1fd: {  	[spmem:s3] =	stream.indirect.scatter.add.f32 [tilespmem:s0], [sflag:$0x4], $0x1, s26, s21, $0xb8;
	[tilespmem:$0x1E860] =	vst v63  }
0x1fe: {  	_ = 	snop  }
0x1ff: {  	[spmem:s5] =	stream.indirect.scatter.add.f32 [tilespmem:s23], [sflag:$0x4], $0x1, s26, s21, $0xb8;
	[tilespmem:$0x1E860] =	vst v63  }
0x200: {  	_ = 	snop  }
0x201: {  	[spmem:s6] =	stream.indirect.scatter.add.f32 [tilespmem:s4], [sflag:$0x4], $0x1, s26, s21, $0xb8;
	[tilespmem:$0x1E860] =	vst v63  }
0x202: {  	_ =	swait.ge [sflag:s11], $0x2710  }
0x203: {  	[sflag:s11] =	ssyncset.done $0x0  }
0x204: {  	[sflag:s11] =	ssyncadd.s32 $0xFFFFD8F0  }
0x205: {  	_ =	swait.ge [sflag:s11], $0x2710  }
0x206: {  	[sflag:s11] =	ssyncset.done $0x0  }
0x207: {  	[sflag:s11] =	ssyncadd.s32 $0xFFFFD8F0  }
0x208: {  	_ =	swait.ge [sflag:s11], $0x2710  }
0x209: {  	[sflag:s11] =	ssyncset.done $0x0  }
0x20a: {  	[sflag:s11] =	ssyncadd.s32 $0xFFFFD8F0  }
0x20b: {  	_ =	swait.ge [sflag:s11], $0x2710  }
0x20c: {  	[sflag:s11] =	ssyncset.done $0x0;
	s15 =	rddreg [dreg:$0x10]  }
0x20d: {  	s13 =	rddreg [dreg:$0x11];
	[sflag:s11] =	ssyncadd.s32 $0xFFFFD8F0  }
0x20e: {  	[tilespmem:s26], [sflag:$0x3] =	stream.linear.gather [hbm4b:s15+s1], $0x2710, $0x38;
	[tilespmem:$0x1E860] =	vst v63  }
0x20f: {  	s15 =	sld [smem:$0x7E2]  }
0x210: {  	[tilespmem:s29], [sflag:$0x3] =	stream.linear.gather [hbm4b:s13+s1], $0x2710, $0x38;
	[tilespmem:$0x1E860] =	vst v63  }
0x211: {  	s13 =	sld [smem:$0x7E3]  }
0x212: {  	[tilespmem:s0], [sflag:$0x3] =	stream.linear.gather [hbm4b:s15+s1], $0x2710, $0x38;
	[tilespmem:$0x1E860] =	vst v63  }
0x213: {  	s15 =	sld [smem:$0x7E4]  }
0x214: {  	[tilespmem:s23], [sflag:$0x3] =	stream.linear.gather [hbm4b:s13+s1], $0x2710, $0x38;
	[tilespmem:$0x1E860] =	vst v63  }
0x215: {  	_ = 	snop  }
0x216: {  	[tilespmem:s4], [sflag:$0x3] =	stream.linear.gather [hbm4b:s15+s1], $0x2710, $0x38;
	[tilespmem:$0x1E860] =	vst v63  }
0x217: {  	_ =	swait.ge [sflag:s28], $0x2710  }
0x218: {  	[sflag:s28] =	ssyncset.done $0x0  }
0x219: {  	[sflag:s28] =	ssyncadd.s32 $0xFFFFD8F0  }
0x21a: {  	_ =	swait.ge [sflag:s28], $0x2710  }
0x21b: {  	[sflag:s28] =	ssyncset.done $0x0  }
0x21c: {  	[sflag:s28] =	ssyncadd.s32 $0xFFFFD8F0  }
0x21d: {  	_ =	swait.ge [sflag:s28], $0x2710  }
0x21e: {  	[sflag:s28] =	ssyncset.done $0x0  }
0x21f: {  	[sflag:s28] =	ssyncadd.s32 $0xFFFFD8F0  }
0x220: {  	_ =	swait.ge [sflag:s28], $0x2710  }
0x221: {  	[sflag:s28] =	ssyncset.done $0x0  }
0x222: {  	[sflag:s28] =	ssyncadd.s32 $0xFFFFD8F0  }
0x223: {  	_ =	swait.ge [sflag:s28], $0x2710  }
0x224: {  	[sflag:s28] =	ssyncset.done $0x0  }
0x225: {  	[sflag:s28] =	ssyncadd.s32 $0xFFFFD8F0  }
0x226: {  	[spmem:s31] =	stream.indirect.scatter.add.f32 [tilespmem:s21], [sflag:$0x2], $0x1, s1, s21, $0xb8;
	[tilespmem:$0x1E860] =	vst v63  }
0x227: {  	_ = 	snop  }
0x228: {  	[spmem:s3] =	stream.indirect.scatter.add.f32 [tilespmem:s22], [sflag:$0x2], $0x1, s1, s21, $0xb8;
	[tilespmem:$0x1E860] =	vst v63  }
0x229: {  	_ = 	snop  }
0x22a: {  	[spmem:s5] =	stream.indirect.scatter.add.f32 [tilespmem:s24], [sflag:$0x2], $0x1, s1, s21, $0xb8;
	[tilespmem:$0x1E860] =	vst v63  }
0x22b: {  	_ = 	snop  }
0x22c: {  	[spmem:s6] =	stream.indirect.scatter.add.f32 [tilespmem:s25], [sflag:$0x2], $0x1, s1, s21, $0xb8;
	[tilespmem:$0x1E860] =	vst v63  }
0x22d: {  	_ =	swait.ge [sflag:s7], $0x2710  }
0x22e: {  	[sflag:s7] =	ssyncset.done $0x0  }
0x22f: {  	[sflag:s7] =	ssyncadd.s32 $0xFFFFD8F0  }
0x230: {  	_ =	swait.ge [sflag:s7], $0x2710  }
0x231: {  	[sflag:s7] =	ssyncset.done $0x0  }
0x232: {  	[sflag:s7] =	ssyncadd.s32 $0xFFFFD8F0  }
0x233: {  	_ =	swait.ge [sflag:s7], $0x2710  }
0x234: {  	[sflag:s7] =	ssyncset.done $0x0  }
0x235: {  	[sflag:s7] =	ssyncadd.s32 $0xFFFFD8F0  }
0x236: {  	_ =	swait.ge [sflag:s7], $0x2710  }
0x237: {  	[sflag:s7] =	ssyncset.done $0x0;
	s13 =	rddreg [dreg:$0x12]  }
0x238: {  	s15 =	rddreg [dreg:$0x13];
	[sflag:s7] =	ssyncadd.s32 $0xFFFFD8F0  }
0x239: {  	[tilespmem:s1], [sflag:$0x1] =	stream.linear.gather [hbm4b:s13+s1], $0x2710, $0x38;
	[tilespmem:$0x1E860] =	vst v63  }
0x23a: {  	s13 =	sld [smem:$0x7E5]  }
0x23b: {  	[tilespmem:s21], [sflag:$0x1] =	stream.linear.gather [hbm4b:s15+s1], $0x2710, $0x38;
	[tilespmem:$0x1E860] =	vst v63  }
0x23c: {  	s15 =	sld [smem:$0x7E6]  }
0x23d: {  	[tilespmem:s22], [sflag:$0x1] =	stream.linear.gather [hbm4b:s13+s1], $0x2710, $0x38;
	[tilespmem:$0x1E860] =	vst v63  }
0x23e: {  	s13 =	sld [smem:$0x7E7]  }
0x23f: {  	[tilespmem:s24], [sflag:$0x1] =	stream.linear.gather [hbm4b:s15+s1], $0x2710, $0x38;
	[tilespmem:$0x1E860] =	vst v63  }
0x240: {  	_ = 	snop  }
0x241: {  	[tilespmem:s25], [sflag:$0x1] =	stream.linear.gather [hbm4b:s13+s1], $0x2710, $0x38;
	[tilespmem:$0x1E860] =	vst v63  }
0x242: {  	_ =	swait.ge [sflag:s10], $0x2710  }
0x243: {  	[sflag:s10] =	ssyncset.done $0x0  }
0x244: {  	[sflag:s10] =	ssyncadd.s32 $0xFFFFD8F0  }
0x245: {  	_ =	swait.ge [sflag:s10], $0x2710  }
0x246: {  	[sflag:s10] =	ssyncset.done $0x0  }
0x247: {  	[sflag:s10] =	ssyncadd.s32 $0xFFFFD8F0  }
0x248: {  	_ =	swait.ge [sflag:s10], $0x2710  }
0x249: {  	[sflag:s10] =	ssyncset.done $0x0  }
0x24a: {  	[sflag:s10] =	ssyncadd.s32 $0xFFFFD8F0  }
0x24b: {  	_ =	swait.ge [sflag:s10], $0x2710  }
0x24c: {  	[sflag:s10] =	ssyncset.done $0x0  }
0x24d: {  	[sflag:s10] =	ssyncadd.s32 $0xFFFFD8F0  }
0x24e: {  	_ =	swait.ge [sflag:s10], $0x2710  }
0x24f: {  	[sflag:s10] =	ssyncset.done $0x0  }
0x250: {  	[sflag:s10] =	ssyncadd.s32 $0xFFFFD8F0  }
0x251: {  	[spmem:s31] =	stream.indirect.scatter.add.f32 [tilespmem:s29], [sflag:$0x4], $0x1, s26, s21, $0xb8;
	[tilespmem:$0x1E860] =	vst v63  }
0x252: {  	_ = 	snop  }
0x253: {  	[spmem:s3] =	stream.indirect.scatter.add.f32 [tilespmem:s0], [sflag:$0x4], $0x1, s26, s21, $0xb8;
	[tilespmem:$0x1E860] =	vst v63  }
0x254: {  	_ = 	snop  }
0x255: {  	[spmem:s5] =	stream.indirect.scatter.add.f32 [tilespmem:s23], [sflag:$0x4], $0x1, s26, s21, $0xb8;
	[tilespmem:$0x1E860] =	vst v63  }
0x256: {  	_ = 	snop  }
0x257: {  	[spmem:s6] =	stream.indirect.scatter.add.f32 [tilespmem:s4], [sflag:$0x4], $0x1, s26, s21, $0xb8;
	[tilespmem:$0x1E860] =	vst v63  }
0x258: {  	_ =	swait.ge [sflag:s11], $0x2710  }
0x259: {  	[sflag:s11] =	ssyncset.done $0x0  }
0x25a: {  	[sflag:s11] =	ssyncadd.s32 $0xFFFFD8F0  }
0x25b: {  	_ =	swait.ge [sflag:s11], $0x2710  }
0x25c: {  	[sflag:s11] =	ssyncset.done $0x0  }
0x25d: {  	[sflag:s11] =	ssyncadd.s32 $0xFFFFD8F0  }
0x25e: {  	_ =	swait.ge [sflag:s11], $0x2710  }
0x25f: {  	[sflag:s11] =	ssyncset.done $0x0  }
0x260: {  	[sflag:s11] =	ssyncadd.s32 $0xFFFFD8F0  }
0x261: {  	_ =	swait.ge [sflag:s11], $0x2710  }
0x262: {  	[sflag:s11] =	ssyncset.done $0x0;
	s15 =	rddreg [dreg:$0x14]  }
0x263: {  	s13 =	rddreg [dreg:$0x15];
	[sflag:s11] =	ssyncadd.s32 $0xFFFFD8F0  }
0x264: {  	[tilespmem:s26], [sflag:$0x3] =	stream.linear.gather [hbm4b:s15+s1], $0x2710, $0x38;
	[tilespmem:$0x1E860] =	vst v63  }
0x265: {  	s15 =	sld [smem:$0x7E8]  }
0x266: {  	[tilespmem:s29], [sflag:$0x3] =	stream.linear.gather [hbm4b:s13+s1], $0x2710, $0x38;
	[tilespmem:$0x1E860] =	vst v63  }
0x267: {  	s13 =	sld [smem:$0x7E9]  }
0x268: {  	[tilespmem:s0], [sflag:$0x3] =	stream.linear.gather [hbm4b:s15+s1], $0x2710, $0x38;
	[tilespmem:$0x1E860] =	vst v63  }
0x269: {  	s15 =	sld [smem:$0x7EA]  }
0x26a: {  	[tilespmem:s23], [sflag:$0x3] =	stream.linear.gather [hbm4b:s13+s1], $0x2710, $0x38;
	[tilespmem:$0x1E860] =	vst v63  }
0x26b: {  	_ = 	snop  }
0x26c: {  	[tilespmem:s4], [sflag:$0x3] =	stream.linear.gather [hbm4b:s15+s1], $0x2710, $0x38;
	[tilespmem:$0x1E860] =	vst v63  }
0x26d: {  	_ =	swait.ge [sflag:s28], $0x2710  }
0x26e: {  	[sflag:s28] =	ssyncset.done $0x0  }
0x26f: {  	[sflag:s28] =	ssyncadd.s32 $0xFFFFD8F0  }
0x270: {  	_ =	swait.ge [sflag:s28], $0x2710  }
0x271: {  	[sflag:s28] =	ssyncset.done $0x0  }
0x272: {  	[sflag:s28] =	ssyncadd.s32 $0xFFFFD8F0  }
0x273: {  	_ =	swait.ge [sflag:s28], $0x2710  }
0x274: {  	[sflag:s28] =	ssyncset.done $0x0  }
0x275: {  	[sflag:s28] =	ssyncadd.s32 $0xFFFFD8F0  }
0x276: {  	_ =	swait.ge [sflag:s28], $0x2710  }
0x277: {  	[sflag:s28] =	ssyncset.done $0x0  }
0x278: {  	[sflag:s28] =	ssyncadd.s32 $0xFFFFD8F0  }
0x279: {  	_ =	swait.ge [sflag:s28], $0x2710  }
0x27a: {  	[sflag:s28] =	ssyncset.done $0x0  }
0x27b: {  	[sflag:s28] =	ssyncadd.s32 $0xFFFFD8F0  }
0x27c: {  	[spmem:s31] =	stream.indirect.scatter.add.f32 [tilespmem:s21], [sflag:$0x2], $0x1, s1, s21, $0xb8;
	[tilespmem:$0x1E860] =	vst v63  }
0x27d: {  	_ = 	snop  }
0x27e: {  	[spmem:s3] =	stream.indirect.scatter.add.f32 [tilespmem:s22], [sflag:$0x2], $0x1, s1, s21, $0xb8;
	[tilespmem:$0x1E860] =	vst v63  }
0x27f: {  	_ = 	snop  }
0x280: {  	[spmem:s5] =	stream.indirect.scatter.add.f32 [tilespmem:s24], [sflag:$0x2], $0x1, s1, s21, $0xb8;
	[tilespmem:$0x1E860] =	vst v63  }
0x281: {  	_ = 	snop  }
0x282: {  	[spmem:s6] =	stream.indirect.scatter.add.f32 [tilespmem:s25], [sflag:$0x2], $0x1, s1, s21, $0xb8;
	[tilespmem:$0x1E860] =	vst v63  }
0x283: {  	_ =	swait.ge [sflag:s7], $0x2710  }
0x284: {  	[sflag:s7] =	ssyncset.done $0x0  }
0x285: {  	[sflag:s7] =	ssyncadd.s32 $0xFFFFD8F0  }
0x286: {  	_ =	swait.ge [sflag:s7], $0x2710  }
0x287: {  	[sflag:s7] =	ssyncset.done $0x0  }
0x288: {  	[sflag:s7] =	ssyncadd.s32 $0xFFFFD8F0  }
0x289: {  	_ =	swait.ge [sflag:s7], $0x2710  }
0x28a: {  	[sflag:s7] =	ssyncset.done $0x0  }
0x28b: {  	[sflag:s7] =	ssyncadd.s32 $0xFFFFD8F0  }
0x28c: {  	_ =	swait.ge [sflag:s7], $0x2710  }
0x28d: {  	[sflag:s7] =	ssyncset.done $0x0;
	s13 =	rddreg [dreg:$0x17]  }
0x28e: {  	s15 =	rddreg [dreg:$0x18];
	[sflag:s7] =	ssyncadd.s32 $0xFFFFD8F0  }
0x28f: {  	[tilespmem:s1], [sflag:$0x1] =	stream.linear.gather [hbm4b:s13+s1], $0x2710, $0x38;
	[tilespmem:$0x1E860] =	vst v63  }
0x290: {  	s13 =	sld [smem:$0x7EB]  }
0x291: {  	[tilespmem:s21], [sflag:$0x1] =	stream.linear.gather [hbm4b:s15+s1], $0x2710, $0x38;
	[tilespmem:$0x1E860] =	vst v63  }
0x292: {  	s15 =	sld [smem:$0x7EC]  }
0x293: {  	[tilespmem:s22], [sflag:$0x1] =	stream.linear.gather [hbm4b:s13+s1], $0x2710, $0x38;
	[tilespmem:$0x1E860] =	vst v63  }
0x294: {  	s13 =	sld [smem:$0x7ED]  }
0x295: {  	[tilespmem:s24], [sflag:$0x1] =	stream.linear.gather [hbm4b:s15+s1], $0x2710, $0x38;
	[tilespmem:$0x1E860] =	vst v63  }
0x296: {  	_ = 	snop  }
0x297: {  	[tilespmem:s25], [sflag:$0x1] =	stream.linear.gather [hbm4b:s13+s1], $0x2710, $0x38;
	[tilespmem:$0x1E860] =	vst v63  }
0x298: {  	_ =	swait.ge [sflag:s10], $0x2710  }
0x299: {  	[sflag:s10] =	ssyncset.done $0x0  }
0x29a: {  	[sflag:s10] =	ssyncadd.s32 $0xFFFFD8F0  }
0x29b: {  	_ =	swait.ge [sflag:s10], $0x2710  }
0x29c: {  	[sflag:s10] =	ssyncset.done $0x0  }
0x29d: {  	[sflag:s10] =	ssyncadd.s32 $0xFFFFD8F0  }
0x29e: {  	_ =	swait.ge [sflag:s10], $0x2710  }
0x29f: {  	[sflag:s10] =	ssyncset.done $0x0  }
0x2a0: {  	[sflag:s10] =	ssyncadd.s32 $0xFFFFD8F0  }
0x2a1: {  	_ =	swait.ge [sflag:s10], $0x2710  }
0x2a2: {  	[sflag:s10] =	ssyncset.done $0x0  }
0x2a3: {  	[sflag:s10] =	ssyncadd.s32 $0xFFFFD8F0  }
0x2a4: {  	_ =	swait.ge [sflag:s10], $0x2710  }
0x2a5: {  	[sflag:s10] =	ssyncset.done $0x0  }
0x2a6: {  	[sflag:s10] =	ssyncadd.s32 $0xFFFFD8F0  }
0x2a7: {  	[spmem:s31] =	stream.indirect.scatter.add.f32 [tilespmem:s29], [sflag:$0x4], $0x1, s26, s21, $0xb8;
	[tilespmem:$0x1E860] =	vst v63  }
0x2a8: {  	_ = 	snop  }
0x2a9: {  	[spmem:s3] =	stream.indirect.scatter.add.f32 [tilespmem:s0], [sflag:$0x4], $0x1, s26, s21, $0xb8;
	[tilespmem:$0x1E860] =	vst v63  }
0x2aa: {  	_ = 	snop  }
0x2ab: {  	[spmem:s5] =	stream.indirect.scatter.add.f32 [tilespmem:s23], [sflag:$0x4], $0x1, s26, s21, $0xb8;
	[tilespmem:$0x1E860] =	vst v63  }
0x2ac: {  	_ = 	snop  }
0x2ad: {  	[spmem:s6] =	stream.indirect.scatter.add.f32 [tilespmem:s4], [sflag:$0x4], $0x1, s26, s21, $0xb8;
	[tilespmem:$0x1E860] =	vst v63  }
0x2ae: {  	_ =	swait.ge [sflag:s11], $0x2710  }
0x2af: {  	[sflag:s11] =	ssyncset.done $0x0  }
0x2b0: {  	[sflag:s11] =	ssyncadd.s32 $0xFFFFD8F0  }
0x2b1: {  	_ =	swait.ge [sflag:s11], $0x2710  }
0x2b2: {  	[sflag:s11] =	ssyncset.done $0x0  }
0x2b3: {  	[sflag:s11] =	ssyncadd.s32 $0xFFFFD8F0  }
0x2b4: {  	_ =	swait.ge [sflag:s11], $0x2710  }
0x2b5: {  	[sflag:s11] =	ssyncset.done $0x0  }
0x2b6: {  	[sflag:s11] =	ssyncadd.s32 $0xFFFFD8F0  }
0x2b7: {  	_ =	swait.ge [sflag:s11], $0x2710  }
0x2b8: {  	[sflag:s11] =	ssyncset.done $0x0;
	s15 =	rddreg [dreg:$0x1a]  }
0x2b9: {  	s13 =	rddreg [dreg:$0x19];
	[sflag:s11] =	ssyncadd.s32 $0xFFFFD8F0  }
0x2ba: {  	[tilespmem:s26], [sflag:$0x3] =	stream.linear.gather [hbm4b:s15+s1], $0x2710, $0x38;
	[tilespmem:$0x1E860] =	vst v63  }
0x2bb: {  	s15 =	sld [smem:$0x7EE]  }
0x2bc: {  	[tilespmem:s29], [sflag:$0x3] =	stream.linear.gather [hbm4b:s13+s1], $0x2710, $0x38;
	[tilespmem:$0x1E860] =	vst v63  }
0x2bd: {  	s13 =	sld [smem:$0x7EF]  }
0x2be: {  	[tilespmem:s0], [sflag:$0x3] =	stream.linear.gather [hbm4b:s15+s1], $0x2710, $0x38;
	[tilespmem:$0x1E860] =	vst v63  }
0x2bf: {  	s15 =	sld [smem:$0x7F0]  }
0x2c0: {  	[tilespmem:s23], [sflag:$0x3] =	stream.linear.gather [hbm4b:s13+s1], $0x2710, $0x38;
	[tilespmem:$0x1E860] =	vst v63  }
0x2c1: {  	_ = 	snop  }
0x2c2: {  	[tilespmem:s4], [sflag:$0x3] =	stream.linear.gather [hbm4b:s15+s1], $0x2710, $0x38;
	[tilespmem:$0x1E860] =	vst v63  }
0x2c3: {  	_ =	swait.ge [sflag:s28], $0x2710  }
0x2c4: {  	[sflag:s28] =	ssyncset.done $0x0  }
0x2c5: {  	[sflag:s28] =	ssyncadd.s32 $0xFFFFD8F0  }
0x2c6: {  	_ =	swait.ge [sflag:s28], $0x2710  }
0x2c7: {  	[sflag:s28] =	ssyncset.done $0x0  }
0x2c8: {  	[sflag:s28] =	ssyncadd.s32 $0xFFFFD8F0  }
0x2c9: {  	_ =	swait.ge [sflag:s28], $0x2710  }
0x2ca: {  	[sflag:s28] =	ssyncset.done $0x0  }
0x2cb: {  	[sflag:s28] =	ssyncadd.s32 $0xFFFFD8F0  }
0x2cc: {  	_ =	swait.ge [sflag:s28], $0x2710  }
0x2cd: {  	[sflag:s28] =	ssyncset.done $0x0  }
0x2ce: {  	[sflag:s28] =	ssyncadd.s32 $0xFFFFD8F0  }
0x2cf: {  	_ =	swait.ge [sflag:s28], $0x2710  }
0x2d0: {  	[sflag:s28] =	ssyncset.done $0x0  }
0x2d1: {  	[sflag:s28] =	ssyncadd.s32 $0xFFFFD8F0  }
0x2d2: {  	[spmem:s31] =	stream.indirect.scatter.add.f32 [tilespmem:s21], [sflag:$0x2], $0x1, s1, s21, $0xb8;
	[tilespmem:$0x1E860] =	vst v63  }
0x2d3: {  	_ = 	snop  }
0x2d4: {  	[spmem:s3] =	stream.indirect.scatter.add.f32 [tilespmem:s22], [sflag:$0x2], $0x1, s1, s21, $0xb8;
	[tilespmem:$0x1E860] =	vst v63  }
0x2d5: {  	_ = 	snop  }
0x2d6: {  	[spmem:s5] =	stream.indirect.scatter.add.f32 [tilespmem:s24], [sflag:$0x2], $0x1, s1, s21, $0xb8;
	[tilespmem:$0x1E860] =	vst v63  }
0x2d7: {  	_ = 	snop  }
0x2d8: {  	[spmem:s6] =	stream.indirect.scatter.add.f32 [tilespmem:s25], [sflag:$0x2], $0x1, s1, s21, $0xb8;
	[tilespmem:$0x1E860] =	vst v63  }
0x2d9: {  	_ =	swait.ge [sflag:s7], $0x2710  }
0x2da: {  	[sflag:s7] =	ssyncset.done $0x0  }
0x2db: {  	[sflag:s7] =	ssyncadd.s32 $0xFFFFD8F0  }
0x2dc: {  	_ =	swait.ge [sflag:s7], $0x2710  }
0x2dd: {  	[sflag:s7] =	ssyncset.done $0x0  }
0x2de: {  	[sflag:s7] =	ssyncadd.s32 $0xFFFFD8F0  }
0x2df: {  	_ =	swait.ge [sflag:s7], $0x2710  }
0x2e0: {  	[sflag:s7] =	ssyncset.done $0x0  }
0x2e1: {  	[sflag:s7] =	ssyncadd.s32 $0xFFFFD8F0  }
0x2e2: {  	_ =	swait.ge [sflag:s7], $0x2710  }
0x2e3: {  	[sflag:s7] =	ssyncset.done $0x0  }
0x2e4: {  	[sflag:s7] =	ssyncadd.s32 $0xFFFFD8F0  }
0x2e5: {  	_ =	swait.ge [sflag:s10], $0x2710  }
0x2e6: {  	[sflag:s10] =	ssyncset.done $0x0  }
0x2e7: {  	[sflag:s10] =	ssyncadd.s32 $0xFFFFD8F0  }
0x2e8: {  	_ =	swait.ge [sflag:s10], $0x2710  }
0x2e9: {  	[sflag:s10] =	ssyncset.done $0x0  }
0x2ea: {  	[sflag:s10] =	ssyncadd.s32 $0xFFFFD8F0  }
0x2eb: {  	_ =	swait.ge [sflag:s10], $0x2710  }
0x2ec: {  	[sflag:s10] =	ssyncset.done $0x0  }
0x2ed: {  	[sflag:s10] =	ssyncadd.s32 $0xFFFFD8F0  }
0x2ee: {  	_ =	swait.ge [sflag:s10], $0x2710  }
0x2ef: {  	[sflag:s10] =	ssyncset.done $0x0  }
0x2f0: {  	[sflag:s10] =	ssyncadd.s32 $0xFFFFD8F0  }
0x2f1: {  	_ =	swait.ge [sflag:s10], $0x2710  }
0x2f2: {  	[sflag:s10] =	ssyncset.done $0x0  }
0x2f3: {  	[sflag:s10] =	ssyncadd.s32 $0xFFFFD8F0  }
0x2f4: {  	[spmem:s31] =	stream.indirect.scatter.add.f32 [tilespmem:s29], [sflag:$0x4], $0x1, s26, s21, $0xb8;
	[tilespmem:$0x1E860] =	vst v63  }
0x2f5: {  	_ = 	snop  }
0x2f6: {  	[spmem:s3] =	stream.indirect.scatter.add.f32 [tilespmem:s0], [sflag:$0x4], $0x1, s26, s21, $0xb8;
	[tilespmem:$0x1E860] =	vst v63  }
0x2f7: {  	_ = 	snop  }
0x2f8: {  	[spmem:s5] =	stream.indirect.scatter.add.f32 [tilespmem:s23], [sflag:$0x4], $0x1, s26, s21, $0xb8;
	[tilespmem:$0x1E860] =	vst v63  }
0x2f9: {  	_ = 	snop  }
0x2fa: {  	[spmem:s6] =	stream.indirect.scatter.add.f32 [tilespmem:s4], [sflag:$0x4], $0x1, s26, s21, $0xb8;
	[tilespmem:$0x1E860] =	vst v63  }
0x2fb: {  	_ =	swait.ge [sflag:s11], $0x2710  }
0x2fc: {  	[sflag:s11] =	ssyncset.done $0x0  }
0x2fd: {  	[sflag:s11] =	ssyncadd.s32 $0xFFFFD8F0  }
0x2fe: {  	_ =	swait.ge [sflag:s11], $0x2710  }
0x2ff: {  	[sflag:s11] =	ssyncset.done $0x0  }
0x300: {  	[sflag:s11] =	ssyncadd.s32 $0xFFFFD8F0  }
0x301: {  	_ =	swait.ge [sflag:s11], $0x2710  }
0x302: {  	[sflag:s11] =	ssyncset.done $0x0  }
0x303: {  	[sflag:s11] =	ssyncadd.s32 $0xFFFFD8F0  }
.Ltmp2:
0x304: {  	_ =	swait.ge [sflag:s11], $0x2710;
	(pc) =	sbr.rel @p1 .LBB2_4-.Ltmp2, $3  }
0x305: {  	[sflag:s11] =	ssyncset.done $0x0  }
0x306: {  	[sflag:s11] =	ssyncadd.s32 $0xFFFFD8F0  }
0x307: {  	[bflag:$0x0] =	sbarrier.arrive $0xFFFF;
	_ =	sdelay $0x1  }
.Ltmp3:
0x308: {  	(pc) =	sbr.rel @!p4 .LBB2_8-.Ltmp3, $1  }
0x309: {  	_ =	sdelay $0x3  }
.Ltmp4:
0x30a: {  	(pc) =	sbr.rel .LBB2_7-.Ltmp4, $3  }
0x30b: {  	s13 =	sld [smem:$0x7CD];
	_ =	sdelay $0x1  }
0x30c: {  	s8 =	rddreg [dreg:$0x1b]  }
0x30d: {  	s13 =	smov.u32 @p0 s8;
	s8 =	sld [smem:$0x7CB]  }
.LBB2_4:
.Ltmp5:
0x30e: {  	(pc) =	sbr.rel @p2 .LBB2_7-.Ltmp5, $3  }
0x30f: {  	_ =	sdelay $0x1  }
0x310: {  	s13 =	sld [smem:$0x7CD]  }
0x311: {  	s8 =	sld [smem:$0x7F2]  }
.Ltmp6:
0x312: {  	(pc) =	sbr.rel @!p3 .LBB2_8-.Ltmp6, $1  }
0x313: {  	_ =	sdelay $0x3  }
.Ltmp7:
0x314: {  	(pc) =	sbr.rel .LBB2_7-.Ltmp7, $3  }
0x315: {  	_ =	sdelay $0x1  }
0x316: {  	s13 =	sld [smem:$0x7CD]  }
0x317: {  	s8 =	sld [smem:$0x7F1]  }
.LBB2_9:
0x318: {  	_ =	sfence.sel $0x180000  }
0x319: {  	[bflag:$0x0] =	sbarrier.arrive $0xFFFF  }
0x31a: {  	_ =	strace $0x90000047  }
0x31b: {  	s0 =	stileid.u32;
	[bflag:$0x2] =	sbarrier.arrive $0xFFFF  }
0x31c: {  	p0 =	sne.s32 s0, $0x0;
	s0 =	rddreg [dreg:$0x7]  }
0x31d: {  	s0 =	sadd.s32 @!p0 $0x100000, s0  }
0x31e: {  	[sflag:s0] =	ssyncadd.tile.s32 @!p0 $0x1;
	_ =	shalt  }
.Lfunc_end2:
_tile_overlayer_lowered:
.L_overlay_start_2:
0x31f: {  	(tag) =	ssettag $0x2  }
0x320: {  	s0 =	rddreg [dreg:$0x0];
	s2 =	stileid.u32  }
0x321: {  	s1 =	rddreg [dreg:$0x1];
	p0 =	sne.s32 s2, $0x0  }
0x322: {  	s3 =	rddreg [dreg:$0x2];
	[bflag:$0x3] =	sbarrier.arrive $0xFFFF;
	s2 =	simm.s32 @!p0 $0x1C05  }
0x323: {  	[timem:s3], [sflag:s2] =	dma.local @!p0 [hbm:s0], s1  }
0x324: {  	s0 =	simm.s32 @!p0 $0x5  }
0x325: {  	_ =	swait.ge @!p0 [sflag:s0], s1  }
0x326: {  	s1 =	ssub.s32 @!p0 $0x0, s1;
	[sflag:s0] =	ssyncset.done @!p0 $0x0  }
0x327: {  	[sflag:s0] =	ssyncadd.s32 @!p0 s1  }
0x328: {  	[bflag:$0x3] =	sbarrier.arrive $0xFFFF  }
0x329: {  	_ =	shalt  }

</sc_bundles>
